<compile_context>
chip_gen: v7x
topology: tpu7x:2x2x1
jax: 0.10.2.dev20260603
libtpu: 0.0.44.dev20260713+nightly
codegen_flags: <defaults>
</compile_context>

<pallas_src>
import functools

import jax
import jax.numpy as jnp
from jax import lax
from jax.experimental import pallas as pl
from jax.experimental.pallas import tpu as pltpu
from jax.experimental.pallas import tpu_sc as plsc

_B, _D, _H, _W, _K = 4, 16, 512, 512, 8
_DELTA_VAR = 1.0
_DELTA_DIST = 2.0
_SQRT_D = 4.0

_NW = 32
_RPW = _H // _NW
_CR = 4
_NCH = _RPW // _CR
_SEG = _K * (_D + 1)
_ACC = _B * _SEG
_GPC = _CR * _W // 16


def _seg_body(data_hbm, lab_hbm, out_hbm, lab_v, x_v, acc2, accf,
              sem0, sem1):
    wid = lax.axis_index("s") * 2 + lax.axis_index("c")
    row0 = wid * _RPW
    f32 = jnp.float32
    sems = (sem0, sem1)

    @plsc.parallel_loop(0, 16 * _ACC // 16, unroll=8)
    def _zero(i):
        acc2[pl.ds(i * 16, 16)] = jnp.zeros((16,), f32)

    def issue(n, buf):
        b = n // _NCH
        r = row0 + (n % _NCH) * _CR
        pltpu.async_copy(
            data_hbm.at[b, :, pl.ds(r, _CR), :], x_v.at[buf], sems[buf])
        pltpu.async_copy(
            lab_hbm.at[b, pl.ds(r, _CR), :], lab_v.at[buf], sems[buf])

    def wait_buf(buf):
        pltpu.make_async_copy(
            data_hbm.at[0, :, pl.ds(0, _CR), :], x_v.at[buf], sems[buf]).wait()
        pltpu.make_async_copy(
            lab_hbm.at[0, pl.ds(0, _CR), :], lab_v.at[buf], sems[buf]).wait()

    ntot = _B * _NCH
    ones16 = jnp.ones((16,), f32)
    laneoff = lax.iota(jnp.int32, 16)

    issue(0, 0)

    def outer(m, _):
        for buf in range(2):
            n = m * 2 + buf
            wait_buf(buf)

            @pl.when(n + 1 < ntot)
            def _prefetch():
                issue(n + 1, buf ^ 1)

            b_seg16 = (n // _NCH) * (_SEG * 16)

            @plsc.parallel_loop(0, _GPC, unroll=2)
            def _scat(g):
                r = g // (_W // 16)
                sl = pl.ds((g % (_W // 16)) * 16, 16)
                ix = (lab_v[buf, r, sl] * ((_D + 1) * 16)
                      + b_seg16 + laneoff)
                for d in range(_D):
                    plsc.addupdate_scatter(
                        acc2, [ix + d * 16], x_v[buf, d, r, sl])
                plsc.addupdate_scatter(acc2, [ix + _D * 16], ones16)

        return 0

    lax.fori_loop(0, ntot // 2, outer, 0)

    @plsc.parallel_loop(0, _ACC // 16, unroll=2)
    def _fold(j):
        s = jnp.zeros((16,), f32)
        base = j * 256 + lax.iota(jnp.int32, 16) * 16
        for m in range(16):
            s = s + plsc.load_gather(acc2, [base + m])
        accf[pl.ds(j * 16, 16)] = s

    pltpu.sync_copy(accf, out_hbm.at[wid])


@functools.lru_cache(maxsize=1)
def _seg_sums_kernel():
    return pl.kernel(
        _seg_body,
        mesh=plsc.VectorSubcoreMesh(core_axis_name="c", subcore_axis_name="s"),
        compiler_params=pltpu.CompilerParams(needs_layout_passes=False),
        out_type=jax.ShapeDtypeStruct((_NW, _ACC), jnp.float32),
        scratch_types=[
            pltpu.VMEM((2, _CR, _W), jnp.int32),
            pltpu.VMEM((2, _D, _CR, _W), jnp.float32),
            pltpu.VMEM((16 * _ACC,), jnp.float32),
            pltpu.VMEM((_ACC,), jnp.float32),
            pltpu.SemaphoreType.DMA,
            pltpu.SemaphoreType.DMA,
        ],
    )


def _seg_sums(data, labels):
    return _seg_sums_kernel()(data, labels)


_BH = 64
_NJ = _H // _BH


def _loss_body(data_ref, lab_ref, part_ref, out_ref):
    b = pl.program_id(0)
    j = pl.program_id(1)
    f32 = jnp.float32

    @pl.when((b == 0) & (j == 0))
    def _init():
        out_ref[...] = jnp.zeros((1, 1), f32)

    pm = jnp.sum(part_ref[...], axis=(0, 1))
    sums_t = pm[:, :_D]
    counts = pm[:, _D:_D + 1]
    centers_t = sums_t / jnp.maximum(counts, 1.0)
    present = counts > 0.0
    n_c = jnp.sum(present.astype(f32))
    cn2 = jnp.sum(centers_t * centers_t, axis=1, keepdims=True)
    ones_11 = jnp.ones((1, 1), f32)
    cn2_row = lax.dot_general(
        ones_11, cn2, (((1,), (1,)), ((), ())), preferred_element_type=f32)
    dn_d = (((1,), (0,)), ((), ()))

    x = data_ref[0]
    lab = lab_ref[0]
    s3 = jnp.sum(x * x, axis=0)
    proj = lax.dot_general(
        centers_t, x, dn_d, preferred_element_type=f32)
    c0 = (lab & 1) == 1
    c1 = (lab & 2) == 2
    c2 = (lab & 4) == 4
    v0 = jnp.where(c0, cn2[1, 0], cn2[0, 0])
    v1 = jnp.where(c0, cn2[3, 0], cn2[2, 0])
    v2 = jnp.where(c0, cn2[5, 0], cn2[4, 0])
    v3 = jnp.where(c0, cn2[7, 0], cn2[6, 0])
    w0 = jnp.where(c1, v1, v0)
    w1 = jnp.where(c1, v3, v2)
    cnl = jnp.where(c2, w1, w0)
    p0 = jnp.where(c0, proj[1], proj[0])
    p1 = jnp.where(c0, proj[3], proj[2])
    p2 = jnp.where(c0, proj[5], proj[4])
    p3 = jnp.where(c0, proj[7], proj[6])
    q0 = jnp.where(c1, p1, p0)
    q1 = jnp.where(c1, p3, p2)
    t = jnp.where(c2, q1, q0)
    d2 = s3 + cnl - 2.0 * t
    dd = jnp.sqrt(jnp.maximum(d2, 0.0))
    h = jnp.maximum(dd - _DELTA_VAR, 0.0)
    var_sum = jnp.sum(h * h)

    total = jnp.where(n_c > 1.0, var_sum / jnp.maximum(n_c, 1.0), 0.0)

    @pl.when(j == 0)
    def _tiny_terms():
        g = lax.dot_general(
            centers_t, centers_t, (((1,), (1,)), ((), ())),
            preferred_element_type=f32)
        counts_row = lax.dot_general(
            ones_11, counts, (((1,), (1,)), ((), ())),
            preferred_element_type=f32)
        sq_c = cn2 + cn2_row - 2.0 * g
        ri = lax.broadcasted_iota(jnp.int32, (_K, _K), 0)
        ci = lax.broadcasted_iota(jnp.int32, (_K, _K), 1)
        pair_mask = (ri < ci) & present & (counts_row > 0.0)
        dist = jnp.sqrt(jnp.where(pair_mask, sq_c, 1.0))
        hc = jnp.maximum(2.0 * _DELTA_DIST - dist, 0.0) ** 2
        dist_sum = jnp.sum(jnp.where(pair_mask, hc, 0.0))
        dist_term = dist_sum / jnp.maximum(n_c * (n_c - 1.0), 1.0)

        reg_mask = present & (cn2 > 0.0)
        cn = jnp.sqrt(jnp.where(reg_mask, cn2, 1.0))
        reg_vals = jnp.maximum(cn - _SQRT_D, 0.0)
        reg_term = (jnp.sum(jnp.where(reg_mask, reg_vals, 0.0))
                    / jnp.maximum(n_c, 1.0))
        out_ref[...] += jnp.full(
            (1, 1), jnp.where(n_c > 1.0, dist_term + reg_term, 0.0))

    out_ref[...] += jnp.full((1, 1), total)


def kernel(data, labels):
    labels = labels.astype(jnp.int32)
    partials = _seg_sums(data, labels)
    partials4 = partials.reshape(_NW, _B, _K, _D + 1)
    out = pl.pallas_call(
        _loss_body,
        grid=(_B, _NJ),
        in_specs=[
            pl.BlockSpec((1, _D, _BH, _W), lambda b, j: (b, 0, j, 0)),
            pl.BlockSpec((1, _BH, _W), lambda b, j: (b, j, 0)),
            pl.BlockSpec((_NW, 1, _K, _D + 1), lambda b, j: (0, b, 0, 0)),
        ],
        out_specs=pl.BlockSpec((1, 1), lambda b, j: (0, 0)),
        out_shape=jax.ShapeDtypeStruct((1, 1), jnp.float32),
    )(data, labels, partials4)
    return out[0, 0] / jnp.float32(_B)

# --- scband reference (transcript-rebuilt; emitter-appended) ---
"""Pipeline reference for scband-discriminative-loss-24696061952722 (READ-ONLY COPY).

The authoritative reference and input builder live on the scoring server;
editing this copy changes nothing except your own understanding.
"""

import jax, jax.numpy as jnp
import numpy as np

B, D, H, W, K = 4, 16, 512, 512, 8
DELTA_VAR = 1.0
DELTA_DIST = 2.0
VAR_W, DIST_W, REG_W = 1.0, 1.0, 1.0


def setup_inputs(seed: int = 0) -> dict:
    key = jax.random.key(seed)
    k1, k2 = jax.random.split(key)
    data = jax.random.normal(k1, (B, D, H, W), dtype=jnp.float32)
    labels = jax.random.randint(k2, (B, H, W), 0, K, dtype=jnp.int64)
    return {"data": data, "labels": labels}


def _per_sample_loss(data_i, labels_i):
    # data_i: [D, H, W], labels_i: [H, W]
    P = H * W
    pts = data_i.reshape(D, P).T  # [P, D]
    lab = labels_i.reshape(P)
    counts = jax.ops.segment_sum(jnp.ones((P,), jnp.float32), lab, num_segments=K)  # [K]
    sums = jax.ops.segment_sum(pts, lab, num_segments=K)  # [K, D]
    present = counts > 0
    n_c = jnp.sum(present.astype(jnp.float32))
    centers = sums / jnp.maximum(counts, 1.0)[:, None]  # [K, D]

    # variance term: sum over pixels of clamp(||pt - center_lab|| - delta_var, 0)^2, / n_c
    diff_p = pts - centers[lab]  # [P, D]
    sq_p = jnp.sum(diff_p * diff_p, axis=1)
    safe_sq_p = jnp.where(sq_p > 0, sq_p, 1.0)
    d_p = jnp.sqrt(safe_sq_p)
    hinge_p = jnp.clip(d_p - DELTA_VAR, 0.0) ** 2
    hinge_p = jnp.where(sq_p > 0, hinge_p, jnp.clip(0.0 - DELTA_VAR, 0.0) ** 2)
    var_term = jnp.sum(hinge_p) / jnp.maximum(n_c, 1.0)

    # distance term: pairwise i<j over present clusters
    cd = centers[:, None, :] - centers[None, :, :]  # [K, K, D]
    sq_c = jnp.sum(cd * cd, axis=-1)
    iu = jnp.triu(jnp.ones((K, K), bool), k=1)
    pair_mask = iu & present[:, None] & present[None, :]
    safe_sq_c = jnp.where(pair_mask, sq_c, 1.0)
    dists = jnp.sqrt(safe_sq_c)
    hinge_c = jnp.clip(2.0 * DELTA_DIST - dists, 0.0) ** 2
    dist_sum = jnp.sum(jnp.where(pair_mask, hinge_c, 0.0))
    denom = jnp.maximum(n_c * (n_c - 1.0), 1.0)
    dist_term = dist_sum / denom

    # regularization term
    sq_cen = jnp.sum(centers * centers, axis=1)
    safe_sq_cen = jnp.where(present & (sq_cen > 0), sq_cen, 1.0)
    cn = jnp.sqrt(safe_sq_cen)
    reg_vals = jnp.clip(cn - np.sqrt(D), 0.0)
    reg_term = jnp.sum(jnp.where(present & (sq_cen > 0), reg_vals, 0.0)) / jnp.maximum(n_c, 1.0)

    total = VAR_W * var_term + DIST_W * dist_term + REG_W * reg_term
    return jnp.where(n_c > 1, total, 0.0)


def reference(data, labels):
    terms = []
    for i in range(B):
        terms.append(_per_sample_loss(data[i], labels[i]))
    return sum(terms) / B

if __name__ == "__main__":
    import jax
    _d = setup_inputs()
    print(jax.jit(kernel)(*tuple(_d.values())))

</pallas_src>

<mosaic_0001>
#map = affine_map<(d0, d1) -> (0, 0, 0, 0)>
#map1 = affine_map<(d0, d1) -> (0, 0, 0)>
#map2 = affine_map<(d0, d1) -> (0, 0)>
module attributes {stable_mosaic.version = 14 : i64} {
  func.func @_seg_body(%arg0: i32, %arg1: i32, %arg2: memref<4x16x512x512xf32, #tpu.memory_space<hbm>>, %arg3: memref<4x512x512xi32, #tpu.memory_space<hbm>>, %arg4: memref<32x544xf32, #tpu.memory_space<hbm>>, %arg5: memref<2x4x512xi32, #tpu.memory_space<vmem>>, %arg6: memref<2x16x4x512xf32, #tpu.memory_space<vmem>>, %arg7: memref<8704xf32, #tpu.memory_space<vmem>>, %arg8: memref<544xf32, #tpu.memory_space<vmem>>, %arg9: memref<!tpu.dma_semaphore, #tpu.memory_space<semaphore_mem>>, %arg10: memref<!tpu.dma_semaphore, #tpu.memory_space<semaphore_mem>>) attributes {dimension_semantics = [#tpu.dimension_semantics<core_parallel>, #tpu.dimension_semantics<subcore_parallel>], iteration_bounds = array<i64: 2, 16>, scalar_prefetch = 0 : i64, scratch_operands = 6 : i64, tpu.core_type = #tpu.core_type<sc_vector_subcore>, window_params = [{transform_indices = #map}, {transform_indices = #map1}, {transform_indices = #map2}]} {
    %mul3A = arith.constant 2 : i32
    %mul3A_0 = arith.muli %arg1, %mul3A : i32
    %add3A = arith.addi %mul3A_0, %arg0 : i32
    %mul3A_1 = arith.constant 16 : i32
    %mul3A_2 = arith.muli %add3A, %mul3A_1 : i32
    %parallel_loop3A = arith.constant 0 : i32
    %parallel_loop3A_3 = arith.constant 544 : i32
    %parallel_loop3A_4 = arith.constant 1 : i32
    scf.for %parallel_loop3A_52 = %parallel_loop3A to %parallel_loop3A_3 step %parallel_loop3A_4  : i32 {
      %parallel_loop3A_53 = arith.constant 0.000000e+00 : f32
      %parallel_loop3A_54 = vector.broadcast %parallel_loop3A_53 : f32 to vector<16xf32>
      %parallel_loop3A_55 = arith.constant 16 : i32
      %parallel_loop3A_56 = arith.muli %parallel_loop3A_52, %parallel_loop3A_55 : i32
      %parallel_loop3A_57 = arith.index_cast %parallel_loop3A_56 : i32 to index
      %parallel_loop3A_58 = tpu.vector_load %arg7[%parallel_loop3A_57] {strides = array<i32>} : memref<8704xf32, #tpu.memory_space<vmem>>, vector<16xf32>,
      tpu.vector_store %arg7[%parallel_loop3A_57], %parallel_loop3A_54 {strides = array<i32>} : memref<8704xf32, #tpu.memory_space<vmem>>, vector<16xf32>,
    } {sc.loop_unroll_factor = 8 : i64, sc.parallel_access}
    %broadcast_in_dim3A = arith.constant 1.000000e+00 : f32
    %broadcast_in_dim3A_5 = vector.broadcast %broadcast_in_dim3A : f32 to vector<16xf32>
    %iota3A = tpu.iota {dimensions = array<i32: 0>} : vector<16xi32>
    %add3A_6 = arith.constant 0 : i32
    %add3A_7 = arith.addi %mul3A_2, %add3A_6 : i32
    %dma_start3A = arith.constant 0 : i32
    %dma_start3A_8 = arith.constant 0 : i32
    %dma_start3A_9 = arith.constant 0 : i32
    %dma_start3A_10 = arith.constant 0 : i32
    %dma_start3A_11 = arith.constant 0 : i32
    %dma_start3A_12 = tpu.memref_slice %arg6[%dma_start3A_8, %dma_start3A_9, %dma_start3A_10, %dma_start3A_11] : memref<2x16x4x512xf32, #tpu.memory_space<vmem>> -> memref<1x16x4x512xf32, #tpu.memory_space<vmem>>
    %dma_start3A_13 = tpu.memref_squeeze %dma_start3A_12 : memref<1x16x4x512xf32, #tpu.memory_space<vmem>> -> memref<16x4x512xf32, #tpu.memory_space<vmem>>
    %dma_start3A_14 = arith.constant 0 : i32
    %dma_start3A_15 = arith.constant 0 : i32
    %dma_start3A_16 = tpu.memref_slice %arg2[%dma_start3A, %dma_start3A_14, %add3A_7, %dma_start3A_15] : memref<4x16x512x512xf32, #tpu.memory_space<hbm>> -> memref<1x16x4x512xf32, #tpu.memory_space<hbm>>
    %dma_start3A_17 = tpu.memref_squeeze %dma_start3A_16 : memref<1x16x4x512xf32, #tpu.memory_space<hbm>> -> memref<16x4x512xf32, #tpu.memory_space<hbm>>
    %dma_start3A_18 = arith.constant 0 : i32
    %dma_start3A_19 = arith.constant 0 : i32
    %dma_start3A_20 = arith.constant 0 : i32
    %dma_start3A_21 = tpu.memref_slice %arg6[%dma_start3A_8, %dma_start3A_18, %dma_start3A_19, %dma_start3A_20] : memref<2x16x4x512xf32, #tpu.memory_space<vmem>> -> memref<1x16x4x512xf32, #tpu.memory_space<vmem>>
    %dma_start3A_22 = tpu.memref_squeeze %dma_start3A_21 : memref<1x16x4x512xf32, #tpu.memory_space<vmem>> -> memref<16x4x512xf32, #tpu.memory_space<vmem>>
    %dma_start3A_23 = arith.constant 0 : i32
    %dma_start3A_24 = arith.constant 0 : i32
    %dma_start3A_25 = tpu.memref_slice %arg2[%dma_start3A, %dma_start3A_23, %add3A_7, %dma_start3A_24] : memref<4x16x512x512xf32, #tpu.memory_space<hbm>> -> memref<1x16x4x512xf32, #tpu.memory_space<hbm>>
    %dma_start3A_26 = tpu.memref_squeeze %dma_start3A_25 : memref<1x16x4x512xf32, #tpu.memory_space<hbm>> -> memref<16x4x512xf32, #tpu.memory_space<hbm>>
    tpu.enqueue_dma source(%dma_start3A_26 : memref<16x4x512xf32, #tpu.memory_space<hbm>>) target(%dma_start3A_22 : memref<16x4x512xf32, #tpu.memory_space<vmem>>) target_semaphore(%arg9 : memref<!tpu.dma_semaphore, #tpu.memory_space<semaphore_mem>>)
    %dma_start3A_27 = arith.constant 0 : i32
    %dma_start3A_28 = arith.constant 0 : i32
    %dma_start3A_29 = arith.constant 0 : i32
    %dma_start3A_30 = arith.constant 0 : i32
    %dma_start3A_31 = tpu.memref_slice %arg5[%dma_start3A_28, %dma_start3A_29, %dma_start3A_30] : memref<2x4x512xi32, #tpu.memory_space<vmem>> -> memref<1x4x512xi32, #tpu.memory_space<vmem>>
    %dma_start3A_32 = tpu.memref_squeeze %dma_start3A_31 : memref<1x4x512xi32, #tpu.memory_space<vmem>> -> memref<4x512xi32, #tpu.memory_space<vmem>>
    %dma_start3A_33 = arith.constant 0 : i32
    %dma_start3A_34 = tpu.memref_slice %arg3[%dma_start3A_27, %add3A_7, %dma_start3A_33] : memref<4x512x512xi32, #tpu.memory_space<hbm>> -> memref<1x4x512xi32, #tpu.memory_space<hbm>>
    %dma_start3A_35 = tpu.memref_squeeze %dma_start3A_34 : memref<1x4x512xi32, #tpu.memory_space<hbm>> -> memref<4x512xi32, #tpu.memory_space<hbm>>
    %dma_start3A_36 = arith.constant 0 : i32
    %dma_start3A_37 = arith.constant 0 : i32
    %dma_start3A_38 = tpu.memref_slice %arg5[%dma_start3A_28, %dma_start3A_36, %dma_start3A_37] : memref<2x4x512xi32, #tpu.memory_space<vmem>> -> memref<1x4x512xi32, #tpu.memory_space<vmem>>
    %dma_start3A_39 = tpu.memref_squeeze %dma_start3A_38 : memref<1x4x512xi32, #tpu.memory_space<vmem>> -> memref<4x512xi32, #tpu.memory_space<vmem>>
    %dma_start3A_40 = arith.constant 0 : i32
    %dma_start3A_41 = tpu.memref_slice %arg3[%dma_start3A_27, %add3A_7, %dma_start3A_40] : memref<4x512x512xi32, #tpu.memory_space<hbm>> -> memref<1x4x512xi32, #tpu.memory_space<hbm>>
    %dma_start3A_42 = tpu.memref_squeeze %dma_start3A_41 : memref<1x4x512xi32, #tpu.memory_space<hbm>> -> memref<4x512xi32, #tpu.memory_space<hbm>>
    tpu.enqueue_dma source(%dma_start3A_42 : memref<4x512xi32, #tpu.memory_space<hbm>>) target(%dma_start3A_39 : memref<4x512xi32, #tpu.memory_space<vmem>>) target_semaphore(%arg9 : memref<!tpu.dma_semaphore, #tpu.memory_space<semaphore_mem>>)
    %scan3A = arith.constant 0 : i32
    %scan3A_43 = arith.constant 0 : i32
    %scan3A_44 = arith.constant 8 : i32
    %scan3A_45 = arith.addi %scan3A_43, %scan3A_44 : i32
    %scan3A_46 = arith.constant 1 : i32
    %scan3A_47 = scf.for %scan3A_52 = %scan3A_43 to %scan3A_45 step %scan3A_46 iter_args(%scan3A_53 = %scan3A) -> (i32)  : i32 {
      %mul3A_54 = arith.constant 2 : i32
      %mul3A_55 = arith.muli %scan3A_52, %mul3A_54 : i32
      %add3A_56 = arith.constant 0 : i32
      %add3A_57 = arith.addi %mul3A_55, %add3A_56 : i32
      %dma_wait3A = arith.constant 0 : i32
      %dma_wait3A_58 = arith.constant 0 : i32
      %dma_wait3A_59 = arith.constant 0 : i32
      %dma_wait3A_60 = arith.constant 0 : i32
      %dma_wait3A_61 = arith.constant 0 : i32
      %dma_wait3A_62 = tpu.memref_slice %arg6[%dma_wait3A_58, %dma_wait3A_59, %dma_wait3A_60, %dma_wait3A_61] : memref<2x16x4x512xf32, #tpu.memory_space<vmem>> -> memref<1x16x4x512xf32, #tpu.memory_space<vmem>>
      %dma_wait3A_63 = tpu.memref_squeeze %dma_wait3A_62 : memref<1x16x4x512xf32, #tpu.memory_space<vmem>> -> memref<16x4x512xf32, #tpu.memory_space<vmem>>
      %dma_wait3A_64 = arith.constant 0 : i32
      %dma_wait3A_65 = arith.constant 0 : i32
      %dma_wait3A_66 = arith.constant 0 : i32
      %dma_wait3A_67 = tpu.memref_slice %arg2[%dma_wait3A, %dma_wait3A_64, %dma_wait3A_65, %dma_wait3A_66] : memref<4x16x512x512xf32, #tpu.memory_space<hbm>> -> memref<1x16x4x512xf32, #tpu.memory_space<hbm>>
      %dma_wait3A_68 = tpu.memref_squeeze %dma_wait3A_67 : memref<1x16x4x512xf32, #tpu.memory_space<hbm>> -> memref<16x4x512xf32, #tpu.memory_space<hbm>>
      %dma_wait3A_69 = arith.constant 0 : i32
      %dma_wait3A_70 = arith.constant 0 : i32
      %dma_wait3A_71 = arith.constant 0 : i32
      %dma_wait3A_72 = tpu.memref_slice %arg6[%dma_wait3A_58, %dma_wait3A_69, %dma_wait3A_70, %dma_wait3A_71] : memref<2x16x4x512xf32, #tpu.memory_space<vmem>> -> memref<1x16x4x512xf32, #tpu.memory_space<vmem>>
      %dma_wait3A_73 = tpu.memref_squeeze %dma_wait3A_72 : memref<1x16x4x512xf32, #tpu.memory_space<vmem>> -> memref<16x4x512xf32, #tpu.memory_space<vmem>>
      %dma_wait3A_74 = arith.constant 0 : i32
      %dma_wait3A_75 = arith.constant 0 : i32
      %dma_wait3A_76 = arith.constant 0 : i32
      %dma_wait3A_77 = tpu.memref_slice %arg2[%dma_wait3A, %dma_wait3A_74, %dma_wait3A_75, %dma_wait3A_76] : memref<4x16x512x512xf32, #tpu.memory_space<hbm>> -> memref<1x16x4x512xf32, #tpu.memory_space<hbm>>
      %dma_wait3A_78 = tpu.memref_squeeze %dma_wait3A_77 : memref<1x16x4x512xf32, #tpu.memory_space<hbm>> -> memref<16x4x512xf32, #tpu.memory_space<hbm>>
      tpu.wait_dma2 semaphore(%arg9 : memref<!tpu.dma_semaphore, #tpu.memory_space<semaphore_mem>>) src(%dma_wait3A_78 : memref<16x4x512xf32, #tpu.memory_space<hbm>>) dst(%dma_wait3A_73 : memref<16x4x512xf32, #tpu.memory_space<vmem>>)
      %dma_wait3A_79 = arith.constant 0 : i32
      %dma_wait3A_80 = arith.constant 0 : i32
      %dma_wait3A_81 = arith.constant 0 : i32
      %dma_wait3A_82 = arith.constant 0 : i32
      %dma_wait3A_83 = tpu.memref_slice %arg5[%dma_wait3A_80, %dma_wait3A_81, %dma_wait3A_82] : memref<2x4x512xi32, #tpu.memory_space<vmem>> -> memref<1x4x512xi32, #tpu.memory_space<vmem>>
      %dma_wait3A_84 = tpu.memref_squeeze %dma_wait3A_83 : memref<1x4x512xi32, #tpu.memory_space<vmem>> -> memref<4x512xi32, #tpu.memory_space<vmem>>
      %dma_wait3A_85 = arith.constant 0 : i32
      %dma_wait3A_86 = arith.constant 0 : i32
      %dma_wait3A_87 = tpu.memref_slice %arg3[%dma_wait3A_79, %dma_wait3A_85, %dma_wait3A_86] : memref<4x512x512xi32, #tpu.memory_space<hbm>> -> memref<1x4x512xi32, #tpu.memory_space<hbm>>
      %dma_wait3A_88 = tpu.memref_squeeze %dma_wait3A_87 : memref<1x4x512xi32, #tpu.memory_space<hbm>> -> memref<4x512xi32, #tpu.memory_space<hbm>>
      %dma_wait3A_89 = arith.constant 0 : i32
      %dma_wait3A_90 = arith.constant 0 : i32
      %dma_wait3A_91 = tpu.memref_slice %arg5[%dma_wait3A_80, %dma_wait3A_89, %dma_wait3A_90] : memref<2x4x512xi32, #tpu.memory_space<vmem>> -> memref<1x4x512xi32, #tpu.memory_space<vmem>>
      %dma_wait3A_92 = tpu.memref_squeeze %dma_wait3A_91 : memref<1x4x512xi32, #tpu.memory_space<vmem>> -> memref<4x512xi32, #tpu.memory_space<vmem>>
      %dma_wait3A_93 = arith.constant 0 : i32
      %dma_wait3A_94 = arith.constant 0 : i32
      %dma_wait3A_95 = tpu.memref_slice %arg3[%dma_wait3A_79, %dma_wait3A_93, %dma_wait3A_94] : memref<4x512x512xi32, #tpu.memory_space<hbm>> -> memref<1x4x512xi32, #tpu.memory_space<hbm>>
      %dma_wait3A_96 = tpu.memref_squeeze %dma_wait3A_95 : memref<1x4x512xi32, #tpu.memory_space<hbm>> -> memref<4x512xi32, #tpu.memory_space<hbm>>
      tpu.wait_dma2 semaphore(%arg9 : memref<!tpu.dma_semaphore, #tpu.memory_space<semaphore_mem>>) src(%dma_wait3A_96 : memref<4x512xi32, #tpu.memory_space<hbm>>) dst(%dma_wait3A_92 : memref<4x512xi32, #tpu.memory_space<vmem>>)
      %add3A_97 = arith.constant 1 : i32
      %add3A_98 = arith.addi %add3A_57, %add3A_97 : i32
      %lt3A = arith.constant 16 : i32
      %lt3A_99 = arith.cmpi slt, %add3A_98, %lt3A : i32
      %convert_element_type3A = arith.extui %lt3A_99 : i1 to i32
      %cond3A = arith.constant 0 : i32
      %cond3A_100 = arith.cmpi ne, %convert_element_type3A, %cond3A : i32
      scf.if %cond3A_100 {
        %add3A_203 = arith.constant 1 : i32
        %add3A_204 = arith.addi %add3A_57, %add3A_203 : i32
        %jit3A_205 = arith.constant 4 : i32
        %div3A_206 = arith.divsi %add3A_204, %jit3A_205 : i32
        %sign3A_207 = arith.constant 0 : i32
        %sign3A_208 = arith.cmpi sgt, %add3A_204, %sign3A_207 : i32
        %sign3A_209 = arith.extui %sign3A_208 : i1 to i32
        %sign3A_210 = arith.constant 0 : i32
        %sign3A_211 = arith.cmpi slt, %add3A_204, %sign3A_210 : i32
        %sign3A_212 = arith.extui %sign3A_211 : i1 to i32
        %sign3A_213 = arith.subi %sign3A_209, %sign3A_212 : i32
        %sign3A_214 = arith.constant 0 : i32
        %sign3A_215 = arith.cmpi sgt, %jit3A_205, %sign3A_214 : i32
        %sign3A_216 = arith.extui %sign3A_215 : i1 to i32
        %sign3A_217 = arith.constant 0 : i32
        %sign3A_218 = arith.cmpi slt, %jit3A_205, %sign3A_217 : i32
        %sign3A_219 = arith.extui %sign3A_218 : i1 to i32
        %sign3A_220 = arith.subi %sign3A_216, %sign3A_219 : i32
        %ne3A_221 = arith.cmpi ne, %sign3A_213, %sign3A_220 : i32
        %rem3A_222 = arith.remsi %add3A_204, %jit3A_205 : i32
        %ne3A_223 = arith.constant 0 : i32
        %ne3A_224 = arith.cmpi ne, %rem3A_222, %ne3A_223 : i32
        %and3A_225 = arith.andi %ne3A_221, %ne3A_224 : i1
        %sub3A_226 = arith.constant 1 : i32
        %sub3A_227 = arith.subi %div3A_206, %sub3A_226 : i32
        %select_n3A_228 = arith.select %and3A_225, %sub3A_227, %div3A_206 : i32
        %jit3A_229 = arith.constant 4 : i32
        %eq3A = arith.constant 0 : i32
        %eq3A_230 = arith.cmpi eq, %jit3A_229, %eq3A : i32
        %jit3A_231 = arith.constant 1 : i32
        %select_n3A_232 = arith.select %eq3A_230, %jit3A_231, %jit3A_229 : i32
        %rem3A_233 = arith.remsi %add3A_204, %select_n3A_232 : i32
        %ne3A_234 = arith.constant 0 : i32
        %ne3A_235 = arith.cmpi ne, %rem3A_233, %ne3A_234 : i32
        %lt3A_236 = arith.constant 0 : i32
        %lt3A_237 = arith.cmpi slt, %rem3A_233, %lt3A_236 : i32
        %lt3A_238 = arith.constant 0 : i32
        %lt3A_239 = arith.cmpi slt, %select_n3A_232, %lt3A_238 : i32
        %ne3A_240 = arith.xori %lt3A_237, %lt3A_239 : i1
        %and3A_241 = arith.andi %ne3A_240, %ne3A_235 : i1
        %add3A_242 = arith.addi %rem3A_233, %select_n3A_232 : i32
        %select_n3A_243 = arith.select %and3A_241, %add3A_242, %rem3A_233 : i32
        %mul3A_244 = arith.constant 4 : i32
        %mul3A_245 = arith.muli %select_n3A_243, %mul3A_244 : i32
        %add3A_246 = arith.addi %mul3A_2, %mul3A_245 : i32
        %dma_start3A_247 = arith.constant 1 : i32
        %dma_start3A_248 = arith.constant 0 : i32
        %dma_start3A_249 = arith.constant 0 : i32
        %dma_start3A_250 = arith.constant 0 : i32
        %dma_start3A_251 = tpu.memref_slice %arg6[%dma_start3A_247, %dma_start3A_248, %dma_start3A_249, %dma_start3A_250] : memref<2x16x4x512xf32, #tpu.memory_space<vmem>> -> memref<1x16x4x512xf32, #tpu.memory_space<vmem>>
        %dma_start3A_252 = tpu.memref_squeeze %dma_start3A_251 : memref<1x16x4x512xf32, #tpu.memory_space<vmem>> -> memref<16x4x512xf32, #tpu.memory_space<vmem>>
        %dma_start3A_253 = arith.constant 0 : i32
        %dma_start3A_254 = arith.constant 0 : i32
        %dma_start3A_255 = tpu.memref_slice %arg2[%select_n3A_228, %dma_start3A_253, %add3A_246, %dma_start3A_254] : memref<4x16x512x512xf32, #tpu.memory_space<hbm>> -> memref<1x16x4x512xf32, #tpu.memory_space<hbm>>
        %dma_start3A_256 = tpu.memref_squeeze %dma_start3A_255 : memref<1x16x4x512xf32, #tpu.memory_space<hbm>> -> memref<16x4x512xf32, #tpu.memory_space<hbm>>
        %dma_start3A_257 = arith.constant 0 : i32
        %dma_start3A_258 = arith.constant 0 : i32
        %dma_start3A_259 = arith.constant 0 : i32
        %dma_start3A_260 = tpu.memref_slice %arg6[%dma_start3A_247, %dma_start3A_257, %dma_start3A_258, %dma_start3A_259] : memref<2x16x4x512xf32, #tpu.memory_space<vmem>> -> memref<1x16x4x512xf32, #tpu.memory_space<vmem>>
        %dma_start3A_261 = tpu.memref_squeeze %dma_start3A_260 : memref<1x16x4x512xf32, #tpu.memory_space<vmem>> -> memref<16x4x512xf32, #tpu.memory_space<vmem>>
        %dma_start3A_262 = arith.constant 0 : i32
        %dma_start3A_263 = arith.constant 0 : i32
        %dma_start3A_264 = tpu.memref_slice %arg2[%select_n3A_228, %dma_start3A_262, %add3A_246, %dma_start3A_263] : memref<4x16x512x512xf32, #tpu.memory_space<hbm>> -> memref<1x16x4x512xf32, #tpu.memory_space<hbm>>
        %dma_start3A_265 = tpu.memref_squeeze %dma_start3A_264 : memref<1x16x4x512xf32, #tpu.memory_space<hbm>> -> memref<16x4x512xf32, #tpu.memory_space<hbm>>
        tpu.enqueue_dma source(%dma_start3A_265 : memref<16x4x512xf32, #tpu.memory_space<hbm>>) target(%dma_start3A_261 : memref<16x4x512xf32, #tpu.memory_space<vmem>>) target_semaphore(%arg10 : memref<!tpu.dma_semaphore, #tpu.memory_space<semaphore_mem>>)
        %dma_start3A_266 = arith.constant 1 : i32
        %dma_start3A_267 = arith.constant 0 : i32
        %dma_start3A_268 = arith.constant 0 : i32
        %dma_start3A_269 = tpu.memref_slice %arg5[%dma_start3A_266, %dma_start3A_267, %dma_start3A_268] : memref<2x4x512xi32, #tpu.memory_space<vmem>> -> memref<1x4x512xi32, #tpu.memory_space<vmem>>
        %dma_start3A_270 = tpu.memref_squeeze %dma_start3A_269 : memref<1x4x512xi32, #tpu.memory_space<vmem>> -> memref<4x512xi32, #tpu.memory_space<vmem>>
        %dma_start3A_271 = arith.constant 0 : i32
        %dma_start3A_272 = tpu.memref_slice %arg3[%select_n3A_228, %add3A_246, %dma_start3A_271] : memref<4x512x512xi32, #tpu.memory_space<hbm>> -> memref<1x4x512xi32, #tpu.memory_space<hbm>>
        %dma_start3A_273 = tpu.memref_squeeze %dma_start3A_272 : memref<1x4x512xi32, #tpu.memory_space<hbm>> -> memref<4x512xi32, #tpu.memory_space<hbm>>
        %dma_start3A_274 = arith.constant 0 : i32
        %dma_start3A_275 = arith.constant 0 : i32
        %dma_start3A_276 = tpu.memref_slice %arg5[%dma_start3A_266, %dma_start3A_274, %dma_start3A_275] : memref<2x4x512xi32, #tpu.memory_space<vmem>> -> memref<1x4x512xi32, #tpu.memory_space<vmem>>
        %dma_start3A_277 = tpu.memref_squeeze %dma_start3A_276 : memref<1x4x512xi32, #tpu.memory_space<vmem>> -> memref<4x512xi32, #tpu.memory_space<vmem>>
        %dma_start3A_278 = arith.constant 0 : i32
        %dma_start3A_279 = tpu.memref_slice %arg3[%select_n3A_228, %add3A_246, %dma_start3A_278] : memref<4x512x512xi32, #tpu.memory_space<hbm>> -> memref<1x4x512xi32, #tpu.memory_space<hbm>>
        %dma_start3A_280 = tpu.memref_squeeze %dma_start3A_279 : memref<1x4x512xi32, #tpu.memory_space<hbm>> -> memref<4x512xi32, #tpu.memory_space<hbm>>
        tpu.enqueue_dma source(%dma_start3A_280 : memref<4x512xi32, #tpu.memory_space<hbm>>) target(%dma_start3A_277 : memref<4x512xi32, #tpu.memory_space<vmem>>) target_semaphore(%arg10 : memref<!tpu.dma_semaphore, #tpu.memory_space<semaphore_mem>>)
      } else {
      }
      %jit3A = arith.constant 4 : i32
      %div3A = arith.divsi %add3A_57, %jit3A : i32
      %sign3A = arith.constant 0 : i32
      %sign3A_101 = arith.cmpi sgt, %add3A_57, %sign3A : i32
      %sign3A_102 = arith.extui %sign3A_101 : i1 to i32
      %sign3A_103 = arith.constant 0 : i32
      %sign3A_104 = arith.cmpi slt, %add3A_57, %sign3A_103 : i32
      %sign3A_105 = arith.extui %sign3A_104 : i1 to i32
      %sign3A_106 = arith.subi %sign3A_102, %sign3A_105 : i32
      %sign3A_107 = arith.constant 0 : i32
      %sign3A_108 = arith.cmpi sgt, %jit3A, %sign3A_107 : i32
      %sign3A_109 = arith.extui %sign3A_108 : i1 to i32
      %sign3A_110 = arith.constant 0 : i32
      %sign3A_111 = arith.cmpi slt, %jit3A, %sign3A_110 : i32
      %sign3A_112 = arith.extui %sign3A_111 : i1 to i32
      %sign3A_113 = arith.subi %sign3A_109, %sign3A_112 : i32
      %ne3A = arith.cmpi ne, %sign3A_106, %sign3A_113 : i32
      %rem3A = arith.remsi %add3A_57, %jit3A : i32
      %ne3A_114 = arith.constant 0 : i32
      %ne3A_115 = arith.cmpi ne, %rem3A, %ne3A_114 : i32
      %and3A = arith.andi %ne3A, %ne3A_115 : i1
      %sub3A = arith.constant 1 : i32
      %sub3A_116 = arith.subi %div3A, %sub3A : i32
      %select_n3A = arith.select %and3A, %sub3A_116, %div3A : i32
      %mul3A_117 = arith.constant 2176 : i32
      %mul3A_118 = arith.muli %select_n3A, %mul3A_117 : i32
      %parallel_loop3A_119 = arith.constant 0 : i32
      %parallel_loop3A_120 = arith.constant 128 : i32
      %parallel_loop3A_121 = arith.constant 1 : i32
      scf.for %parallel_loop3A_203 = %parallel_loop3A_119 to %parallel_loop3A_120 step %parallel_loop3A_121  : i32 {
        %parallel_loop3A_204 = arith.constant 32 : i32
        %parallel_loop3A_205 = arith.divsi %parallel_loop3A_203, %parallel_loop3A_204 : i32
        %parallel_loop3A_206 = arith.constant 0 : i32
        %parallel_loop3A_207 = arith.cmpi sgt, %parallel_loop3A_203, %parallel_loop3A_206 : i32
        %parallel_loop3A_208 = arith.extui %parallel_loop3A_207 : i1 to i32
        %parallel_loop3A_209 = arith.constant 0 : i32
        %parallel_loop3A_210 = arith.cmpi slt, %parallel_loop3A_203, %parallel_loop3A_209 : i32
        %parallel_loop3A_211 = arith.extui %parallel_loop3A_210 : i1 to i32
        %parallel_loop3A_212 = arith.subi %parallel_loop3A_208, %parallel_loop3A_211 : i32
        %parallel_loop3A_213 = arith.constant 0 : i32
        %parallel_loop3A_214 = arith.cmpi sgt, %parallel_loop3A_204, %parallel_loop3A_213 : i32
        %parallel_loop3A_215 = arith.extui %parallel_loop3A_214 : i1 to i32
        %parallel_loop3A_216 = arith.constant 0 : i32
        %parallel_loop3A_217 = arith.cmpi slt, %parallel_loop3A_204, %parallel_loop3A_216 : i32
        %parallel_loop3A_218 = arith.extui %parallel_loop3A_217 : i1 to i32
        %parallel_loop3A_219 = arith.subi %parallel_loop3A_215, %parallel_loop3A_218 : i32
        %parallel_loop3A_220 = arith.cmpi ne, %parallel_loop3A_212, %parallel_loop3A_219 : i32
        %parallel_loop3A_221 = arith.remsi %parallel_loop3A_203, %parallel_loop3A_204 : i32
        %parallel_loop3A_222 = arith.constant 0 : i32
        %parallel_loop3A_223 = arith.cmpi ne, %parallel_loop3A_221, %parallel_loop3A_222 : i32
        %parallel_loop3A_224 = arith.andi %parallel_loop3A_220, %parallel_loop3A_223 : i1
        %parallel_loop3A_225 = arith.constant 1 : i32
        %parallel_loop3A_226 = arith.subi %parallel_loop3A_205, %parallel_loop3A_225 : i32
        %parallel_loop3A_227 = arith.select %parallel_loop3A_224, %parallel_loop3A_226, %parallel_loop3A_205 : i32
        %parallel_loop3A_228 = arith.constant 32 : i32
        %parallel_loop3A_229 = arith.constant 0 : i32
        %parallel_loop3A_230 = arith.cmpi eq, %parallel_loop3A_228, %parallel_loop3A_229 : i32
        %parallel_loop3A_231 = arith.constant 1 : i32
        %parallel_loop3A_232 = arith.select %parallel_loop3A_230, %parallel_loop3A_231, %parallel_loop3A_228 : i32
        %parallel_loop3A_233 = arith.remsi %parallel_loop3A_203, %parallel_loop3A_232 : i32
        %parallel_loop3A_234 = arith.constant 0 : i32
        %parallel_loop3A_235 = arith.cmpi ne, %parallel_loop3A_233, %parallel_loop3A_234 : i32
        %parallel_loop3A_236 = arith.constant 0 : i32
        %parallel_loop3A_237 = arith.cmpi slt, %parallel_loop3A_233, %parallel_loop3A_236 : i32
        %parallel_loop3A_238 = arith.constant 0 : i32
        %parallel_loop3A_239 = arith.cmpi slt, %parallel_loop3A_232, %parallel_loop3A_238 : i32
        %parallel_loop3A_240 = arith.xori %parallel_loop3A_237, %parallel_loop3A_239 : i1
        %parallel_loop3A_241 = arith.andi %parallel_loop3A_240, %parallel_loop3A_235 : i1
        %parallel_loop3A_242 = arith.addi %parallel_loop3A_233, %parallel_loop3A_232 : i32
        %parallel_loop3A_243 = arith.select %parallel_loop3A_241, %parallel_loop3A_242, %parallel_loop3A_233 : i32
        %parallel_loop3A_244 = arith.constant 16 : i32
        %parallel_loop3A_245 = arith.muli %parallel_loop3A_243, %parallel_loop3A_244 : i32
        %parallel_loop3A_246 = arith.constant 0 : i32
        %parallel_loop3A_247 = arith.index_cast %parallel_loop3A_246 : i32 to index
        %parallel_loop3A_248 = arith.index_cast %parallel_loop3A_227 : i32 to index
        %parallel_loop3A_249 = arith.index_cast %parallel_loop3A_245 : i32 to index
        %parallel_loop3A_250 = tpu.vector_load %arg5[%parallel_loop3A_247, %parallel_loop3A_248, %parallel_loop3A_249] {strides = array<i32>} : memref<2x4x512xi32, #tpu.memory_space<vmem>>, vector<16xi32>,
        %parallel_loop3A_251 = arith.constant 272 : i32
        %parallel_loop3A_252 = vector.broadcast %parallel_loop3A_251 : i32 to vector<16xi32>
        %parallel_loop3A_253 = arith.muli %parallel_loop3A_250, %parallel_loop3A_252 : vector<16xi32>
        %parallel_loop3A_254 = vector.broadcast %mul3A_118 : i32 to vector<16xi32>
        %parallel_loop3A_255 = arith.addi %parallel_loop3A_253, %parallel_loop3A_254 : vector<16xi32>
        %parallel_loop3A_256 = arith.addi %parallel_loop3A_255, %iota3A : vector<16xi32>
        %parallel_loop3A_257 = arith.constant 0 : i32
        %parallel_loop3A_258 = vector.broadcast %parallel_loop3A_257 : i32 to vector<16xi32>
        %parallel_loop3A_259 = arith.addi %parallel_loop3A_256, %parallel_loop3A_258 : vector<16xi32>
        %parallel_loop3A_260 = arith.constant 0 : i32
        %parallel_loop3A_261 = arith.constant 0 : i32
        %parallel_loop3A_262 = arith.index_cast %parallel_loop3A_260 : i32 to index
        %parallel_loop3A_263 = arith.index_cast %parallel_loop3A_261 : i32 to index
        %parallel_loop3A_264 = arith.index_cast %parallel_loop3A_227 : i32 to index
        %parallel_loop3A_265 = arith.index_cast %parallel_loop3A_245 : i32 to index
        %parallel_loop3A_266 = tpu.vector_load %arg6[%parallel_loop3A_262, %parallel_loop3A_263, %parallel_loop3A_264, %parallel_loop3A_265] {strides = array<i32>} : memref<2x16x4x512xf32, #tpu.memory_space<vmem>>, vector<16xf32>,
        tpu.vector_store_idx %arg7[%parallel_loop3A_259], %parallel_loop3A_266 {add = true} : memref<8704xf32, #tpu.memory_space<vmem>>[vector<16xi32>], vector<16xf32>,
        %parallel_loop3A_267 = arith.constant 16 : i32
        %parallel_loop3A_268 = vector.broadcast %parallel_loop3A_267 : i32 to vector<16xi32>
        %parallel_loop3A_269 = arith.addi %parallel_loop3A_256, %parallel_loop3A_268 : vector<16xi32>
        %parallel_loop3A_270 = arith.constant 0 : i32
        %parallel_loop3A_271 = arith.constant 1 : i32
        %parallel_loop3A_272 = arith.index_cast %parallel_loop3A_270 : i32 to index
        %parallel_loop3A_273 = arith.index_cast %parallel_loop3A_271 : i32 to index
        %parallel_loop3A_274 = arith.index_cast %parallel_loop3A_227 : i32 to index
        %parallel_loop3A_275 = arith.index_cast %parallel_loop3A_245 : i32 to index
        %parallel_loop3A_276 = tpu.vector_load %arg6[%parallel_loop3A_272, %parallel_loop3A_273, %parallel_loop3A_274, %parallel_loop3A_275] {strides = array<i32>} : memref<2x16x4x512xf32, #tpu.memory_space<vmem>>, vector<16xf32>,
        tpu.vector_store_idx %arg7[%parallel_loop3A_269], %parallel_loop3A_276 {add = true} : memref<8704xf32, #tpu.memory_space<vmem>>[vector<16xi32>], vector<16xf32>,
        %parallel_loop3A_277 = arith.constant 32 : i32
        %parallel_loop3A_278 = vector.broadcast %parallel_loop3A_277 : i32 to vector<16xi32>
        %parallel_loop3A_279 = arith.addi %parallel_loop3A_256, %parallel_loop3A_278 : vector<16xi32>
        %parallel_loop3A_280 = arith.constant 0 : i32
        %parallel_loop3A_281 = arith.constant 2 : i32
        %parallel_loop3A_282 = arith.index_cast %parallel_loop3A_280 : i32 to index
        %parallel_loop3A_283 = arith.index_cast %parallel_loop3A_281 : i32 to index
        %parallel_loop3A_284 = arith.index_cast %parallel_loop3A_227 : i32 to index
        %parallel_loop3A_285 = arith.index_cast %parallel_loop3A_245 : i32 to index
        %parallel_loop3A_286 = tpu.vector_load %arg6[%parallel_loop3A_282, %parallel_loop3A_283, %parallel_loop3A_284, %parallel_loop3A_285] {strides = array<i32>} : memref<2x16x4x512xf32, #tpu.memory_space<vmem>>, vector<16xf32>,
        tpu.vector_store_idx %arg7[%parallel_loop3A_279], %parallel_loop3A_286 {add = true} : memref<8704xf32, #tpu.memory_space<vmem>>[vector<16xi32>], vector<16xf32>,
        %parallel_loop3A_287 = arith.constant 48 : i32
        %parallel_loop3A_288 = vector.broadcast %parallel_loop3A_287 : i32 to vector<16xi32>
        %parallel_loop3A_289 = arith.addi %parallel_loop3A_256, %parallel_loop3A_288 : vector<16xi32>
        %parallel_loop3A_290 = arith.constant 0 : i32
        %parallel_loop3A_291 = arith.constant 3 : i32
        %parallel_loop3A_292 = arith.index_cast %parallel_loop3A_290 : i32 to index
        %parallel_loop3A_293 = arith.index_cast %parallel_loop3A_291 : i32 to index
        %parallel_loop3A_294 = arith.index_cast %parallel_loop3A_227 : i32 to index
        %parallel_loop3A_295 = arith.index_cast %parallel_loop3A_245 : i32 to index
        %parallel_loop3A_296 = tpu.vector_load %arg6[%parallel_loop3A_292, %parallel_loop3A_293, %parallel_loop3A_294, %parallel_loop3A_295] {strides = array<i32>} : memref<2x16x4x512xf32, #tpu.memory_space<vmem>>, vector<16xf32>,
        tpu.vector_store_idx %arg7[%parallel_loop3A_289], %parallel_loop3A_296 {add = true} : memref<8704xf32, #tpu.memory_space<vmem>>[vector<16xi32>], vector<16xf32>,
        %parallel_loop3A_297 = arith.constant 64 : i32
        %parallel_loop3A_298 = vector.broadcast %parallel_loop3A_297 : i32 to vector<16xi32>
        %parallel_loop3A_299 = arith.addi %parallel_loop3A_256, %parallel_loop3A_298 : vector<16xi32>
        %parallel_loop3A_300 = arith.constant 0 : i32
        %parallel_loop3A_301 = arith.constant 4 : i32
        %parallel_loop3A_302 = arith.index_cast %parallel_loop3A_300 : i32 to index
        %parallel_loop3A_303 = arith.index_cast %parallel_loop3A_301 : i32 to index
        %parallel_loop3A_304 = arith.index_cast %parallel_loop3A_227 : i32 to index
        %parallel_loop3A_305 = arith.index_cast %parallel_loop3A_245 : i32 to index
        %parallel_loop3A_306 = tpu.vector_load %arg6[%parallel_loop3A_302, %parallel_loop3A_303, %parallel_loop3A_304, %parallel_loop3A_305] {strides = array<i32>} : memref<2x16x4x512xf32, #tpu.memory_space<vmem>>, vector<16xf32>,
        tpu.vector_store_idx %arg7[%parallel_loop3A_299], %parallel_loop3A_306 {add = true} : memref<8704xf32, #tpu.memory_space<vmem>>[vector<16xi32>], vector<16xf32>,
        %parallel_loop3A_307 = arith.constant 80 : i32
        %parallel_loop3A_308 = vector.broadcast %parallel_loop3A_307 : i32 to vector<16xi32>
        %parallel_loop3A_309 = arith.addi %parallel_loop3A_256, %parallel_loop3A_308 : vector<16xi32>
        %parallel_loop3A_310 = arith.constant 0 : i32
        %parallel_loop3A_311 = arith.constant 5 : i32
        %parallel_loop3A_312 = arith.index_cast %parallel_loop3A_310 : i32 to index
        %parallel_loop3A_313 = arith.index_cast %parallel_loop3A_311 : i32 to index
        %parallel_loop3A_314 = arith.index_cast %parallel_loop3A_227 : i32 to index
        %parallel_loop3A_315 = arith.index_cast %parallel_loop3A_245 : i32 to index
        %parallel_loop3A_316 = tpu.vector_load %arg6[%parallel_loop3A_312, %parallel_loop3A_313, %parallel_loop3A_314, %parallel_loop3A_315] {strides = array<i32>} : memref<2x16x4x512xf32, #tpu.memory_space<vmem>>, vector<16xf32>,
        tpu.vector_store_idx %arg7[%parallel_loop3A_309], %parallel_loop3A_316 {add = true} : memref<8704xf32, #tpu.memory_space<vmem>>[vector<16xi32>], vector<16xf32>,
        %parallel_loop3A_317 = arith.constant 96 : i32
        %parallel_loop3A_318 = vector.broadcast %parallel_loop3A_317 : i32 to vector<16xi32>
        %parallel_loop3A_319 = arith.addi %parallel_loop3A_256, %parallel_loop3A_318 : vector<16xi32>
        %parallel_loop3A_320 = arith.constant 0 : i32
        %parallel_loop3A_321 = arith.constant 6 : i32
        %parallel_loop3A_322 = arith.index_cast %parallel_loop3A_320 : i32 to index
        %parallel_loop3A_323 = arith.index_cast %parallel_loop3A_321 : i32 to index
        %parallel_loop3A_324 = arith.index_cast %parallel_loop3A_227 : i32 to index
        %parallel_loop3A_325 = arith.index_cast %parallel_loop3A_245 : i32 to index
        %parallel_loop3A_326 = tpu.vector_load %arg6[%parallel_loop3A_322, %parallel_loop3A_323, %parallel_loop3A_324, %parallel_loop3A_325] {strides = array<i32>} : memref<2x16x4x512xf32, #tpu.memory_space<vmem>>, vector<16xf32>,
        tpu.vector_store_idx %arg7[%parallel_loop3A_319], %parallel_loop3A_326 {add = true} : memref<8704xf32, #tpu.memory_space<vmem>>[vector<16xi32>], vector<16xf32>,
        %parallel_loop3A_327 = arith.constant 112 : i32
        %parallel_loop3A_328 = vector.broadcast %parallel_loop3A_327 : i32 to vector<16xi32>
        %parallel_loop3A_329 = arith.addi %parallel_loop3A_256, %parallel_loop3A_328 : vector<16xi32>
        %parallel_loop3A_330 = arith.constant 0 : i32
        %parallel_loop3A_331 = arith.constant 7 : i32
        %parallel_loop3A_332 = arith.index_cast %parallel_loop3A_330 : i32 to index
        %parallel_loop3A_333 = arith.index_cast %parallel_loop3A_331 : i32 to index
        %parallel_loop3A_334 = arith.index_cast %parallel_loop3A_227 : i32 to index
        %parallel_loop3A_335 = arith.index_cast %parallel_loop3A_245 : i32 to index
        %parallel_loop3A_336 = tpu.vector_load %arg6[%parallel_loop3A_332, %parallel_loop3A_333, %parallel_loop3A_334, %parallel_loop3A_335] {strides = array<i32>} : memref<2x16x4x512xf32, #tpu.memory_space<vmem>>, vector<16xf32>,
        tpu.vector_store_idx %arg7[%parallel_loop3A_329], %parallel_loop3A_336 {add = true} : memref<8704xf32, #tpu.memory_space<vmem>>[vector<16xi32>], vector<16xf32>,
        %parallel_loop3A_337 = arith.constant 128 : i32
        %parallel_loop3A_338 = vector.broadcast %parallel_loop3A_337 : i32 to vector<16xi32>
        %parallel_loop3A_339 = arith.addi %parallel_loop3A_256, %parallel_loop3A_338 : vector<16xi32>
        %parallel_loop3A_340 = arith.constant 0 : i32
        %parallel_loop3A_341 = arith.constant 8 : i32
        %parallel_loop3A_342 = arith.index_cast %parallel_loop3A_340 : i32 to index
        %parallel_loop3A_343 = arith.index_cast %parallel_loop3A_341 : i32 to index
        %parallel_loop3A_344 = arith.index_cast %parallel_loop3A_227 : i32 to index
        %parallel_loop3A_345 = arith.index_cast %parallel_loop3A_245 : i32 to index
        %parallel_loop3A_346 = tpu.vector_load %arg6[%parallel_loop3A_342, %parallel_loop3A_343, %parallel_loop3A_344, %parallel_loop3A_345] {strides = array<i32>} : memref<2x16x4x512xf32, #tpu.memory_space<vmem>>, vector<16xf32>,
        tpu.vector_store_idx %arg7[%parallel_loop3A_339], %parallel_loop3A_346 {add = true} : memref<8704xf32, #tpu.memory_space<vmem>>[vector<16xi32>], vector<16xf32>,
        %parallel_loop3A_347 = arith.constant 144 : i32
        %parallel_loop3A_348 = vector.broadcast %parallel_loop3A_347 : i32 to vector<16xi32>
        %parallel_loop3A_349 = arith.addi %parallel_loop3A_256, %parallel_loop3A_348 : vector<16xi32>
        %parallel_loop3A_350 = arith.constant 0 : i32
        %parallel_loop3A_351 = arith.constant 9 : i32
        %parallel_loop3A_352 = arith.index_cast %parallel_loop3A_350 : i32 to index
        %parallel_loop3A_353 = arith.index_cast %parallel_loop3A_351 : i32 to index
        %parallel_loop3A_354 = arith.index_cast %parallel_loop3A_227 : i32 to index
        %parallel_loop3A_355 = arith.index_cast %parallel_loop3A_245 : i32 to index
        %parallel_loop3A_356 = tpu.vector_load %arg6[%parallel_loop3A_352, %parallel_loop3A_353, %parallel_loop3A_354, %parallel_loop3A_355] {strides = array<i32>} : memref<2x16x4x512xf32, #tpu.memory_space<vmem>>, vector<16xf32>,
        tpu.vector_store_idx %arg7[%parallel_loop3A_349], %parallel_loop3A_356 {add = true} : memref<8704xf32, #tpu.memory_space<vmem>>[vector<16xi32>], vector<16xf32>,
        %parallel_loop3A_357 = arith.constant 160 : i32
        %parallel_loop3A_358 = vector.broadcast %parallel_loop3A_357 : i32 to vector<16xi32>
        %parallel_loop3A_359 = arith.addi %parallel_loop3A_256, %parallel_loop3A_358 : vector<16xi32>
        %parallel_loop3A_360 = arith.constant 0 : i32
        %parallel_loop3A_361 = arith.constant 10 : i32
        %parallel_loop3A_362 = arith.index_cast %parallel_loop3A_360 : i32 to index
        %parallel_loop3A_363 = arith.index_cast %parallel_loop3A_361 : i32 to index
        %parallel_loop3A_364 = arith.index_cast %parallel_loop3A_227 : i32 to index
        %parallel_loop3A_365 = arith.index_cast %parallel_loop3A_245 : i32 to index
        %parallel_loop3A_366 = tpu.vector_load %arg6[%parallel_loop3A_362, %parallel_loop3A_363, %parallel_loop3A_364, %parallel_loop3A_365] {strides = array<i32>} : memref<2x16x4x512xf32, #tpu.memory_space<vmem>>, vector<16xf32>,
        tpu.vector_store_idx %arg7[%parallel_loop3A_359], %parallel_loop3A_366 {add = true} : memref<8704xf32, #tpu.memory_space<vmem>>[vector<16xi32>], vector<16xf32>,
        %parallel_loop3A_367 = arith.constant 176 : i32
        %parallel_loop3A_368 = vector.broadcast %parallel_loop3A_367 : i32 to vector<16xi32>
        %parallel_loop3A_369 = arith.addi %parallel_loop3A_256, %parallel_loop3A_368 : vector<16xi32>
        %parallel_loop3A_370 = arith.constant 0 : i32
        %parallel_loop3A_371 = arith.constant 11 : i32
        %parallel_loop3A_372 = arith.index_cast %parallel_loop3A_370 : i32 to index
        %parallel_loop3A_373 = arith.index_cast %parallel_loop3A_371 : i32 to index
        %parallel_loop3A_374 = arith.index_cast %parallel_loop3A_227 : i32 to index
        %parallel_loop3A_375 = arith.index_cast %parallel_loop3A_245 : i32 to index
        %parallel_loop3A_376 = tpu.vector_load %arg6[%parallel_loop3A_372, %parallel_loop3A_373, %parallel_loop3A_374, %parallel_loop3A_375] {strides = array<i32>} : memref<2x16x4x512xf32, #tpu.memory_space<vmem>>, vector<16xf32>,
        tpu.vector_store_idx %arg7[%parallel_loop3A_369], %parallel_loop3A_376 {add = true} : memref<8704xf32, #tpu.memory_space<vmem>>[vector<16xi32>], vector<16xf32>,
        %parallel_loop3A_377 = arith.constant 192 : i32
        %parallel_loop3A_378 = vector.broadcast %parallel_loop3A_377 : i32 to vector<16xi32>
        %parallel_loop3A_379 = arith.addi %parallel_loop3A_256, %parallel_loop3A_378 : vector<16xi32>
        %parallel_loop3A_380 = arith.constant 0 : i32
        %parallel_loop3A_381 = arith.constant 12 : i32
        %parallel_loop3A_382 = arith.index_cast %parallel_loop3A_380 : i32 to index
        %parallel_loop3A_383 = arith.index_cast %parallel_loop3A_381 : i32 to index
        %parallel_loop3A_384 = arith.index_cast %parallel_loop3A_227 : i32 to index
        %parallel_loop3A_385 = arith.index_cast %parallel_loop3A_245 : i32 to index
        %parallel_loop3A_386 = tpu.vector_load %arg6[%parallel_loop3A_382, %parallel_loop3A_383, %parallel_loop3A_384, %parallel_loop3A_385] {strides = array<i32>} : memref<2x16x4x512xf32, #tpu.memory_space<vmem>>, vector<16xf32>,
        tpu.vector_store_idx %arg7[%parallel_loop3A_379], %parallel_loop3A_386 {add = true} : memref<8704xf32, #tpu.memory_space<vmem>>[vector<16xi32>], vector<16xf32>,
        %parallel_loop3A_387 = arith.constant 208 : i32
        %parallel_loop3A_388 = vector.broadcast %parallel_loop3A_387 : i32 to vector<16xi32>
        %parallel_loop3A_389 = arith.addi %parallel_loop3A_256, %parallel_loop3A_388 : vector<16xi32>
        %parallel_loop3A_390 = arith.constant 0 : i32
        %parallel_loop3A_391 = arith.constant 13 : i32
        %parallel_loop3A_392 = arith.index_cast %parallel_loop3A_390 : i32 to index
        %parallel_loop3A_393 = arith.index_cast %parallel_loop3A_391 : i32 to index
        %parallel_loop3A_394 = arith.index_cast %parallel_loop3A_227 : i32 to index
        %parallel_loop3A_395 = arith.index_cast %parallel_loop3A_245 : i32 to index
        %parallel_loop3A_396 = tpu.vector_load %arg6[%parallel_loop3A_392, %parallel_loop3A_393, %parallel_loop3A_394, %parallel_loop3A_395] {strides = array<i32>} : memref<2x16x4x512xf32, #tpu.memory_space<vmem>>, vector<16xf32>,
        tpu.vector_store_idx %arg7[%parallel_loop3A_389], %parallel_loop3A_396 {add = true} : memref<8704xf32, #tpu.memory_space<vmem>>[vector<16xi32>], vector<16xf32>,
        %parallel_loop3A_397 = arith.constant 224 : i32
        %parallel_loop3A_398 = vector.broadcast %parallel_loop3A_397 : i32 to vector<16xi32>
        %parallel_loop3A_399 = arith.addi %parallel_loop3A_256, %parallel_loop3A_398 : vector<16xi32>
        %parallel_loop3A_400 = arith.constant 0 : i32
        %parallel_loop3A_401 = arith.constant 14 : i32
        %parallel_loop3A_402 = arith.index_cast %parallel_loop3A_400 : i32 to index
        %parallel_loop3A_403 = arith.index_cast %parallel_loop3A_401 : i32 to index
        %parallel_loop3A_404 = arith.index_cast %parallel_loop3A_227 : i32 to index
        %parallel_loop3A_405 = arith.index_cast %parallel_loop3A_245 : i32 to index
        %parallel_loop3A_406 = tpu.vector_load %arg6[%parallel_loop3A_402, %parallel_loop3A_403, %parallel_loop3A_404, %parallel_loop3A_405] {strides = array<i32>} : memref<2x16x4x512xf32, #tpu.memory_space<vmem>>, vector<16xf32>,
        tpu.vector_store_idx %arg7[%parallel_loop3A_399], %parallel_loop3A_406 {add = true} : memref<8704xf32, #tpu.memory_space<vmem>>[vector<16xi32>], vector<16xf32>,
        %parallel_loop3A_407 = arith.constant 240 : i32
        %parallel_loop3A_408 = vector.broadcast %parallel_loop3A_407 : i32 to vector<16xi32>
        %parallel_loop3A_409 = arith.addi %parallel_loop3A_256, %parallel_loop3A_408 : vector<16xi32>
        %parallel_loop3A_410 = arith.constant 0 : i32
        %parallel_loop3A_411 = arith.constant 15 : i32
        %parallel_loop3A_412 = arith.index_cast %parallel_loop3A_410 : i32 to index
        %parallel_loop3A_413 = arith.index_cast %parallel_loop3A_411 : i32 to index
        %parallel_loop3A_414 = arith.index_cast %parallel_loop3A_227 : i32 to index
        %parallel_loop3A_415 = arith.index_cast %parallel_loop3A_245 : i32 to index
        %parallel_loop3A_416 = tpu.vector_load %arg6[%parallel_loop3A_412, %parallel_loop3A_413, %parallel_loop3A_414, %parallel_loop3A_415] {strides = array<i32>} : memref<2x16x4x512xf32, #tpu.memory_space<vmem>>, vector<16xf32>,
        tpu.vector_store_idx %arg7[%parallel_loop3A_409], %parallel_loop3A_416 {add = true} : memref<8704xf32, #tpu.memory_space<vmem>>[vector<16xi32>], vector<16xf32>,
        %parallel_loop3A_417 = arith.constant 256 : i32
        %parallel_loop3A_418 = vector.broadcast %parallel_loop3A_417 : i32 to vector<16xi32>
        %parallel_loop3A_419 = arith.addi %parallel_loop3A_256, %parallel_loop3A_418 : vector<16xi32>
        tpu.vector_store_idx %arg7[%parallel_loop3A_419], %broadcast_in_dim3A_5 {add = true} : memref<8704xf32, #tpu.memory_space<vmem>>[vector<16xi32>], vector<16xf32>,
      } {sc.loop_unroll_factor = 2 : i64, sc.parallel_access}
      %mul3A_122 = arith.constant 2 : i32
      %mul3A_123 = arith.muli %scan3A_52, %mul3A_122 : i32
      %add3A_124 = arith.constant 1 : i32
      %add3A_125 = arith.addi %mul3A_123, %add3A_124 : i32
      %dma_wait3A_126 = arith.constant 0 : i32
      %dma_wait3A_127 = arith.constant 1 : i32
      %dma_wait3A_128 = arith.constant 0 : i32
      %dma_wait3A_129 = arith.constant 0 : i32
      %dma_wait3A_130 = arith.constant 0 : i32
      %dma_wait3A_131 = tpu.memref_slice %arg6[%dma_wait3A_127, %dma_wait3A_128, %dma_wait3A_129, %dma_wait3A_130] : memref<2x16x4x512xf32, #tpu.memory_space<vmem>> -> memref<1x16x4x512xf32, #tpu.memory_space<vmem>>
      %dma_wait3A_132 = tpu.memref_squeeze %dma_wait3A_131 : memref<1x16x4x512xf32, #tpu.memory_space<vmem>> -> memref<16x4x512xf32, #tpu.memory_space<vmem>>
      %dma_wait3A_133 = arith.constant 0 : i32
      %dma_wait3A_134 = arith.constant 0 : i32
      %dma_wait3A_135 = arith.constant 0 : i32
      %dma_wait3A_136 = tpu.memref_slice %arg2[%dma_wait3A_126, %dma_wait3A_133, %dma_wait3A_134, %dma_wait3A_135] : memref<4x16x512x512xf32, #tpu.memory_space<hbm>> -> memref<1x16x4x512xf32, #tpu.memory_space<hbm>>
      %dma_wait3A_137 = tpu.memref_squeeze %dma_wait3A_136 : memref<1x16x4x512xf32, #tpu.memory_space<hbm>> -> memref<16x4x512xf32, #tpu.memory_space<hbm>>
      %dma_wait3A_138 = arith.constant 0 : i32
      %dma_wait3A_139 = arith.constant 0 : i32
      %dma_wait3A_140 = arith.constant 0 : i32
      %dma_wait3A_141 = tpu.memref_slice %arg6[%dma_wait3A_127, %dma_wait3A_138, %dma_wait3A_139, %dma_wait3A_140] : memref<2x16x4x512xf32, #tpu.memory_space<vmem>> -> memref<1x16x4x512xf32, #tpu.memory_space<vmem>>
      %dma_wait3A_142 = tpu.memref_squeeze %dma_wait3A_141 : memref<1x16x4x512xf32, #tpu.memory_space<vmem>> -> memref<16x4x512xf32, #tpu.memory_space<vmem>>
      %dma_wait3A_143 = arith.constant 0 : i32
      %dma_wait3A_144 = arith.constant 0 : i32
      %dma_wait3A_145 = arith.constant 0 : i32
      %dma_wait3A_146 = tpu.memref_slice %arg2[%dma_wait3A_126, %dma_wait3A_143, %dma_wait3A_144, %dma_wait3A_145] : memref<4x16x512x512xf32, #tpu.memory_space<hbm>> -> memref<1x16x4x512xf32, #tpu.memory_space<hbm>>
      %dma_wait3A_147 = tpu.memref_squeeze %dma_wait3A_146 : memref<1x16x4x512xf32, #tpu.memory_space<hbm>> -> memref<16x4x512xf32, #tpu.memory_space<hbm>>
      tpu.wait_dma2 semaphore(%arg10 : memref<!tpu.dma_semaphore, #tpu.memory_space<semaphore_mem>>) src(%dma_wait3A_147 : memref<16x4x512xf32, #tpu.memory_space<hbm>>) dst(%dma_wait3A_142 : memref<16x4x512xf32, #tpu.memory_space<vmem>>)
      %dma_wait3A_148 = arith.constant 0 : i32
      %dma_wait3A_149 = arith.constant 1 : i32
      %dma_wait3A_150 = arith.constant 0 : i32
      %dma_wait3A_151 = arith.constant 0 : i32
      %dma_wait3A_152 = tpu.memref_slice %arg5[%dma_wait3A_149, %dma_wait3A_150, %dma_wait3A_151] : memref<2x4x512xi32, #tpu.memory_space<vmem>> -> memref<1x4x512xi32, #tpu.memory_space<vmem>>
      %dma_wait3A_153 = tpu.memref_squeeze %dma_wait3A_152 : memref<1x4x512xi32, #tpu.memory_space<vmem>> -> memref<4x512xi32, #tpu.memory_space<vmem>>
      %dma_wait3A_154 = arith.constant 0 : i32
      %dma_wait3A_155 = arith.constant 0 : i32
      %dma_wait3A_156 = tpu.memref_slice %arg3[%dma_wait3A_148, %dma_wait3A_154, %dma_wait3A_155] : memref<4x512x512xi32, #tpu.memory_space<hbm>> -> memref<1x4x512xi32, #tpu.memory_space<hbm>>
      %dma_wait3A_157 = tpu.memref_squeeze %dma_wait3A_156 : memref<1x4x512xi32, #tpu.memory_space<hbm>> -> memref<4x512xi32, #tpu.memory_space<hbm>>
      %dma_wait3A_158 = arith.constant 0 : i32
      %dma_wait3A_159 = arith.constant 0 : i32
      %dma_wait3A_160 = tpu.memref_slice %arg5[%dma_wait3A_149, %dma_wait3A_158, %dma_wait3A_159] : memref<2x4x512xi32, #tpu.memory_space<vmem>> -> memref<1x4x512xi32, #tpu.memory_space<vmem>>
      %dma_wait3A_161 = tpu.memref_squeeze %dma_wait3A_160 : memref<1x4x512xi32, #tpu.memory_space<vmem>> -> memref<4x512xi32, #tpu.memory_space<vmem>>
      %dma_wait3A_162 = arith.constant 0 : i32
      %dma_wait3A_163 = arith.constant 0 : i32
      %dma_wait3A_164 = tpu.memref_slice %arg3[%dma_wait3A_148, %dma_wait3A_162, %dma_wait3A_163] : memref<4x512x512xi32, #tpu.memory_space<hbm>> -> memref<1x4x512xi32, #tpu.memory_space<hbm>>
      %dma_wait3A_165 = tpu.memref_squeeze %dma_wait3A_164 : memref<1x4x512xi32, #tpu.memory_space<hbm>> -> memref<4x512xi32, #tpu.memory_space<hbm>>
      tpu.wait_dma2 semaphore(%arg10 : memref<!tpu.dma_semaphore, #tpu.memory_space<semaphore_mem>>) src(%dma_wait3A_165 : memref<4x512xi32, #tpu.memory_space<hbm>>) dst(%dma_wait3A_161 : memref<4x512xi32, #tpu.memory_space<vmem>>)
      %add3A_166 = arith.constant 1 : i32
      %add3A_167 = arith.addi %add3A_125, %add3A_166 : i32
      %lt3A_168 = arith.constant 16 : i32
      %lt3A_169 = arith.cmpi slt, %add3A_167, %lt3A_168 : i32
      %convert_element_type3A_170 = arith.extui %lt3A_169 : i1 to i32
      %cond3A_171 = arith.constant 0 : i32
      %cond3A_172 = arith.cmpi ne, %convert_element_type3A_170, %cond3A_171 : i32
      scf.if %cond3A_172 {
        %add3A_203 = arith.constant 1 : i32
        %add3A_204 = arith.addi %add3A_125, %add3A_203 : i32
        %jit3A_205 = arith.constant 4 : i32
        %div3A_206 = arith.divsi %add3A_204, %jit3A_205 : i32
        %sign3A_207 = arith.constant 0 : i32
        %sign3A_208 = arith.cmpi sgt, %add3A_204, %sign3A_207 : i32
        %sign3A_209 = arith.extui %sign3A_208 : i1 to i32
        %sign3A_210 = arith.constant 0 : i32
        %sign3A_211 = arith.cmpi slt, %add3A_204, %sign3A_210 : i32
        %sign3A_212 = arith.extui %sign3A_211 : i1 to i32
        %sign3A_213 = arith.subi %sign3A_209, %sign3A_212 : i32
        %sign3A_214 = arith.constant 0 : i32
        %sign3A_215 = arith.cmpi sgt, %jit3A_205, %sign3A_214 : i32
        %sign3A_216 = arith.extui %sign3A_215 : i1 to i32
        %sign3A_217 = arith.constant 0 : i32
        %sign3A_218 = arith.cmpi slt, %jit3A_205, %sign3A_217 : i32
        %sign3A_219 = arith.extui %sign3A_218 : i1 to i32
        %sign3A_220 = arith.subi %sign3A_216, %sign3A_219 : i32
        %ne3A_221 = arith.cmpi ne, %sign3A_213, %sign3A_220 : i32
        %rem3A_222 = arith.remsi %add3A_204, %jit3A_205 : i32
        %ne3A_223 = arith.constant 0 : i32
        %ne3A_224 = arith.cmpi ne, %rem3A_222, %ne3A_223 : i32
        %and3A_225 = arith.andi %ne3A_221, %ne3A_224 : i1
        %sub3A_226 = arith.constant 1 : i32
        %sub3A_227 = arith.subi %div3A_206, %sub3A_226 : i32
        %select_n3A_228 = arith.select %and3A_225, %sub3A_227, %div3A_206 : i32
        %jit3A_229 = arith.constant 4 : i32
        %eq3A = arith.constant 0 : i32
        %eq3A_230 = arith.cmpi eq, %jit3A_229, %eq3A : i32
        %jit3A_231 = arith.constant 1 : i32
        %select_n3A_232 = arith.select %eq3A_230, %jit3A_231, %jit3A_229 : i32
        %rem3A_233 = arith.remsi %add3A_204, %select_n3A_232 : i32
        %ne3A_234 = arith.constant 0 : i32
        %ne3A_235 = arith.cmpi ne, %rem3A_233, %ne3A_234 : i32
        %lt3A_236 = arith.constant 0 : i32
        %lt3A_237 = arith.cmpi slt, %rem3A_233, %lt3A_236 : i32
        %lt3A_238 = arith.constant 0 : i32
        %lt3A_239 = arith.cmpi slt, %select_n3A_232, %lt3A_238 : i32
        %ne3A_240 = arith.xori %lt3A_237, %lt3A_239 : i1
        %and3A_241 = arith.andi %ne3A_240, %ne3A_235 : i1
        %add3A_242 = arith.addi %rem3A_233, %select_n3A_232 : i32
        %select_n3A_243 = arith.select %and3A_241, %add3A_242, %rem3A_233 : i32
        %mul3A_244 = arith.constant 4 : i32
        %mul3A_245 = arith.muli %select_n3A_243, %mul3A_244 : i32
        %add3A_246 = arith.addi %mul3A_2, %mul3A_245 : i32
        %dma_start3A_247 = arith.constant 0 : i32
        %dma_start3A_248 = arith.constant 0 : i32
        %dma_start3A_249 = arith.constant 0 : i32
        %dma_start3A_250 = arith.constant 0 : i32
        %dma_start3A_251 = tpu.memref_slice %arg6[%dma_start3A_247, %dma_start3A_248, %dma_start3A_249, %dma_start3A_250] : memref<2x16x4x512xf32, #tpu.memory_space<vmem>> -> memref<1x16x4x512xf32, #tpu.memory_space<vmem>>
        %dma_start3A_252 = tpu.memref_squeeze %dma_start3A_251 : memref<1x16x4x512xf32, #tpu.memory_space<vmem>> -> memref<16x4x512xf32, #tpu.memory_space<vmem>>
        %dma_start3A_253 = arith.constant 0 : i32
        %dma_start3A_254 = arith.constant 0 : i32
        %dma_start3A_255 = tpu.memref_slice %arg2[%select_n3A_228, %dma_start3A_253, %add3A_246, %dma_start3A_254] : memref<4x16x512x512xf32, #tpu.memory_space<hbm>> -> memref<1x16x4x512xf32, #tpu.memory_space<hbm>>
        %dma_start3A_256 = tpu.memref_squeeze %dma_start3A_255 : memref<1x16x4x512xf32, #tpu.memory_space<hbm>> -> memref<16x4x512xf32, #tpu.memory_space<hbm>>
        %dma_start3A_257 = arith.constant 0 : i32
        %dma_start3A_258 = arith.constant 0 : i32
        %dma_start3A_259 = arith.constant 0 : i32
        %dma_start3A_260 = tpu.memref_slice %arg6[%dma_start3A_247, %dma_start3A_257, %dma_start3A_258, %dma_start3A_259] : memref<2x16x4x512xf32, #tpu.memory_space<vmem>> -> memref<1x16x4x512xf32, #tpu.memory_space<vmem>>
        %dma_start3A_261 = tpu.memref_squeeze %dma_start3A_260 : memref<1x16x4x512xf32, #tpu.memory_space<vmem>> -> memref<16x4x512xf32, #tpu.memory_space<vmem>>
        %dma_start3A_262 = arith.constant 0 : i32
        %dma_start3A_263 = arith.constant 0 : i32
        %dma_start3A_264 = tpu.memref_slice %arg2[%select_n3A_228, %dma_start3A_262, %add3A_246, %dma_start3A_263] : memref<4x16x512x512xf32, #tpu.memory_space<hbm>> -> memref<1x16x4x512xf32, #tpu.memory_space<hbm>>
        %dma_start3A_265 = tpu.memref_squeeze %dma_start3A_264 : memref<1x16x4x512xf32, #tpu.memory_space<hbm>> -> memref<16x4x512xf32, #tpu.memory_space<hbm>>
        tpu.enqueue_dma source(%dma_start3A_265 : memref<16x4x512xf32, #tpu.memory_space<hbm>>) target(%dma_start3A_261 : memref<16x4x512xf32, #tpu.memory_space<vmem>>) target_semaphore(%arg9 : memref<!tpu.dma_semaphore, #tpu.memory_space<semaphore_mem>>)
        %dma_start3A_266 = arith.constant 0 : i32
        %dma_start3A_267 = arith.constant 0 : i32
        %dma_start3A_268 = arith.constant 0 : i32
        %dma_start3A_269 = tpu.memref_slice %arg5[%dma_start3A_266, %dma_start3A_267, %dma_start3A_268] : memref<2x4x512xi32, #tpu.memory_space<vmem>> -> memref<1x4x512xi32, #tpu.memory_space<vmem>>
        %dma_start3A_270 = tpu.memref_squeeze %dma_start3A_269 : memref<1x4x512xi32, #tpu.memory_space<vmem>> -> memref<4x512xi32, #tpu.memory_space<vmem>>
        %dma_start3A_271 = arith.constant 0 : i32
        %dma_start3A_272 = tpu.memref_slice %arg3[%select_n3A_228, %add3A_246, %dma_start3A_271] : memref<4x512x512xi32, #tpu.memory_space<hbm>> -> memref<1x4x512xi32, #tpu.memory_space<hbm>>
        %dma_start3A_273 = tpu.memref_squeeze %dma_start3A_272 : memref<1x4x512xi32, #tpu.memory_space<hbm>> -> memref<4x512xi32, #tpu.memory_space<hbm>>
        %dma_start3A_274 = arith.constant 0 : i32
        %dma_start3A_275 = arith.constant 0 : i32
        %dma_start3A_276 = tpu.memref_slice %arg5[%dma_start3A_266, %dma_start3A_274, %dma_start3A_275] : memref<2x4x512xi32, #tpu.memory_space<vmem>> -> memref<1x4x512xi32, #tpu.memory_space<vmem>>
        %dma_start3A_277 = tpu.memref_squeeze %dma_start3A_276 : memref<1x4x512xi32, #tpu.memory_space<vmem>> -> memref<4x512xi32, #tpu.memory_space<vmem>>
        %dma_start3A_278 = arith.constant 0 : i32
        %dma_start3A_279 = tpu.memref_slice %arg3[%select_n3A_228, %add3A_246, %dma_start3A_278] : memref<4x512x512xi32, #tpu.memory_space<hbm>> -> memref<1x4x512xi32, #tpu.memory_space<hbm>>
        %dma_start3A_280 = tpu.memref_squeeze %dma_start3A_279 : memref<1x4x512xi32, #tpu.memory_space<hbm>> -> memref<4x512xi32, #tpu.memory_space<hbm>>
        tpu.enqueue_dma source(%dma_start3A_280 : memref<4x512xi32, #tpu.memory_space<hbm>>) target(%dma_start3A_277 : memref<4x512xi32, #tpu.memory_space<vmem>>) target_semaphore(%arg9 : memref<!tpu.dma_semaphore, #tpu.memory_space<semaphore_mem>>)
      } else {
      }
      %jit3A_173 = arith.constant 4 : i32
      %div3A_174 = arith.divsi %add3A_125, %jit3A_173 : i32
      %sign3A_175 = arith.constant 0 : i32
      %sign3A_176 = arith.cmpi sgt, %add3A_125, %sign3A_175 : i32
      %sign3A_177 = arith.extui %sign3A_176 : i1 to i32
      %sign3A_178 = arith.constant 0 : i32
      %sign3A_179 = arith.cmpi slt, %add3A_125, %sign3A_178 : i32
      %sign3A_180 = arith.extui %sign3A_179 : i1 to i32
      %sign3A_181 = arith.subi %sign3A_177, %sign3A_180 : i32
      %sign3A_182 = arith.constant 0 : i32
      %sign3A_183 = arith.cmpi sgt, %jit3A_173, %sign3A_182 : i32
      %sign3A_184 = arith.extui %sign3A_183 : i1 to i32
      %sign3A_185 = arith.constant 0 : i32
      %sign3A_186 = arith.cmpi slt, %jit3A_173, %sign3A_185 : i32
      %sign3A_187 = arith.extui %sign3A_186 : i1 to i32
      %sign3A_188 = arith.subi %sign3A_184, %sign3A_187 : i32
      %ne3A_189 = arith.cmpi ne, %sign3A_181, %sign3A_188 : i32
      %rem3A_190 = arith.remsi %add3A_125, %jit3A_173 : i32
      %ne3A_191 = arith.constant 0 : i32
      %ne3A_192 = arith.cmpi ne, %rem3A_190, %ne3A_191 : i32
      %and3A_193 = arith.andi %ne3A_189, %ne3A_192 : i1
      %sub3A_194 = arith.constant 1 : i32
      %sub3A_195 = arith.subi %div3A_174, %sub3A_194 : i32
      %select_n3A_196 = arith.select %and3A_193, %sub3A_195, %div3A_174 : i32
      %mul3A_197 = arith.constant 2176 : i32
      %mul3A_198 = arith.muli %select_n3A_196, %mul3A_197 : i32
      %parallel_loop3A_199 = arith.constant 0 : i32
      %parallel_loop3A_200 = arith.constant 128 : i32
      %parallel_loop3A_201 = arith.constant 1 : i32
      scf.for %parallel_loop3A_203 = %parallel_loop3A_199 to %parallel_loop3A_200 step %parallel_loop3A_201  : i32 {
        %parallel_loop3A_204 = arith.constant 32 : i32
        %parallel_loop3A_205 = arith.divsi %parallel_loop3A_203, %parallel_loop3A_204 : i32
        %parallel_loop3A_206 = arith.constant 0 : i32
        %parallel_loop3A_207 = arith.cmpi sgt, %parallel_loop3A_203, %parallel_loop3A_206 : i32
        %parallel_loop3A_208 = arith.extui %parallel_loop3A_207 : i1 to i32
        %parallel_loop3A_209 = arith.constant 0 : i32
        %parallel_loop3A_210 = arith.cmpi slt, %parallel_loop3A_203, %parallel_loop3A_209 : i32
        %parallel_loop3A_211 = arith.extui %parallel_loop3A_210 : i1 to i32
        %parallel_loop3A_212 = arith.subi %parallel_loop3A_208, %parallel_loop3A_211 : i32
        %parallel_loop3A_213 = arith.constant 0 : i32
        %parallel_loop3A_214 = arith.cmpi sgt, %parallel_loop3A_204, %parallel_loop3A_213 : i32
        %parallel_loop3A_215 = arith.extui %parallel_loop3A_214 : i1 to i32
        %parallel_loop3A_216 = arith.constant 0 : i32
        %parallel_loop3A_217 = arith.cmpi slt, %parallel_loop3A_204, %parallel_loop3A_216 : i32
        %parallel_loop3A_218 = arith.extui %parallel_loop3A_217 : i1 to i32
        %parallel_loop3A_219 = arith.subi %parallel_loop3A_215, %parallel_loop3A_218 : i32
        %parallel_loop3A_220 = arith.cmpi ne, %parallel_loop3A_212, %parallel_loop3A_219 : i32
        %parallel_loop3A_221 = arith.remsi %parallel_loop3A_203, %parallel_loop3A_204 : i32
        %parallel_loop3A_222 = arith.constant 0 : i32
        %parallel_loop3A_223 = arith.cmpi ne, %parallel_loop3A_221, %parallel_loop3A_222 : i32
        %parallel_loop3A_224 = arith.andi %parallel_loop3A_220, %parallel_loop3A_223 : i1
        %parallel_loop3A_225 = arith.constant 1 : i32
        %parallel_loop3A_226 = arith.subi %parallel_loop3A_205, %parallel_loop3A_225 : i32
        %parallel_loop3A_227 = arith.select %parallel_loop3A_224, %parallel_loop3A_226, %parallel_loop3A_205 : i32
        %parallel_loop3A_228 = arith.constant 32 : i32
        %parallel_loop3A_229 = arith.constant 0 : i32
        %parallel_loop3A_230 = arith.cmpi eq, %parallel_loop3A_228, %parallel_loop3A_229 : i32
        %parallel_loop3A_231 = arith.constant 1 : i32
        %parallel_loop3A_232 = arith.select %parallel_loop3A_230, %parallel_loop3A_231, %parallel_loop3A_228 : i32
        %parallel_loop3A_233 = arith.remsi %parallel_loop3A_203, %parallel_loop3A_232 : i32
        %parallel_loop3A_234 = arith.constant 0 : i32
        %parallel_loop3A_235 = arith.cmpi ne, %parallel_loop3A_233, %parallel_loop3A_234 : i32
        %parallel_loop3A_236 = arith.constant 0 : i32
        %parallel_loop3A_237 = arith.cmpi slt, %parallel_loop3A_233, %parallel_loop3A_236 : i32
        %parallel_loop3A_238 = arith.constant 0 : i32
        %parallel_loop3A_239 = arith.cmpi slt, %parallel_loop3A_232, %parallel_loop3A_238 : i32
        %parallel_loop3A_240 = arith.xori %parallel_loop3A_237, %parallel_loop3A_239 : i1
        %parallel_loop3A_241 = arith.andi %parallel_loop3A_240, %parallel_loop3A_235 : i1
        %parallel_loop3A_242 = arith.addi %parallel_loop3A_233, %parallel_loop3A_232 : i32
        %parallel_loop3A_243 = arith.select %parallel_loop3A_241, %parallel_loop3A_242, %parallel_loop3A_233 : i32
        %parallel_loop3A_244 = arith.constant 16 : i32
        %parallel_loop3A_245 = arith.muli %parallel_loop3A_243, %parallel_loop3A_244 : i32
        %parallel_loop3A_246 = arith.constant 1 : i32
        %parallel_loop3A_247 = arith.index_cast %parallel_loop3A_246 : i32 to index
        %parallel_loop3A_248 = arith.index_cast %parallel_loop3A_227 : i32 to index
        %parallel_loop3A_249 = arith.index_cast %parallel_loop3A_245 : i32 to index
        %parallel_loop3A_250 = tpu.vector_load %arg5[%parallel_loop3A_247, %parallel_loop3A_248, %parallel_loop3A_249] {strides = array<i32>} : memref<2x4x512xi32, #tpu.memory_space<vmem>>, vector<16xi32>,
        %parallel_loop3A_251 = arith.constant 272 : i32
        %parallel_loop3A_252 = vector.broadcast %parallel_loop3A_251 : i32 to vector<16xi32>
        %parallel_loop3A_253 = arith.muli %parallel_loop3A_250, %parallel_loop3A_252 : vector<16xi32>
        %parallel_loop3A_254 = vector.broadcast %mul3A_198 : i32 to vector<16xi32>
        %parallel_loop3A_255 = arith.addi %parallel_loop3A_253, %parallel_loop3A_254 : vector<16xi32>
        %parallel_loop3A_256 = arith.addi %parallel_loop3A_255, %iota3A : vector<16xi32>
        %parallel_loop3A_257 = arith.constant 0 : i32
        %parallel_loop3A_258 = vector.broadcast %parallel_loop3A_257 : i32 to vector<16xi32>
        %parallel_loop3A_259 = arith.addi %parallel_loop3A_256, %parallel_loop3A_258 : vector<16xi32>
        %parallel_loop3A_260 = arith.constant 1 : i32
        %parallel_loop3A_261 = arith.constant 0 : i32
        %parallel_loop3A_262 = arith.index_cast %parallel_loop3A_260 : i32 to index
        %parallel_loop3A_263 = arith.index_cast %parallel_loop3A_261 : i32 to index
        %parallel_loop3A_264 = arith.index_cast %parallel_loop3A_227 : i32 to index
        %parallel_loop3A_265 = arith.index_cast %parallel_loop3A_245 : i32 to index
        %parallel_loop3A_266 = tpu.vector_load %arg6[%parallel_loop3A_262, %parallel_loop3A_263, %parallel_loop3A_264, %parallel_loop3A_265] {strides = array<i32>} : memref<2x16x4x512xf32, #tpu.memory_space<vmem>>, vector<16xf32>,
        tpu.vector_store_idx %arg7[%parallel_loop3A_259], %parallel_loop3A_266 {add = true} : memref<8704xf32, #tpu.memory_space<vmem>>[vector<16xi32>], vector<16xf32>,
        %parallel_loop3A_267 = arith.constant 16 : i32
        %parallel_loop3A_268 = vector.broadcast %parallel_loop3A_267 : i32 to vector<16xi32>
        %parallel_loop3A_269 = arith.addi %parallel_loop3A_256, %parallel_loop3A_268 : vector<16xi32>
        %parallel_loop3A_270 = arith.constant 1 : i32
        %parallel_loop3A_271 = arith.constant 1 : i32
        %parallel_loop3A_272 = arith.index_cast %parallel_loop3A_270 : i32 to index
        %parallel_loop3A_273 = arith.index_cast %parallel_loop3A_271 : i32 to index
        %parallel_loop3A_274 = arith.index_cast %parallel_loop3A_227 : i32 to index
        %parallel_loop3A_275 = arith.index_cast %parallel_loop3A_245 : i32 to index
        %parallel_loop3A_276 = tpu.vector_load %arg6[%parallel_loop3A_272, %parallel_loop3A_273, %parallel_loop3A_274, %parallel_loop3A_275] {strides = array<i32>} : memref<2x16x4x512xf32, #tpu.memory_space<vmem>>, vector<16xf32>,
        tpu.vector_store_idx %arg7[%parallel_loop3A_269], %parallel_loop3A_276 {add = true} : memref<8704xf32, #tpu.memory_space<vmem>>[vector<16xi32>], vector<16xf32>,
        %parallel_loop3A_277 = arith.constant 32 : i32
        %parallel_loop3A_278 = vector.broadcast %parallel_loop3A_277 : i32 to vector<16xi32>
        %parallel_loop3A_279 = arith.addi %parallel_loop3A_256, %parallel_loop3A_278 : vector<16xi32>
        %parallel_loop3A_280 = arith.constant 1 : i32
        %parallel_loop3A_281 = arith.constant 2 : i32
        %parallel_loop3A_282 = arith.index_cast %parallel_loop3A_280 : i32 to index
        %parallel_loop3A_283 = arith.index_cast %parallel_loop3A_281 : i32 to index
        %parallel_loop3A_284 = arith.index_cast %parallel_loop3A_227 : i32 to index
        %parallel_loop3A_285 = arith.index_cast %parallel_loop3A_245 : i32 to index
        %parallel_loop3A_286 = tpu.vector_load %arg6[%parallel_loop3A_282, %parallel_loop3A_283, %parallel_loop3A_284, %parallel_loop3A_285] {strides = array<i32>} : memref<2x16x4x512xf32, #tpu.memory_space<vmem>>, vector<16xf32>,
        tpu.vector_store_idx %arg7[%parallel_loop3A_279], %parallel_loop3A_286 {add = true} : memref<8704xf32, #tpu.memory_space<vmem>>[vector<16xi32>], vector<16xf32>,
        %parallel_loop3A_287 = arith.constant 48 : i32
        %parallel_loop3A_288 = vector.broadcast %parallel_loop3A_287 : i32 to vector<16xi32>
        %parallel_loop3A_289 = arith.addi %parallel_loop3A_256, %parallel_loop3A_288 : vector<16xi32>
        %parallel_loop3A_290 = arith.constant 1 : i32
        %parallel_loop3A_291 = arith.constant 3 : i32
        %parallel_loop3A_292 = arith.index_cast %parallel_loop3A_290 : i32 to index
        %parallel_loop3A_293 = arith.index_cast %parallel_loop3A_291 : i32 to index
        %parallel_loop3A_294 = arith.index_cast %parallel_loop3A_227 : i32 to index
        %parallel_loop3A_295 = arith.index_cast %parallel_loop3A_245 : i32 to index
        %parallel_loop3A_296 = tpu.vector_load %arg6[%parallel_loop3A_292, %parallel_loop3A_293, %parallel_loop3A_294, %parallel_loop3A_295] {strides = array<i32>} : memref<2x16x4x512xf32, #tpu.memory_space<vmem>>, vector<16xf32>,
        tpu.vector_store_idx %arg7[%parallel_loop3A_289], %parallel_loop3A_296 {add = true} : memref<8704xf32, #tpu.memory_space<vmem>>[vector<16xi32>], vector<16xf32>,
        %parallel_loop3A_297 = arith.constant 64 : i32
        %parallel_loop3A_298 = vector.broadcast %parallel_loop3A_297 : i32 to vector<16xi32>
        %parallel_loop3A_299 = arith.addi %parallel_loop3A_256, %parallel_loop3A_298 : vector<16xi32>
        %parallel_loop3A_300 = arith.constant 1 : i32
        %parallel_loop3A_301 = arith.constant 4 : i32
        %parallel_loop3A_302 = arith.index_cast %parallel_loop3A_300 : i32 to index
        %parallel_loop3A_303 = arith.index_cast %parallel_loop3A_301 : i32 to index
        %parallel_loop3A_304 = arith.index_cast %parallel_loop3A_227 : i32 to index
        %parallel_loop3A_305 = arith.index_cast %parallel_loop3A_245 : i32 to index
        %parallel_loop3A_306 = tpu.vector_load %arg6[%parallel_loop3A_302, %parallel_loop3A_303, %parallel_loop3A_304, %parallel_loop3A_305] {strides = array<i32>} : memref<2x16x4x512xf32, #tpu.memory_space<vmem>>, vector<16xf32>,
        tpu.vector_store_idx %arg7[%parallel_loop3A_299], %parallel_loop3A_306 {add = true} : memref<8704xf32, #tpu.memory_space<vmem>>[vector<16xi32>], vector<16xf32>,
        %parallel_loop3A_307 = arith.constant 80 : i32
        %parallel_loop3A_308 = vector.broadcast %parallel_loop3A_307 : i32 to vector<16xi32>
        %parallel_loop3A_309 = arith.addi %parallel_loop3A_256, %parallel_loop3A_308 : vector<16xi32>
        %parallel_loop3A_310 = arith.constant 1 : i32
        %parallel_loop3A_311 = arith.constant 5 : i32
        %parallel_loop3A_312 = arith.index_cast %parallel_loop3A_310 : i32 to index
        %parallel_loop3A_313 = arith.index_cast %parallel_loop3A_311 : i32 to index
        %parallel_loop3A_314 = arith.index_cast %parallel_loop3A_227 : i32 to index
        %parallel_loop3A_315 = arith.index_cast %parallel_loop3A_245 : i32 to index
        %parallel_loop3A_316 = tpu.vector_load %arg6[%parallel_loop3A_312, %parallel_loop3A_313, %parallel_loop3A_314, %parallel_loop3A_315] {strides = array<i32>} : memref<2x16x4x512xf32, #tpu.memory_space<vmem>>, vector<16xf32>,
        tpu.vector_store_idx %arg7[%parallel_loop3A_309], %parallel_loop3A_316 {add = true} : memref<8704xf32, #tpu.memory_space<vmem>>[vector<16xi32>], vector<16xf32>,
        %parallel_loop3A_317 = arith.constant 96 : i32
        %parallel_loop3A_318 = vector.broadcast %parallel_loop3A_317 : i32 to vector<16xi32>
        %parallel_loop3A_319 = arith.addi %parallel_loop3A_256, %parallel_loop3A_318 : vector<16xi32>
        %parallel_loop3A_320 = arith.constant 1 : i32
        %parallel_loop3A_321 = arith.constant 6 : i32
        %parallel_loop3A_322 = arith.index_cast %parallel_loop3A_320 : i32 to index
        %parallel_loop3A_323 = arith.index_cast %parallel_loop3A_321 : i32 to index
        %parallel_loop3A_324 = arith.index_cast %parallel_loop3A_227 : i32 to index
        %parallel_loop3A_325 = arith.index_cast %parallel_loop3A_245 : i32 to index
        %parallel_loop3A_326 = tpu.vector_load %arg6[%parallel_loop3A_322, %parallel_loop3A_323, %parallel_loop3A_324, %parallel_loop3A_325] {strides = array<i32>} : memref<2x16x4x512xf32, #tpu.memory_space<vmem>>, vector<16xf32>,
        tpu.vector_store_idx %arg7[%parallel_loop3A_319], %parallel_loop3A_326 {add = true} : memref<8704xf32, #tpu.memory_space<vmem>>[vector<16xi32>], vector<16xf32>,
        %parallel_loop3A_327 = arith.constant 112 : i32
        %parallel_loop3A_328 = vector.broadcast %parallel_loop3A_327 : i32 to vector<16xi32>
        %parallel_loop3A_329 = arith.addi %parallel_loop3A_256, %parallel_loop3A_328 : vector<16xi32>
        %parallel_loop3A_330 = arith.constant 1 : i32
        %parallel_loop3A_331 = arith.constant 7 : i32
        %parallel_loop3A_332 = arith.index_cast %parallel_loop3A_330 : i32 to index
        %parallel_loop3A_333 = arith.index_cast %parallel_loop3A_331 : i32 to index
        %parallel_loop3A_334 = arith.index_cast %parallel_loop3A_227 : i32 to index
        %parallel_loop3A_335 = arith.index_cast %parallel_loop3A_245 : i32 to index
        %parallel_loop3A_336 = tpu.vector_load %arg6[%parallel_loop3A_332, %parallel_loop3A_333, %parallel_loop3A_334, %parallel_loop3A_335] {strides = array<i32>} : memref<2x16x4x512xf32, #tpu.memory_space<vmem>>, vector<16xf32>,
        tpu.vector_store_idx %arg7[%parallel_loop3A_329], %parallel_loop3A_336 {add = true} : memref<8704xf32, #tpu.memory_space<vmem>>[vector<16xi32>], vector<16xf32>,
        %parallel_loop3A_337 = arith.constant 128 : i32
        %parallel_loop3A_338 = vector.broadcast %parallel_loop3A_337 : i32 to vector<16xi32>
        %parallel_loop3A_339 = arith.addi %parallel_loop3A_256, %parallel_loop3A_338 : vector<16xi32>
        %parallel_loop3A_340 = arith.constant 1 : i32
        %parallel_loop3A_341 = arith.constant 8 : i32
        %parallel_loop3A_342 = arith.index_cast %parallel_loop3A_340 : i32 to index
        %parallel_loop3A_343 = arith.index_cast %parallel_loop3A_341 : i32 to index
        %parallel_loop3A_344 = arith.index_cast %parallel_loop3A_227 : i32 to index
        %parallel_loop3A_345 = arith.index_cast %parallel_loop3A_245 : i32 to index
        %parallel_loop3A_346 = tpu.vector_load %arg6[%parallel_loop3A_342, %parallel_loop3A_343, %parallel_loop3A_344, %parallel_loop3A_345] {strides = array<i32>} : memref<2x16x4x512xf32, #tpu.memory_space<vmem>>, vector<16xf32>,
        tpu.vector_store_idx %arg7[%parallel_loop3A_339], %parallel_loop3A_346 {add = true} : memref<8704xf32, #tpu.memory_space<vmem>>[vector<16xi32>], vector<16xf32>,
        %parallel_loop3A_347 = arith.constant 144 : i32
        %parallel_loop3A_348 = vector.broadcast %parallel_loop3A_347 : i32 to vector<16xi32>
        %parallel_loop3A_349 = arith.addi %parallel_loop3A_256, %parallel_loop3A_348 : vector<16xi32>
        %parallel_loop3A_350 = arith.constant 1 : i32
        %parallel_loop3A_351 = arith.constant 9 : i32
        %parallel_loop3A_352 = arith.index_cast %parallel_loop3A_350 : i32 to index
        %parallel_loop3A_353 = arith.index_cast %parallel_loop3A_351 : i32 to index
        %parallel_loop3A_354 = arith.index_cast %parallel_loop3A_227 : i32 to index
        %parallel_loop3A_355 = arith.index_cast %parallel_loop3A_245 : i32 to index
        %parallel_loop3A_356 = tpu.vector_load %arg6[%parallel_loop3A_352, %parallel_loop3A_353, %parallel_loop3A_354, %parallel_loop3A_355] {strides = array<i32>} : memref<2x16x4x512xf32, #tpu.memory_space<vmem>>, vector<16xf32>,
        tpu.vector_store_idx %arg7[%parallel_loop3A_349], %parallel_loop3A_356 {add = true} : memref<8704xf32, #tpu.memory_space<vmem>>[vector<16xi32>], vector<16xf32>,
        %parallel_loop3A_357 = arith.constant 160 : i32
        %parallel_loop3A_358 = vector.broadcast %parallel_loop3A_357 : i32 to vector<16xi32>
        %parallel_loop3A_359 = arith.addi %parallel_loop3A_256, %parallel_loop3A_358 : vector<16xi32>
        %parallel_loop3A_360 = arith.constant 1 : i32
        %parallel_loop3A_361 = arith.constant 10 : i32
        %parallel_loop3A_362 = arith.index_cast %parallel_loop3A_360 : i32 to index
        %parallel_loop3A_363 = arith.index_cast %parallel_loop3A_361 : i32 to index
        %parallel_loop3A_364 = arith.index_cast %parallel_loop3A_227 : i32 to index
        %parallel_loop3A_365 = arith.index_cast %parallel_loop3A_245 : i32 to index
        %parallel_loop3A_366 = tpu.vector_load %arg6[%parallel_loop3A_362, %parallel_loop3A_363, %parallel_loop3A_364, %parallel_loop3A_365] {strides = array<i32>} : memref<2x16x4x512xf32, #tpu.memory_space<vmem>>, vector<16xf32>,
        tpu.vector_store_idx %arg7[%parallel_loop3A_359], %parallel_loop3A_366 {add = true} : memref<8704xf32, #tpu.memory_space<vmem>>[vector<16xi32>], vector<16xf32>,
        %parallel_loop3A_367 = arith.constant 176 : i32
        %parallel_loop3A_368 = vector.broadcast %parallel_loop3A_367 : i32 to vector<16xi32>
        %parallel_loop3A_369 = arith.addi %parallel_loop3A_256, %parallel_loop3A_368 : vector<16xi32>
        %parallel_loop3A_370 = arith.constant 1 : i32
        %parallel_loop3A_371 = arith.constant 11 : i32
        %parallel_loop3A_372 = arith.index_cast %parallel_loop3A_370 : i32 to index
        %parallel_loop3A_373 = arith.index_cast %parallel_loop3A_371 : i32 to index
        %parallel_loop3A_374 = arith.index_cast %parallel_loop3A_227 : i32 to index
        %parallel_loop3A_375 = arith.index_cast %parallel_loop3A_245 : i32 to index
        %parallel_loop3A_376 = tpu.vector_load %arg6[%parallel_loop3A_372, %parallel_loop3A_373, %parallel_loop3A_374, %parallel_loop3A_375] {strides = array<i32>} : memref<2x16x4x512xf32, #tpu.memory_space<vmem>>, vector<16xf32>,
        tpu.vector_store_idx %arg7[%parallel_loop3A_369], %parallel_loop3A_376 {add = true} : memref<8704xf32, #tpu.memory_space<vmem>>[vector<16xi32>], vector<16xf32>,
        %parallel_loop3A_377 = arith.constant 192 : i32
        %parallel_loop3A_378 = vector.broadcast %parallel_loop3A_377 : i32 to vector<16xi32>
        %parallel_loop3A_379 = arith.addi %parallel_loop3A_256, %parallel_loop3A_378 : vector<16xi32>
        %parallel_loop3A_380 = arith.constant 1 : i32
        %parallel_loop3A_381 = arith.constant 12 : i32
        %parallel_loop3A_382 = arith.index_cast %parallel_loop3A_380 : i32 to index
        %parallel_loop3A_383 = arith.index_cast %parallel_loop3A_381 : i32 to index
        %parallel_loop3A_384 = arith.index_cast %parallel_loop3A_227 : i32 to index
        %parallel_loop3A_385 = arith.index_cast %parallel_loop3A_245 : i32 to index
        %parallel_loop3A_386 = tpu.vector_load %arg6[%parallel_loop3A_382, %parallel_loop3A_383, %parallel_loop3A_384, %parallel_loop3A_385] {strides = array<i32>} : memref<2x16x4x512xf32, #tpu.memory_space<vmem>>, vector<16xf32>,
        tpu.vector_store_idx %arg7[%parallel_loop3A_379], %parallel_loop3A_386 {add = true} : memref<8704xf32, #tpu.memory_space<vmem>>[vector<16xi32>], vector<16xf32>,
        %parallel_loop3A_387 = arith.constant 208 : i32
        %parallel_loop3A_388 = vector.broadcast %parallel_loop3A_387 : i32 to vector<16xi32>
        %parallel_loop3A_389 = arith.addi %parallel_loop3A_256, %parallel_loop3A_388 : vector<16xi32>
        %parallel_loop3A_390 = arith.constant 1 : i32
        %parallel_loop3A_391 = arith.constant 13 : i32
        %parallel_loop3A_392 = arith.index_cast %parallel_loop3A_390 : i32 to index
        %parallel_loop3A_393 = arith.index_cast %parallel_loop3A_391 : i32 to index
        %parallel_loop3A_394 = arith.index_cast %parallel_loop3A_227 : i32 to index
        %parallel_loop3A_395 = arith.index_cast %parallel_loop3A_245 : i32 to index
        %parallel_loop3A_396 = tpu.vector_load %arg6[%parallel_loop3A_392, %parallel_loop3A_393, %parallel_loop3A_394, %parallel_loop3A_395] {strides = array<i32>} : memref<2x16x4x512xf32, #tpu.memory_space<vmem>>, vector<16xf32>,
        tpu.vector_store_idx %arg7[%parallel_loop3A_389], %parallel_loop3A_396 {add = true} : memref<8704xf32, #tpu.memory_space<vmem>>[vector<16xi32>], vector<16xf32>,
        %parallel_loop3A_397 = arith.constant 224 : i32
        %parallel_loop3A_398 = vector.broadcast %parallel_loop3A_397 : i32 to vector<16xi32>
        %parallel_loop3A_399 = arith.addi %parallel_loop3A_256, %parallel_loop3A_398 : vector<16xi32>
        %parallel_loop3A_400 = arith.constant 1 : i32
        %parallel_loop3A_401 = arith.constant 14 : i32
        %parallel_loop3A_402 = arith.index_cast %parallel_loop3A_400 : i32 to index
        %parallel_loop3A_403 = arith.index_cast %parallel_loop3A_401 : i32 to index
        %parallel_loop3A_404 = arith.index_cast %parallel_loop3A_227 : i32 to index
        %parallel_loop3A_405 = arith.index_cast %parallel_loop3A_245 : i32 to index
        %parallel_loop3A_406 = tpu.vector_load %arg6[%parallel_loop3A_402, %parallel_loop3A_403, %parallel_loop3A_404, %parallel_loop3A_405] {strides = array<i32>} : memref<2x16x4x512xf32, #tpu.memory_space<vmem>>, vector<16xf32>,
        tpu.vector_store_idx %arg7[%parallel_loop3A_399], %parallel_loop3A_406 {add = true} : memref<8704xf32, #tpu.memory_space<vmem>>[vector<16xi32>], vector<16xf32>,
        %parallel_loop3A_407 = arith.constant 240 : i32
        %parallel_loop3A_408 = vector.broadcast %parallel_loop3A_407 : i32 to vector<16xi32>
        %parallel_loop3A_409 = arith.addi %parallel_loop3A_256, %parallel_loop3A_408 : vector<16xi32>
        %parallel_loop3A_410 = arith.constant 1 : i32
        %parallel_loop3A_411 = arith.constant 15 : i32
        %parallel_loop3A_412 = arith.index_cast %parallel_loop3A_410 : i32 to index
        %parallel_loop3A_413 = arith.index_cast %parallel_loop3A_411 : i32 to index
        %parallel_loop3A_414 = arith.index_cast %parallel_loop3A_227 : i32 to index
        %parallel_loop3A_415 = arith.index_cast %parallel_loop3A_245 : i32 to index
        %parallel_loop3A_416 = tpu.vector_load %arg6[%parallel_loop3A_412, %parallel_loop3A_413, %parallel_loop3A_414, %parallel_loop3A_415] {strides = array<i32>} : memref<2x16x4x512xf32, #tpu.memory_space<vmem>>, vector<16xf32>,
        tpu.vector_store_idx %arg7[%parallel_loop3A_409], %parallel_loop3A_416 {add = true} : memref<8704xf32, #tpu.memory_space<vmem>>[vector<16xi32>], vector<16xf32>,
        %parallel_loop3A_417 = arith.constant 256 : i32
        %parallel_loop3A_418 = vector.broadcast %parallel_loop3A_417 : i32 to vector<16xi32>
        %parallel_loop3A_419 = arith.addi %parallel_loop3A_256, %parallel_loop3A_418 : vector<16xi32>
        tpu.vector_store_idx %arg7[%parallel_loop3A_419], %broadcast_in_dim3A_5 {add = true} : memref<8704xf32, #tpu.memory_space<vmem>>[vector<16xi32>], vector<16xf32>,
      } {sc.loop_unroll_factor = 2 : i64, sc.parallel_access}
      %scan3A_202 = arith.constant 0 : i32
      scf.yield %scan3A_202 : i32
    }
    %scan3A_48 = arith.constant 8 : i32
    %parallel_loop3A_49 = arith.constant 0 : i32
    %parallel_loop3A_50 = arith.constant 34 : i32
    %parallel_loop3A_51 = arith.constant 1 : i32
    scf.for %parallel_loop3A_52 = %parallel_loop3A_49 to %parallel_loop3A_50 step %parallel_loop3A_51  : i32 {
      %parallel_loop3A_53 = arith.constant 0.000000e+00 : f32
      %parallel_loop3A_54 = vector.broadcast %parallel_loop3A_53 : f32 to vector<16xf32>
      %parallel_loop3A_55 = arith.constant 256 : i32
      %parallel_loop3A_56 = arith.muli %parallel_loop3A_52, %parallel_loop3A_55 : i32
      %parallel_loop3A_57 = tpu.iota {dimensions = array<i32: 0>} : vector<16xi32>
      %parallel_loop3A_58 = arith.constant 16 : i32
      %parallel_loop3A_59 = vector.broadcast %parallel_loop3A_58 : i32 to vector<16xi32>
      %parallel_loop3A_60 = arith.muli %parallel_loop3A_57, %parallel_loop3A_59 : vector<16xi32>
      %parallel_loop3A_61 = vector.broadcast %parallel_loop3A_56 : i32 to vector<16xi32>
      %parallel_loop3A_62 = arith.addi %parallel_loop3A_61, %parallel_loop3A_60 : vector<16xi32>
      %parallel_loop3A_63 = arith.constant 0 : i32
      %parallel_loop3A_64 = vector.broadcast %parallel_loop3A_63 : i32 to vector<16xi32>
      %parallel_loop3A_65 = arith.addi %parallel_loop3A_62, %parallel_loop3A_64 : vector<16xi32>
      %parallel_loop3A_66 = tpu.vector_load_idx %arg7[%parallel_loop3A_65] : memref<8704xf32, #tpu.memory_space<vmem>>[vector<16xi32>], vector<16xf32>,
      %parallel_loop3A_67 = arith.addf %parallel_loop3A_54, %parallel_loop3A_66 : vector<16xf32>
      %parallel_loop3A_68 = arith.constant 1 : i32
      %parallel_loop3A_69 = vector.broadcast %parallel_loop3A_68 : i32 to vector<16xi32>
      %parallel_loop3A_70 = arith.addi %parallel_loop3A_62, %parallel_loop3A_69 : vector<16xi32>
      %parallel_loop3A_71 = tpu.vector_load_idx %arg7[%parallel_loop3A_70] : memref<8704xf32, #tpu.memory_space<vmem>>[vector<16xi32>], vector<16xf32>,
      %parallel_loop3A_72 = arith.addf %parallel_loop3A_67, %parallel_loop3A_71 : vector<16xf32>
      %parallel_loop3A_73 = arith.constant 2 : i32
      %parallel_loop3A_74 = vector.broadcast %parallel_loop3A_73 : i32 to vector<16xi32>
      %parallel_loop3A_75 = arith.addi %parallel_loop3A_62, %parallel_loop3A_74 : vector<16xi32>
      %parallel_loop3A_76 = tpu.vector_load_idx %arg7[%parallel_loop3A_75] : memref<8704xf32, #tpu.memory_space<vmem>>[vector<16xi32>], vector<16xf32>,
      %parallel_loop3A_77 = arith.addf %parallel_loop3A_72, %parallel_loop3A_76 : vector<16xf32>
      %parallel_loop3A_78 = arith.constant 3 : i32
      %parallel_loop3A_79 = vector.broadcast %parallel_loop3A_78 : i32 to vector<16xi32>
      %parallel_loop3A_80 = arith.addi %parallel_loop3A_62, %parallel_loop3A_79 : vector<16xi32>
      %parallel_loop3A_81 = tpu.vector_load_idx %arg7[%parallel_loop3A_80] : memref<8704xf32, #tpu.memory_space<vmem>>[vector<16xi32>], vector<16xf32>,
      %parallel_loop3A_82 = arith.addf %parallel_loop3A_77, %parallel_loop3A_81 : vector<16xf32>
      %parallel_loop3A_83 = arith.constant 4 : i32
      %parallel_loop3A_84 = vector.broadcast %parallel_loop3A_83 : i32 to vector<16xi32>
      %parallel_loop3A_85 = arith.addi %parallel_loop3A_62, %parallel_loop3A_84 : vector<16xi32>
      %parallel_loop3A_86 = tpu.vector_load_idx %arg7[%parallel_loop3A_85] : memref<8704xf32, #tpu.memory_space<vmem>>[vector<16xi32>], vector<16xf32>,
      %parallel_loop3A_87 = arith.addf %parallel_loop3A_82, %parallel_loop3A_86 : vector<16xf32>
      %parallel_loop3A_88 = arith.constant 5 : i32
      %parallel_loop3A_89 = vector.broadcast %parallel_loop3A_88 : i32 to vector<16xi32>
      %parallel_loop3A_90 = arith.addi %parallel_loop3A_62, %parallel_loop3A_89 : vector<16xi32>
      %parallel_loop3A_91 = tpu.vector_load_idx %arg7[%parallel_loop3A_90] : memref<8704xf32, #tpu.memory_space<vmem>>[vector<16xi32>], vector<16xf32>,
      %parallel_loop3A_92 = arith.addf %parallel_loop3A_87, %parallel_loop3A_91 : vector<16xf32>
      %parallel_loop3A_93 = arith.constant 6 : i32
      %parallel_loop3A_94 = vector.broadcast %parallel_loop3A_93 : i32 to vector<16xi32>
      %parallel_loop3A_95 = arith.addi %parallel_loop3A_62, %parallel_loop3A_94 : vector<16xi32>
      %parallel_loop3A_96 = tpu.vector_load_idx %arg7[%parallel_loop3A_95] : memref<8704xf32, #tpu.memory_space<vmem>>[vector<16xi32>], vector<16xf32>,
      %parallel_loop3A_97 = arith.addf %parallel_loop3A_92, %parallel_loop3A_96 : vector<16xf32>
      %parallel_loop3A_98 = arith.constant 7 : i32
      %parallel_loop3A_99 = vector.broadcast %parallel_loop3A_98 : i32 to vector<16xi32>
      %parallel_loop3A_100 = arith.addi %parallel_loop3A_62, %parallel_loop3A_99 : vector<16xi32>
      %parallel_loop3A_101 = tpu.vector_load_idx %arg7[%parallel_loop3A_100] : memref<8704xf32, #tpu.memory_space<vmem>>[vector<16xi32>], vector<16xf32>,
      %parallel_loop3A_102 = arith.addf %parallel_loop3A_97, %parallel_loop3A_101 : vector<16xf32>
      %parallel_loop3A_103 = arith.constant 8 : i32
      %parallel_loop3A_104 = vector.broadcast %parallel_loop3A_103 : i32 to vector<16xi32>
      %parallel_loop3A_105 = arith.addi %parallel_loop3A_62, %parallel_loop3A_104 : vector<16xi32>
      %parallel_loop3A_106 = tpu.vector_load_idx %arg7[%parallel_loop3A_105] : memref<8704xf32, #tpu.memory_space<vmem>>[vector<16xi32>], vector<16xf32>,
      %parallel_loop3A_107 = arith.addf %parallel_loop3A_102, %parallel_loop3A_106 : vector<16xf32>
      %parallel_loop3A_108 = arith.constant 9 : i32
      %parallel_loop3A_109 = vector.broadcast %parallel_loop3A_108 : i32 to vector<16xi32>
      %parallel_loop3A_110 = arith.addi %parallel_loop3A_62, %parallel_loop3A_109 : vector<16xi32>
      %parallel_loop3A_111 = tpu.vector_load_idx %arg7[%parallel_loop3A_110] : memref<8704xf32, #tpu.memory_space<vmem>>[vector<16xi32>], vector<16xf32>,
      %parallel_loop3A_112 = arith.addf %parallel_loop3A_107, %parallel_loop3A_111 : vector<16xf32>
      %parallel_loop3A_113 = arith.constant 10 : i32
      %parallel_loop3A_114 = vector.broadcast %parallel_loop3A_113 : i32 to vector<16xi32>
      %parallel_loop3A_115 = arith.addi %parallel_loop3A_62, %parallel_loop3A_114 : vector<16xi32>
      %parallel_loop3A_116 = tpu.vector_load_idx %arg7[%parallel_loop3A_115] : memref<8704xf32, #tpu.memory_space<vmem>>[vector<16xi32>], vector<16xf32>,
      %parallel_loop3A_117 = arith.addf %parallel_loop3A_112, %parallel_loop3A_116 : vector<16xf32>
      %parallel_loop3A_118 = arith.constant 11 : i32
      %parallel_loop3A_119 = vector.broadcast %parallel_loop3A_118 : i32 to vector<16xi32>
      %parallel_loop3A_120 = arith.addi %parallel_loop3A_62, %parallel_loop3A_119 : vector<16xi32>
      %parallel_loop3A_121 = tpu.vector_load_idx %arg7[%parallel_loop3A_120] : memref<8704xf32, #tpu.memory_space<vmem>>[vector<16xi32>], vector<16xf32>,
      %parallel_loop3A_122 = arith.addf %parallel_loop3A_117, %parallel_loop3A_121 : vector<16xf32>
      %parallel_loop3A_123 = arith.constant 12 : i32
      %parallel_loop3A_124 = vector.broadcast %parallel_loop3A_123 : i32 to vector<16xi32>
      %parallel_loop3A_125 = arith.addi %parallel_loop3A_62, %parallel_loop3A_124 : vector<16xi32>
      %parallel_loop3A_126 = tpu.vector_load_idx %arg7[%parallel_loop3A_125] : memref<8704xf32, #tpu.memory_space<vmem>>[vector<16xi32>], vector<16xf32>,
      %parallel_loop3A_127 = arith.addf %parallel_loop3A_122, %parallel_loop3A_126 : vector<16xf32>
      %parallel_loop3A_128 = arith.constant 13 : i32
      %parallel_loop3A_129 = vector.broadcast %parallel_loop3A_128 : i32 to vector<16xi32>
      %parallel_loop3A_130 = arith.addi %parallel_loop3A_62, %parallel_loop3A_129 : vector<16xi32>
      %parallel_loop3A_131 = tpu.vector_load_idx %arg7[%parallel_loop3A_130] : memref<8704xf32, #tpu.memory_space<vmem>>[vector<16xi32>], vector<16xf32>,
      %parallel_loop3A_132 = arith.addf %parallel_loop3A_127, %parallel_loop3A_131 : vector<16xf32>
      %parallel_loop3A_133 = arith.constant 14 : i32
      %parallel_loop3A_134 = vector.broadcast %parallel_loop3A_133 : i32 to vector<16xi32>
      %parallel_loop3A_135 = arith.addi %parallel_loop3A_62, %parallel_loop3A_134 : vector<16xi32>
      %parallel_loop3A_136 = tpu.vector_load_idx %arg7[%parallel_loop3A_135] : memref<8704xf32, #tpu.memory_space<vmem>>[vector<16xi32>], vector<16xf32>,
      %parallel_loop3A_137 = arith.addf %parallel_loop3A_132, %parallel_loop3A_136 : vector<16xf32>
      %parallel_loop3A_138 = arith.constant 15 : i32
      %parallel_loop3A_139 = vector.broadcast %parallel_loop3A_138 : i32 to vector<16xi32>
      %parallel_loop3A_140 = arith.addi %parallel_loop3A_62, %parallel_loop3A_139 : vector<16xi32>
      %parallel_loop3A_141 = tpu.vector_load_idx %arg7[%parallel_loop3A_140] : memref<8704xf32, #tpu.memory_space<vmem>>[vector<16xi32>], vector<16xf32>,
      %parallel_loop3A_142 = arith.addf %parallel_loop3A_137, %parallel_loop3A_141 : vector<16xf32>
      %parallel_loop3A_143 = arith.constant 16 : i32
      %parallel_loop3A_144 = arith.muli %parallel_loop3A_52, %parallel_loop3A_143 : i32
      %parallel_loop3A_145 = arith.index_cast %parallel_loop3A_144 : i32 to index
      %parallel_loop3A_146 = tpu.vector_load %arg8[%parallel_loop3A_145] {strides = array<i32>} : memref<544xf32, #tpu.memory_space<vmem>>, vector<16xf32>,
      tpu.vector_store %arg8[%parallel_loop3A_145], %parallel_loop3A_142 {strides = array<i32>} : memref<544xf32, #tpu.memory_space<vmem>>, vector<16xf32>,
    } {sc.loop_unroll_factor = 2 : i64, sc.parallel_access}
    "tpu.region"() ({
      %run_scoped3A = tpu.sem_alloc : memref<!tpu.dma_semaphore, #tpu.memory_space<semaphore_mem>>
      %dma_start3A_52 = arith.constant 0 : i32
      %dma_start3A_53 = tpu.memref_slice %arg4[%add3A, %dma_start3A_52] : memref<32x544xf32, #tpu.memory_space<hbm>> -> memref<1x544xf32, #tpu.memory_space<hbm>>
      %dma_start3A_54 = tpu.memref_squeeze %dma_start3A_53 : memref<1x544xf32, #tpu.memory_space<hbm>> -> memref<544xf32, #tpu.memory_space<hbm>>
      %dma_start3A_55 = arith.constant 0 : i32
      %dma_start3A_56 = tpu.memref_slice %arg4[%add3A, %dma_start3A_55] : memref<32x544xf32, #tpu.memory_space<hbm>> -> memref<1x544xf32, #tpu.memory_space<hbm>>
      %dma_start3A_57 = tpu.memref_squeeze %dma_start3A_56 : memref<1x544xf32, #tpu.memory_space<hbm>> -> memref<544xf32, #tpu.memory_space<hbm>>
      tpu.enqueue_dma source(%arg8 : memref<544xf32, #tpu.memory_space<vmem>>) target(%dma_start3A_57 : memref<544xf32, #tpu.memory_space<hbm>>) target_semaphore(%run_scoped3A : memref<!tpu.dma_semaphore, #tpu.memory_space<semaphore_mem>>)
      %dma_wait3A = arith.constant 0 : i32
      %dma_wait3A_58 = tpu.memref_slice %arg4[%add3A, %dma_wait3A] : memref<32x544xf32, #tpu.memory_space<hbm>> -> memref<1x544xf32, #tpu.memory_space<hbm>>
      %dma_wait3A_59 = tpu.memref_squeeze %dma_wait3A_58 : memref<1x544xf32, #tpu.memory_space<hbm>> -> memref<544xf32, #tpu.memory_space<hbm>>
      %dma_wait3A_60 = arith.constant 0 : i32
      %dma_wait3A_61 = tpu.memref_slice %arg4[%add3A, %dma_wait3A_60] : memref<32x544xf32, #tpu.memory_space<hbm>> -> memref<1x544xf32, #tpu.memory_space<hbm>>
      %dma_wait3A_62 = tpu.memref_squeeze %dma_wait3A_61 : memref<1x544xf32, #tpu.memory_space<hbm>> -> memref<544xf32, #tpu.memory_space<hbm>>
      tpu.wait_dma2 semaphore(%run_scoped3A : memref<!tpu.dma_semaphore, #tpu.memory_space<semaphore_mem>>) src(%arg8 : memref<544xf32, #tpu.memory_space<vmem>>) dst(%dma_wait3A_62 : memref<544xf32, #tpu.memory_space<hbm>>)
      tpu.yield
    }) : () -> ()
    return
  }
}

module attributes {stable_mosaic.version = 14 : i64} {
  func.func @_loss_body(%arg0: i32, %arg1: i32, %arg2: memref<1x16x64x512xf32, #tpu.memory_space<vmem>>, %arg3: memref<1x64x512xi32, #tpu.memory_space<vmem>>, %arg4: memref<32x1x8x17xf32, #tpu.memory_space<vmem>>, %arg5: memref<1x1xf32, #tpu.memory_space<vmem>>) attributes {dimension_semantics = [#tpu.dimension_semantics<arbitrary>, #tpu.dimension_semantics<arbitrary>], iteration_bounds = array<i64: 4, 8>, scalar_prefetch = 0 : i64, scratch_operands = 0 : i64, tpu.core_type = #tpu.core_type<tc>, window_params = [{transform_indices = @transform_0, window_bounds = array<i64: 1, 16, 64, 512>}, {transform_indices = @transform_1, window_bounds = array<i64: 1, 64, 512>}, {transform_indices = @transform_2, window_bounds = array<i64: 32, 1, 8, 17>}, {pipeline_mode = #tpu.pipeline_mode<synchronous>, transform_indices = @transform_3, window_bounds = array<i64: 1, 1>}]} {
    %eq3A = arith.constant 0 : i32
    %eq3A_0 = arith.cmpi eq, %arg0, %eq3A : i32
    %eq3A_1 = arith.constant 0 : i32
    %eq3A_2 = arith.cmpi eq, %arg1, %eq3A_1 : i32
    %and3A = arith.andi %eq3A_0, %eq3A_2 : i1
    %convert_element_type3A = arith.extui %and3A : i1 to i32
    %cond3A = arith.constant 0 : i32
    %cond3A_3 = arith.cmpi ne, %convert_element_type3A, %cond3A : i32
    scf.if %cond3A_3 {
      %broadcast_in_dim3A_149 = arith.constant 0.000000e+00 : f32
      %broadcast_in_dim3A_150 = vector.broadcast %broadcast_in_dim3A_149 : f32 to vector<1x1xf32>
      %swap3A_151 = arith.constant 0 : index
      %swap3A_152 = arith.constant 0 : index
      %swap3A_153 = vector.load %arg5[%swap3A_151, %swap3A_152] : memref<1x1xf32, #tpu.memory_space<vmem>>, vector<1x1xf32>
      tpu.vector_store %arg5[%swap3A_151, %swap3A_152], %broadcast_in_dim3A_150 {strides = array<i32>} : memref<1x1xf32, #tpu.memory_space<vmem>>, vector<1x1xf32>,
    } else {
    }
    %get3A = arith.constant 0 : index
    %get3A_4 = arith.constant 0 : index
    %get3A_5 = arith.constant 0 : index
    %get3A_6 = arith.constant 0 : index
    %get3A_7 = vector.load %arg4[%get3A, %get3A_4, %get3A_5, %get3A_6] : memref<32x1x8x17xf32, #tpu.memory_space<vmem>>, vector<32x1x8x17xf32>
    %reduce_sum3A = arith.constant dense<0.000000e+00> : vector<8x17xf32>
    %reduce_sum3A_8 = vector.multi_reduction <add>, %get3A_7, %reduce_sum3A [0, 1] : vector<32x1x8x17xf32> to vector<8x17xf32>
    %slice3A = vector.extract_strided_slice %reduce_sum3A_8 {offsets = [0, 0], sizes = [8, 16], strides = [1, 1]} : vector<8x17xf32> to vector<8x16xf32>
    %slice3A_9 = vector.extract_strided_slice %reduce_sum3A_8 {offsets = [0, 16], sizes = [8, 1], strides = [1, 1]} : vector<8x17xf32> to vector<8x1xf32>
    %max3A = arith.constant 1.000000e+00 : f32
    %max3A_10 = vector.broadcast %max3A : f32 to vector<8x1xf32>
    %max3A_11 = arith.maximumf %slice3A_9, %max3A_10 : vector<8x1xf32>
    %div3A = vector.broadcast %max3A_11 : vector<8x1xf32> to vector<8x16xf32>
    %div3A_12 = arith.divf %slice3A, %div3A : vector<8x16xf32>
    %gt3A = arith.constant 0.000000e+00 : f32
    %gt3A_13 = vector.broadcast %gt3A : f32 to vector<8x1xf32>
    %gt3A_14 = arith.cmpf ogt, %slice3A_9, %gt3A_13 : vector<8x1xf32>
    %convert_element_type3A_15 = arith.extui %gt3A_14 : vector<8x1xi1> to vector<8x1xi32>
    %convert_element_type3A_16 = arith.sitofp %convert_element_type3A_15 : vector<8x1xi32> to vector<8x1xf32>
    %reduce_sum3A_17 = vector.shape_cast %convert_element_type3A_16 : vector<8x1xf32> to vector<1x8x1xf32>
    %reduce_sum3A_18 = arith.constant dense<0.000000e+00> : vector<1xf32>
    %reduce_sum3A_19 = vector.multi_reduction <add>, %reduce_sum3A_17, %reduce_sum3A_18 [1, 2] : vector<1x8x1xf32> to vector<1xf32>
    %reduce_sum3A_20 = vector.shape_cast %reduce_sum3A_19 : vector<1xf32> to vector<1x1x1xf32>
    %reduce_sum3A_21 = vector.extract %reduce_sum3A_20[0, 0, 0] : f32 from vector<1x1x1xf32>
    %mul3A = arith.mulf %div3A_12, %div3A_12 : vector<8x16xf32>
    %reduce_sum3A_22 = arith.constant dense<0.000000e+00> : vector<8xf32>
    %reduce_sum3A_23 = vector.multi_reduction <add>, %mul3A, %reduce_sum3A_22 [1] : vector<8x16xf32> to vector<8xf32>
    %broadcast_in_dim3A = vector.shape_cast %reduce_sum3A_23 : vector<8xf32> to vector<8x1xf32>
    %broadcast_in_dim3A_24 = arith.constant 1.000000e+00 : f32
    %broadcast_in_dim3A_25 = vector.broadcast %broadcast_in_dim3A_24 : f32 to vector<1x1xf32>
    %dot_general3A = arith.constant dense<0.000000e+00> : vector<1x8xf32>
    %dot_general3A_26 = tpu.matmul %broadcast_in_dim3A_25, %broadcast_in_dim3A, %dot_general3A {dimension_numbers = #tpu.dot_dimension_numbers<[1], [1], [0], [0], [0, 0, 1, 0], [], []>, transpose_lhs_hint = false} : vector<1x1xf32>, vector<8x1xf32>, vector<1x8xf32> -> vector<1x8xf32>
    %get3A_27 = arith.constant 0 : index
    %get3A_28 = arith.constant 0 : index
    %get3A_29 = arith.constant 0 : index
    %get3A_30 = arith.constant 0 : index
    %get3A_31 = vector.load %arg2[%get3A_27, %get3A_28, %get3A_29, %get3A_30] : memref<1x16x64x512xf32, #tpu.memory_space<vmem>>, vector<1x16x64x512xf32>
    %get3A_32 = vector.shape_cast %get3A_31 : vector<1x16x64x512xf32> to vector<16x64x512xf32>
    %get3A_33 = arith.constant 0 : index
    %get3A_34 = arith.constant 0 : index
    %get3A_35 = arith.constant 0 : index
    %get3A_36 = vector.load %arg3[%get3A_33, %get3A_34, %get3A_35] : memref<1x64x512xi32, #tpu.memory_space<vmem>>, vector<1x64x512xi32>
    %get3A_37 = vector.shape_cast %get3A_36 : vector<1x64x512xi32> to vector<64x512xi32>
    %mul3A_38 = arith.mulf %get3A_32, %get3A_32 : vector<16x64x512xf32>
    %reduce_sum3A_39 = arith.constant dense<0.000000e+00> : vector<64x512xf32>
    %reduce_sum3A_40 = vector.multi_reduction <add>, %mul3A_38, %reduce_sum3A_39 [0] : vector<16x64x512xf32> to vector<64x512xf32>
    %dot_general3A_41 = arith.constant dense<0.000000e+00> : vector<8x64x512xf32>
    %dot_general3A_42 = tpu.matmul %div3A_12, %get3A_32, %dot_general3A_41 {dimension_numbers = #tpu.dot_dimension_numbers<[1], [0], [0], [1, 2], [0, 0, 1, 1, 1, 2], [], []>, transpose_lhs_hint = false} : vector<8x16xf32>, vector<16x64x512xf32>, vector<8x64x512xf32> -> vector<8x64x512xf32>
    %and3A_43 = arith.constant 1 : i32
    %and3A_44 = vector.broadcast %and3A_43 : i32 to vector<64x512xi32>
    %and3A_45 = arith.andi %get3A_37, %and3A_44 : vector<64x512xi32>
    %eq3A_46 = arith.constant 1 : i32
    %eq3A_47 = vector.broadcast %eq3A_46 : i32 to vector<64x512xi32>
    %eq3A_48 = arith.cmpi eq, %and3A_45, %eq3A_47 : vector<64x512xi32>
    %and3A_49 = arith.constant 2 : i32
    %and3A_50 = vector.broadcast %and3A_49 : i32 to vector<64x512xi32>
    %and3A_51 = arith.andi %get3A_37, %and3A_50 : vector<64x512xi32>
    %eq3A_52 = arith.constant 2 : i32
    %eq3A_53 = vector.broadcast %eq3A_52 : i32 to vector<64x512xi32>
    %eq3A_54 = arith.cmpi eq, %and3A_51, %eq3A_53 : vector<64x512xi32>
    %and3A_55 = arith.constant 4 : i32
    %and3A_56 = vector.broadcast %and3A_55 : i32 to vector<64x512xi32>
    %and3A_57 = arith.andi %get3A_37, %and3A_56 : vector<64x512xi32>
    %eq3A_58 = arith.constant 4 : i32
    %eq3A_59 = vector.broadcast %eq3A_58 : i32 to vector<64x512xi32>
    %eq3A_60 = arith.cmpi eq, %and3A_57, %eq3A_59 : vector<64x512xi32>
    %slice3A_61 = vector.extract_strided_slice %broadcast_in_dim3A {offsets = [1, 0], sizes = [1, 1], strides = [1, 1]} : vector<8x1xf32> to vector<1x1xf32>
    %squeeze3A = vector.extract %slice3A_61[0, 0] : f32 from vector<1x1xf32>
    %slice3A_62 = vector.extract_strided_slice %broadcast_in_dim3A {offsets = [0, 0], sizes = [1, 1], strides = [1, 1]} : vector<8x1xf32> to vector<1x1xf32>
    %squeeze3A_63 = vector.extract %slice3A_62[0, 0] : f32 from vector<1x1xf32>
    %broadcast_in_dim3A_64 = vector.broadcast %squeeze3A : f32 to vector<64x512xf32>
    %broadcast_in_dim3A_65 = vector.broadcast %squeeze3A_63 : f32 to vector<64x512xf32>
    %select_n3A = arith.select %eq3A_48, %broadcast_in_dim3A_64, %broadcast_in_dim3A_65 : vector<64x512xi1>, vector<64x512xf32>
    %slice3A_66 = vector.extract_strided_slice %broadcast_in_dim3A {offsets = [3, 0], sizes = [1, 1], strides = [1, 1]} : vector<8x1xf32> to vector<1x1xf32>
    %squeeze3A_67 = vector.extract %slice3A_66[0, 0] : f32 from vector<1x1xf32>
    %slice3A_68 = vector.extract_strided_slice %broadcast_in_dim3A {offsets = [2, 0], sizes = [1, 1], strides = [1, 1]} : vector<8x1xf32> to vector<1x1xf32>
    %squeeze3A_69 = vector.extract %slice3A_68[0, 0] : f32 from vector<1x1xf32>
    %broadcast_in_dim3A_70 = vector.broadcast %squeeze3A_67 : f32 to vector<64x512xf32>
    %broadcast_in_dim3A_71 = vector.broadcast %squeeze3A_69 : f32 to vector<64x512xf32>
    %select_n3A_72 = arith.select %eq3A_48, %broadcast_in_dim3A_70, %broadcast_in_dim3A_71 : vector<64x512xi1>, vector<64x512xf32>
    %slice3A_73 = vector.extract_strided_slice %broadcast_in_dim3A {offsets = [5, 0], sizes = [1, 1], strides = [1, 1]} : vector<8x1xf32> to vector<1x1xf32>
    %squeeze3A_74 = vector.extract %slice3A_73[0, 0] : f32 from vector<1x1xf32>
    %slice3A_75 = vector.extract_strided_slice %broadcast_in_dim3A {offsets = [4, 0], sizes = [1, 1], strides = [1, 1]} : vector<8x1xf32> to vector<1x1xf32>
    %squeeze3A_76 = vector.extract %slice3A_75[0, 0] : f32 from vector<1x1xf32>
    %broadcast_in_dim3A_77 = vector.broadcast %squeeze3A_74 : f32 to vector<64x512xf32>
    %broadcast_in_dim3A_78 = vector.broadcast %squeeze3A_76 : f32 to vector<64x512xf32>
    %select_n3A_79 = arith.select %eq3A_48, %broadcast_in_dim3A_77, %broadcast_in_dim3A_78 : vector<64x512xi1>, vector<64x512xf32>
    %slice3A_80 = vector.extract_strided_slice %broadcast_in_dim3A {offsets = [7, 0], sizes = [1, 1], strides = [1, 1]} : vector<8x1xf32> to vector<1x1xf32>
    %squeeze3A_81 = vector.extract %slice3A_80[0, 0] : f32 from vector<1x1xf32>
    %slice3A_82 = vector.extract_strided_slice %broadcast_in_dim3A {offsets = [6, 0], sizes = [1, 1], strides = [1, 1]} : vector<8x1xf32> to vector<1x1xf32>
    %squeeze3A_83 = vector.extract %slice3A_82[0, 0] : f32 from vector<1x1xf32>
    %broadcast_in_dim3A_84 = vector.broadcast %squeeze3A_81 : f32 to vector<64x512xf32>
    %broadcast_in_dim3A_85 = vector.broadcast %squeeze3A_83 : f32 to vector<64x512xf32>
    %select_n3A_86 = arith.select %eq3A_48, %broadcast_in_dim3A_84, %broadcast_in_dim3A_85 : vector<64x512xi1>, vector<64x512xf32>
    %select_n3A_87 = arith.select %eq3A_54, %select_n3A_72, %select_n3A : vector<64x512xi1>, vector<64x512xf32>
    %select_n3A_88 = arith.select %eq3A_54, %select_n3A_86, %select_n3A_79 : vector<64x512xi1>, vector<64x512xf32>
    %select_n3A_89 = arith.select %eq3A_60, %select_n3A_88, %select_n3A_87 : vector<64x512xi1>, vector<64x512xf32>
    %slice3A_90 = vector.extract_strided_slice %dot_general3A_42 {offsets = [1, 0, 0], sizes = [1, 64, 512], strides = [1, 1, 1]} : vector<8x64x512xf32> to vector<1x64x512xf32>
    %squeeze3A_91 = vector.shape_cast %slice3A_90 : vector<1x64x512xf32> to vector<64x512xf32>
    %slice3A_92 = vector.extract_strided_slice %dot_general3A_42 {offsets = [0, 0, 0], sizes = [1, 64, 512], strides = [1, 1, 1]} : vector<8x64x512xf32> to vector<1x64x512xf32>
    %squeeze3A_93 = vector.shape_cast %slice3A_92 : vector<1x64x512xf32> to vector<64x512xf32>
    %select_n3A_94 = arith.select %eq3A_48, %squeeze3A_91, %squeeze3A_93 : vector<64x512xi1>, vector<64x512xf32>
    %slice3A_95 = vector.extract_strided_slice %dot_general3A_42 {offsets = [3, 0, 0], sizes = [1, 64, 512], strides = [1, 1, 1]} : vector<8x64x512xf32> to vector<1x64x512xf32>
    %squeeze3A_96 = vector.shape_cast %slice3A_95 : vector<1x64x512xf32> to vector<64x512xf32>
    %slice3A_97 = vector.extract_strided_slice %dot_general3A_42 {offsets = [2, 0, 0], sizes = [1, 64, 512], strides = [1, 1, 1]} : vector<8x64x512xf32> to vector<1x64x512xf32>
    %squeeze3A_98 = vector.shape_cast %slice3A_97 : vector<1x64x512xf32> to vector<64x512xf32>
    %select_n3A_99 = arith.select %eq3A_48, %squeeze3A_96, %squeeze3A_98 : vector<64x512xi1>, vector<64x512xf32>
    %slice3A_100 = vector.extract_strided_slice %dot_general3A_42 {offsets = [5, 0, 0], sizes = [1, 64, 512], strides = [1, 1, 1]} : vector<8x64x512xf32> to vector<1x64x512xf32>
    %squeeze3A_101 = vector.shape_cast %slice3A_100 : vector<1x64x512xf32> to vector<64x512xf32>
    %slice3A_102 = vector.extract_strided_slice %dot_general3A_42 {offsets = [4, 0, 0], sizes = [1, 64, 512], strides = [1, 1, 1]} : vector<8x64x512xf32> to vector<1x64x512xf32>
    %squeeze3A_103 = vector.shape_cast %slice3A_102 : vector<1x64x512xf32> to vector<64x512xf32>
    %select_n3A_104 = arith.select %eq3A_48, %squeeze3A_101, %squeeze3A_103 : vector<64x512xi1>, vector<64x512xf32>
    %slice3A_105 = vector.extract_strided_slice %dot_general3A_42 {offsets = [7, 0, 0], sizes = [1, 64, 512], strides = [1, 1, 1]} : vector<8x64x512xf32> to vector<1x64x512xf32>
    %squeeze3A_106 = vector.shape_cast %slice3A_105 : vector<1x64x512xf32> to vector<64x512xf32>
    %slice3A_107 = vector.extract_strided_slice %dot_general3A_42 {offsets = [6, 0, 0], sizes = [1, 64, 512], strides = [1, 1, 1]} : vector<8x64x512xf32> to vector<1x64x512xf32>
    %squeeze3A_108 = vector.shape_cast %slice3A_107 : vector<1x64x512xf32> to vector<64x512xf32>
    %select_n3A_109 = arith.select %eq3A_48, %squeeze3A_106, %squeeze3A_108 : vector<64x512xi1>, vector<64x512xf32>
    %select_n3A_110 = arith.select %eq3A_54, %select_n3A_99, %select_n3A_94 : vector<64x512xi1>, vector<64x512xf32>
    %select_n3A_111 = arith.select %eq3A_54, %select_n3A_109, %select_n3A_104 : vector<64x512xi1>, vector<64x512xf32>
    %select_n3A_112 = arith.select %eq3A_60, %select_n3A_111, %select_n3A_110 : vector<64x512xi1>, vector<64x512xf32>
    %add3A = arith.addf %reduce_sum3A_40, %select_n3A_89 : vector<64x512xf32>
    %mul3A_113 = arith.constant 2.000000e+00 : f32
    %mul3A_114 = vector.broadcast %mul3A_113 : f32 to vector<64x512xf32>
    %mul3A_115 = arith.mulf %mul3A_114, %select_n3A_112 : vector<64x512xf32>
    %sub3A = arith.subf %add3A, %mul3A_115 : vector<64x512xf32>
    %max3A_116 = arith.constant 0.000000e+00 : f32
    %max3A_117 = vector.broadcast %max3A_116 : f32 to vector<64x512xf32>
    %max3A_118 = arith.maximumf %sub3A, %max3A_117 : vector<64x512xf32>
    %sqrt3A = math.sqrt %max3A_118 : vector<64x512xf32>
    %sub3A_119 = arith.constant 1.000000e+00 : f32
    %sub3A_120 = vector.broadcast %sub3A_119 : f32 to vector<64x512xf32>
    %sub3A_121 = arith.subf %sqrt3A, %sub3A_120 : vector<64x512xf32>
    %max3A_122 = arith.constant 0.000000e+00 : f32
    %max3A_123 = vector.broadcast %max3A_122 : f32 to vector<64x512xf32>
    %max3A_124 = arith.maximumf %sub3A_121, %max3A_123 : vector<64x512xf32>
    %mul3A_125 = arith.mulf %max3A_124, %max3A_124 : vector<64x512xf32>
    %reduce_sum3A_126 = vector.shape_cast %mul3A_125 : vector<64x512xf32> to vector<1x64x512xf32>
    %reduce_sum3A_127 = arith.constant dense<0.000000e+00> : vector<1xf32>
    %reduce_sum3A_128 = vector.multi_reduction <add>, %reduce_sum3A_126, %reduce_sum3A_127 [1, 2] : vector<1x64x512xf32> to vector<1xf32>
    %reduce_sum3A_129 = vector.shape_cast %reduce_sum3A_128 : vector<1xf32> to vector<1x1x1xf32>
    %reduce_sum3A_130 = vector.extract %reduce_sum3A_129[0, 0, 0] : f32 from vector<1x1x1xf32>
    %gt3A_131 = arith.constant 1.000000e+00 : f32
    %gt3A_132 = arith.cmpf ogt, %reduce_sum3A_21, %gt3A_131 : f32
    %max3A_133 = arith.constant 1.000000e+00 : f32
    %max3A_134 = arith.maximumf %reduce_sum3A_21, %max3A_133 : f32
    %div3A_135 = arith.divf %reduce_sum3A_130, %max3A_134 : f32
    %jit3A = arith.constant 0.000000e+00 : f32
    %select_n3A_136 = arith.select %gt3A_132, %div3A_135, %jit3A : f32
    %eq3A_137 = arith.constant 0 : i32
    %eq3A_138 = arith.cmpi eq, %arg1, %eq3A_137 : i32
    %convert_element_type3A_139 = arith.extui %eq3A_138 : i1 to i32
    %cond3A_140 = arith.constant 0 : i32
    %cond3A_141 = arith.cmpi ne, %convert_element_type3A_139, %cond3A_140 : i32
    scf.if %cond3A_141 {
      %dot_general3A_149 = arith.constant dense<0.000000e+00> : vector<8x8xf32>
      %dot_general3A_150 = tpu.matmul %div3A_12, %div3A_12, %dot_general3A_149 {dimension_numbers = #tpu.dot_dimension_numbers<[1], [1], [0], [0], [0, 0, 1, 0], [], []>, transpose_lhs_hint = false} : vector<8x16xf32>, vector<8x16xf32>, vector<8x8xf32> -> vector<8x8xf32>
      %dot_general3A_151 = arith.constant dense<0.000000e+00> : vector<1x8xf32>
      %dot_general3A_152 = tpu.matmul %broadcast_in_dim3A_25, %slice3A_9, %dot_general3A_151 {dimension_numbers = #tpu.dot_dimension_numbers<[1], [1], [0], [0], [0, 0, 1, 0], [], []>, transpose_lhs_hint = false} : vector<1x1xf32>, vector<8x1xf32>, vector<1x8xf32> -> vector<1x8xf32>
      %add3A_153 = vector.broadcast %broadcast_in_dim3A : vector<8x1xf32> to vector<8x8xf32>
      %add3A_154 = vector.broadcast %dot_general3A_26 : vector<1x8xf32> to vector<8x8xf32>
      %add3A_155 = arith.addf %add3A_153, %add3A_154 : vector<8x8xf32>
      %mul3A_156 = arith.constant 2.000000e+00 : f32
      %mul3A_157 = vector.broadcast %mul3A_156 : f32 to vector<8x8xf32>
      %mul3A_158 = arith.mulf %mul3A_157, %dot_general3A_150 : vector<8x8xf32>
      %sub3A_159 = arith.subf %add3A_155, %mul3A_158 : vector<8x8xf32>
      %iota3A = tpu.iota {dimensions = array<i32: 0>} : vector<8x8xi32>
      %iota3A_160 = tpu.iota {dimensions = array<i32: 1>} : vector<8x8xi32>
      %lt3A = arith.cmpi slt, %iota3A, %iota3A_160 : vector<8x8xi32>
      %and3A_161 = vector.broadcast %gt3A_14 : vector<8x1xi1> to vector<8x8xi1>
      %and3A_162 = arith.andi %lt3A, %and3A_161 : vector<8x8xi1>
      %gt3A_163 = arith.constant 0.000000e+00 : f32
      %gt3A_164 = vector.broadcast %gt3A_163 : f32 to vector<1x8xf32>
      %gt3A_165 = arith.cmpf ogt, %dot_general3A_152, %gt3A_164 : vector<1x8xf32>
      %and3A_166 = vector.broadcast %gt3A_165 : vector<1x8xi1> to vector<8x8xi1>
      %and3A_167 = arith.andi %and3A_162, %and3A_166 : vector<8x8xi1>
      %jit3A_168 = arith.constant 1.000000e+00 : f32
      %broadcast_in_dim3A_169 = vector.broadcast %jit3A_168 : f32 to vector<8x8xf32>
      %select_n3A_170 = arith.select %and3A_167, %sub3A_159, %broadcast_in_dim3A_169 : vector<8x8xi1>, vector<8x8xf32>
      %sqrt3A_171 = math.sqrt %select_n3A_170 : vector<8x8xf32>
      %sub3A_172 = arith.constant 4.000000e+00 : f32
      %sub3A_173 = vector.broadcast %sub3A_172 : f32 to vector<8x8xf32>
      %sub3A_174 = arith.subf %sub3A_173, %sqrt3A_171 : vector<8x8xf32>
      %max3A_175 = arith.constant 0.000000e+00 : f32
      %max3A_176 = vector.broadcast %max3A_175 : f32 to vector<8x8xf32>
      %max3A_177 = arith.maximumf %sub3A_174, %max3A_176 : vector<8x8xf32>
      %integer_pow3A = arith.mulf %max3A_177, %max3A_177 : vector<8x8xf32>
      %jit3A_178 = arith.constant 0.000000e+00 : f32
      %broadcast_in_dim3A_179 = vector.broadcast %jit3A_178 : f32 to vector<8x8xf32>
      %select_n3A_180 = arith.select %and3A_167, %integer_pow3A, %broadcast_in_dim3A_179 : vector<8x8xi1>, vector<8x8xf32>
      %reduce_sum3A_181 = vector.shape_cast %select_n3A_180 : vector<8x8xf32> to vector<1x8x8xf32>
      %reduce_sum3A_182 = arith.constant dense<0.000000e+00> : vector<1xf32>
      %reduce_sum3A_183 = vector.multi_reduction <add>, %reduce_sum3A_181, %reduce_sum3A_182 [1, 2] : vector<1x8x8xf32> to vector<1xf32>
      %reduce_sum3A_184 = vector.shape_cast %reduce_sum3A_183 : vector<1xf32> to vector<1x1x1xf32>
      %reduce_sum3A_185 = vector.extract %reduce_sum3A_184[0, 0, 0] : f32 from vector<1x1x1xf32>
      %sub3A_186 = arith.constant 1.000000e+00 : f32
      %sub3A_187 = arith.subf %reduce_sum3A_21, %sub3A_186 : f32
      %mul3A_188 = arith.mulf %reduce_sum3A_21, %sub3A_187 : f32
      %max3A_189 = arith.constant 1.000000e+00 : f32
      %max3A_190 = arith.maximumf %mul3A_188, %max3A_189 : f32
      %div3A_191 = arith.divf %reduce_sum3A_185, %max3A_190 : f32
      %gt3A_192 = arith.constant 0.000000e+00 : f32
      %gt3A_193 = vector.broadcast %gt3A_192 : f32 to vector<8x1xf32>
      %gt3A_194 = arith.cmpf ogt, %broadcast_in_dim3A, %gt3A_193 : vector<8x1xf32>
      %and3A_195 = arith.andi %gt3A_14, %gt3A_194 : vector<8x1xi1>
      %jit3A_196 = arith.constant 1.000000e+00 : f32
      %broadcast_in_dim3A_197 = vector.broadcast %jit3A_196 : f32 to vector<8x1xf32>
      %select_n3A_198 = arith.select %and3A_195, %broadcast_in_dim3A, %broadcast_in_dim3A_197 : vector<8x1xi1>, vector<8x1xf32>
      %sqrt3A_199 = math.sqrt %select_n3A_198 : vector<8x1xf32>
      %sub3A_200 = arith.constant 4.000000e+00 : f32
      %sub3A_201 = vector.broadcast %sub3A_200 : f32 to vector<8x1xf32>
      %sub3A_202 = arith.subf %sqrt3A_199, %sub3A_201 : vector<8x1xf32>
      %max3A_203 = arith.constant 0.000000e+00 : f32
      %max3A_204 = vector.broadcast %max3A_203 : f32 to vector<8x1xf32>
      %max3A_205 = arith.maximumf %sub3A_202, %max3A_204 : vector<8x1xf32>
      %jit3A_206 = arith.constant 0.000000e+00 : f32
      %broadcast_in_dim3A_207 = vector.broadcast %jit3A_206 : f32 to vector<8x1xf32>
      %select_n3A_208 = arith.select %and3A_195, %max3A_205, %broadcast_in_dim3A_207 : vector<8x1xi1>, vector<8x1xf32>
      %reduce_sum3A_209 = vector.shape_cast %select_n3A_208 : vector<8x1xf32> to vector<1x8x1xf32>
      %reduce_sum3A_210 = arith.constant dense<0.000000e+00> : vector<1xf32>
      %reduce_sum3A_211 = vector.multi_reduction <add>, %reduce_sum3A_209, %reduce_sum3A_210 [1, 2] : vector<1x8x1xf32> to vector<1xf32>
      %reduce_sum3A_212 = vector.shape_cast %reduce_sum3A_211 : vector<1xf32> to vector<1x1x1xf32>
      %reduce_sum3A_213 = vector.extract %reduce_sum3A_212[0, 0, 0] : f32 from vector<1x1x1xf32>
      %max3A_214 = arith.constant 1.000000e+00 : f32
      %max3A_215 = arith.maximumf %reduce_sum3A_21, %max3A_214 : f32
      %div3A_216 = arith.divf %reduce_sum3A_213, %max3A_215 : f32
      %get3A_217 = arith.constant 0 : index
      %get3A_218 = arith.constant 0 : index
      %get3A_219 = vector.load %arg5[%get3A_217, %get3A_218] : memref<1x1xf32, #tpu.memory_space<vmem>>, vector<1x1xf32>
      %gt3A_220 = arith.constant 1.000000e+00 : f32
      %gt3A_221 = arith.cmpf ogt, %reduce_sum3A_21, %gt3A_220 : f32
      %add3A_222 = arith.addf %div3A_191, %div3A_216 : f32
      %jit3A_223 = arith.constant 0.000000e+00 : f32
      %select_n3A_224 = arith.select %gt3A_221, %add3A_222, %jit3A_223 : f32
      %broadcast_in_dim3A_225 = vector.broadcast %select_n3A_224 : f32 to vector<1x1xf32>
      %add3A_226 = arith.addf %get3A_219, %broadcast_in_dim3A_225 : vector<1x1xf32>
      %swap3A_227 = arith.constant 0 : index
      %swap3A_228 = arith.constant 0 : index
      %swap3A_229 = vector.load %arg5[%swap3A_227, %swap3A_228] : memref<1x1xf32, #tpu.memory_space<vmem>>, vector<1x1xf32>
      tpu.vector_store %arg5[%swap3A_227, %swap3A_228], %add3A_226 {strides = array<i32>} : memref<1x1xf32, #tpu.memory_space<vmem>>, vector<1x1xf32>,
    } else {
    }
    %get3A_142 = arith.constant 0 : index
    %get3A_143 = arith.constant 0 : index
    %get3A_144 = vector.load %arg5[%get3A_142, %get3A_143] : memref<1x1xf32, #tpu.memory_space<vmem>>, vector<1x1xf32>
    %broadcast_in_dim3A_145 = vector.broadcast %select_n3A_136 : f32 to vector<1x1xf32>
    %add3A_146 = arith.addf %get3A_144, %broadcast_in_dim3A_145 : vector<1x1xf32>
    %swap3A = arith.constant 0 : index
    %swap3A_147 = arith.constant 0 : index
    %swap3A_148 = vector.load %arg5[%swap3A, %swap3A_147] : memref<1x1xf32, #tpu.memory_space<vmem>>, vector<1x1xf32>
    tpu.vector_store %arg5[%swap3A, %swap3A_147], %add3A_146 {strides = array<i32>} : memref<1x1xf32, #tpu.memory_space<vmem>>, vector<1x1xf32>,
    return
  }
  func.func @transform_0(%arg0: i32, %arg1: i32) -> (i32, i32, i32, i32) {
    %c0_i32 = arith.constant 0 : i32
    %c0_i32_0 = arith.constant 0 : i32
    %c0_i32_1 = arith.constant 0 : i32
    return %arg0, %c0_i32, %arg1, %c0_i32_0 : i32, i32, i32, i32
  }
  func.func @transform_1(%arg0: i32, %arg1: i32) -> (i32, i32, i32) {
    %c0_i32 = arith.constant 0 : i32
    %c0_i32_0 = arith.constant 0 : i32
    return %arg0, %arg1, %c0_i32 : i32, i32, i32
  }
  func.func @transform_2(%arg0: i32, %arg1: i32) -> (i32, i32, i32, i32) {
    %c0_i32 = arith.constant 0 : i32
    %c0_i32_0 = arith.constant 0 : i32
    %c0_i32_1 = arith.constant 0 : i32
    %c0_i32_2 = arith.constant 0 : i32
    return %c0_i32, %arg0, %c0_i32_0, %c0_i32_1 : i32, i32, i32, i32
  }
  func.func @transform_3(%arg0: i32, %arg1: i32) -> (i32, i32) {
    %c0_i32 = arith.constant 0 : i32
    %c0_i32_0 = arith.constant 0 : i32
    %c0_i32_1 = arith.constant 0 : i32
    return %c0_i32, %c0_i32_0 : i32, i32
  }
}

</mosaic_0001>

<sc_bundles>
// kernel: kernel.4.cloned.1.call-start
scs
__scs_entry_jumppad:
0x0: {  	(pc) =	sbr.rel $0x88, $3  }
0x1: {  	(tag) =	ssettag $0x0;
	lr =	simm.s32 $0x1  }
0x2: {  	[smem:$0x3F9F] =	sst lr;
	_ =	strace $0xD0000000  }
0x3: {  	_ = 	snop  }
0x4: {  	_ = 	snop  }
0x5: {  	_ = 	snop  }
0x6: {  	_ = 	snop  }
0x7: {  	_ = 	snop  }
__scs_overlays_trampoline_lowered:
0x8: {  	[smem:$0x3FAE] =	sst s0  }
0x9: {  	[smem:$0x3FAF] =	sst s1  }
0xa: {  	[smem:$0x3FB0] =	sst s2  }
0xb: {  	[smem:$0x3FB1] =	sst s3  }
0xc: {  	[smem:$0x3FB2] =	sst s4  }
0xd: {  	[smem:$0x3FB3] =	sst s5  }
0xe: {  	[smem:$0x3FB4] =	sst s6  }
0xf: {  	[smem:$0x3FB5] =	sst s7  }
0x10: {  	[smem:$0x3FB6] =	sst s8  }
0x11: {  	[smem:$0x3FB7] =	sst s9;
	s0 =	simm.s32 @!p0 $0x0  }
0x12: {  	s1 =	sld [smem:$0x3F9D];
	s0 =	simm.s32 @p0 $0x1  }
0x13: {  	[smem:$0x3FB8] =	sst s0;
	s0 =	simm.s32 @!p1 $0x0  }
0x14: {  	s2 =	sld [smem:$0x3F9C];
	s0 =	simm.s32 @p1 $0x1  }
0x15: {  	[smem:$0x3FB9] =	sst s0;
	s0 =	simm.s32 @!p2 $0x0  }
0x16: {  	s3 =	sld [smem:$0x3FDB];
	s0 =	simm.s32 @p2 $0x1  }
0x17: {  	s4 =	simm.s32 $0x1BF5;
	[smem:$0x3FBB] =	sst s0  }
0x18: {  	s0 =	sld [smem:$0x3F9E];
	_ =	swait.ge [sflag:s4], $0x0  }
0x19: {  	s7 =	sld [smem:$0x3F9F]  }
0x1a: {  	s8 =	sadd.s32 $0xFFFFE003, lr  }
0x1b: {  	s9 =	sadd.s32 $0xFFFFFEF7, lr;
	s5 =	simm.s32 $0xFFFFFFFF;
	p2 =	slt.u32 s8, $0xFFFFF086  }
0x1c: {  	p1 =	slt.u32 s9, $0xF7A;
	s5 =	simm.s32 @!p2 $0x0  }
0x1d: {  	s5 =	simm.s32 @p1 $0x1;
	p0 =	seq.s32 s7, s2  }
0x1e: {  	s7 =	smul.u32 @!p0 $0xF7A, s2;
	p2 =	seq.s32 @!p0 s5, $0x0  }
0x1f: {  	s9 =	smul.u32 $0xF7A, s1;
	s8 =	simm.s32 @!p0 $0x1BF5;
	p2 =	por !p2, p0  }
0x20: {  	[sflag:s8] =	ssyncset.s32 @!p0 $0xFFFFF086;
	s6 =	sadd.s32 @!p0 s3, s7;
	s7 =	simm.s32 @!p0 $0x108  }
0x21: {  	s3 =	sadd.s32 s3, s9;
	s6 =	sadd.s32 @!p0 $0x88, s6;
	s7 =	simm.s32 @p2 $0x1082  }
0x22: {  	[simem:s7], [sflag:s8] =	dma.local @!p0 [hbm:s6], $0xF7A  }
0x23: {  	s9 =	sor.u32 $0xD0000000, s2;
	s6 =	simm.s32 $0x108;
	_ =	swait.ge @!p0 [sflag:s8], $0x0  }
0x24: {  	s3 =	sadd.s32 $0x88, s3;
	s6 =	simm.s32 @!p1 $0x1082;
	[sflag:s4] =	ssyncset.s32 $0xFFFFF086  }
0x25: {  	[simem:s6], [sflag:s4] =	dma.local [hbm:s3], $0xF7A  }
0x26: {  	[smem:$0x3F9F] =	sst s1;
	(tag) =	ssettag s2;
	_ =	strace s9  }
0x27: {  	s1 =	sld [smem:$0x3FAF]  }
0x28: {  	s2 =	sld [smem:$0x3FB0]  }
0x29: {  	s4 =	sld [smem:$0x3FB2]  }
0x2a: {  	p0 =	seq.s32 s5, $0x0;
	s5 =	sld [smem:$0x3FB3]  }
0x2b: {  	s6 =	sld [smem:$0x3FB4]  }
0x2c: {  	s7 =	sld [smem:$0x3FB5]  }
0x2d: {  	s3 =	simm.s32 $0x108;
	s8 =	sld [smem:$0x3FB6]  }
0x2e: {  	s3 =	simm.s32 @!p0 $0x1082;
	s9 =	sld [smem:$0x3FB7]  }
0x2f: {  	lr =	sadd.s32 s0, s3;
	s0 =	sld [smem:$0x3FAE]  }
0x30: {  	s3 =	sld [smem:$0x3FB1]  }
0x31: {  	[smem:$0x3FBA] =	sst s10  }
0x32: {  	s10 =	sld [smem:$0x3FB8];
	_ =	sdelay $0x3  }
0x33: {  	p0 =	seq.s32 s10, $0x1;
	s10 =	sld [smem:$0x3FBA];
	_ =	sdelay $0x3  }
0x34: {  	[smem:$0x3FBA] =	sst s10  }
0x35: {  	s10 =	sld [smem:$0x3FB9];
	_ =	sdelay $0x3  }
0x36: {  	p1 =	seq.s32 s10, $0x1;
	s10 =	sld [smem:$0x3FBA];
	_ =	sdelay $0x3  }
0x37: {  	[smem:$0x3FBA] =	sst s10  }
0x38: {  	s10 =	sld [smem:$0x3FBB]  }
0x39: {  	_ = 	snop;
	(pc) =	sbr.ind lr, $3  }
0x3a: {  	_ = 	snop  }
0x3b: {  	_ = 	snop  }
0x3c: {  	p2 =	seq.s32 s10, $0x1;
	s10 =	sld [smem:$0x3FBA]  }
0x3d: {  	_ =	shalt  }
0x3e: {  	_ =	shalt  }
0x3f: {  	_ =	shalt  }
0x40: {  	_ =	shalt  }
0x41: {  	_ =	shalt  }
0x42: {  	_ =	shalt  }
0x43: {  	_ =	shalt  }
0x44: {  	_ =	shalt  }
0x45: {  	_ =	shalt  }
0x46: {  	_ =	shalt  }
0x47: {  	_ =	shalt  }
0x48: {  	_ =	shalt  }
0x49: {  	_ =	shalt  }
0x4a: {  	_ =	shalt  }
0x4b: {  	_ =	shalt  }
0x4c: {  	_ =	shalt  }
0x4d: {  	_ =	shalt  }
0x4e: {  	_ =	shalt  }
0x4f: {  	_ =	shalt  }
0x50: {  	_ =	shalt  }
0x51: {  	_ =	shalt  }
0x52: {  	_ =	shalt  }
0x53: {  	_ =	shalt  }
0x54: {  	_ =	shalt  }
0x55: {  	_ =	shalt  }
0x56: {  	_ =	shalt  }
0x57: {  	_ =	shalt  }
0x58: {  	_ =	shalt  }
0x59: {  	_ =	shalt  }
0x5a: {  	_ =	shalt  }
0x5b: {  	_ =	shalt  }
0x5c: {  	_ =	shalt  }
0x5d: {  	_ =	shalt  }
0x5e: {  	_ =	shalt  }
0x5f: {  	_ =	shalt  }
0x60: {  	_ =	shalt  }
0x61: {  	_ =	shalt  }
0x62: {  	_ =	shalt  }
0x63: {  	_ =	shalt  }
0x64: {  	_ =	shalt  }
0x65: {  	_ =	shalt  }
0x66: {  	_ =	shalt  }
0x67: {  	_ =	shalt  }
0x68: {  	_ =	shalt  }
0x69: {  	_ =	shalt  }
0x6a: {  	_ =	shalt  }
0x6b: {  	_ =	shalt  }
0x6c: {  	_ =	shalt  }
0x6d: {  	_ =	shalt  }
0x6e: {  	_ =	shalt  }
0x6f: {  	_ =	shalt  }
0x70: {  	_ =	shalt  }
0x71: {  	_ =	shalt  }
0x72: {  	_ =	shalt  }
0x73: {  	_ =	shalt  }
0x74: {  	_ =	shalt  }
0x75: {  	_ =	shalt  }
0x76: {  	_ =	shalt  }
0x77: {  	_ =	shalt  }
0x78: {  	_ =	shalt  }
0x79: {  	_ =	shalt  }
0x7a: {  	_ =	shalt  }
0x7b: {  	_ =	shalt  }
0x7c: {  	_ =	shalt  }
0x7d: {  	_ =	shalt  }
0x7e: {  	_ =	shalt  }
0x7f: {  	_ =	shalt  }
0x80: {  	_ =	shalt  }
0x81: {  	_ =	shalt  }
0x82: {  	_ =	shalt  }
0x83: {  	_ =	shalt  }
0x84: {  	_ =	shalt  }
0x85: {  	_ =	shalt  }
0x86: {  	_ =	shalt  }
0x87: {  	_ =	shalt  }
.Lfunc_end0:
.L_simem_size_0:
called_computation_lowered:
.L_overlay_start_0:
0x88: {  	s2 =	sld [smem:$0x3FD9]  }
0x89: {  	s3 =	sld [smem:$0x3FFE];
	_ =	sdelay $0x1  }
0x8a: {  	s1 =	srdreg.scid  }
0x8b: {  	s0 =	sand.u32 $0x1, s1  }
0x8c: {  	s17 =	sshll.u32 s0, $0xA;
	s2 =	sadd.s32 s3, s2  }
0x8d: {  	s2 =	sadd.s32 s2, s17  }
0x8e: {  	[smem:$0x3FC6] =	sst s2  }
0x8f: {  	_ = 	snop  }
0x90: {  	s2 =	sld [smem:$0x3FC9]  }
0x91: {  	s18 =	sld [smem:$0x3FC8];
	(tm) =	ssettm $0x1  }
0x92: {  	s4 =	sld [smem:$0x3FFB];
	_ =	sdelay $0x3  }
0x93: {  	_ =	strace s4  }
0x94: {  	s4 =	sld [smem:$0x3FFC];
	_ =	sdelay $0x3  }
0x95: {  	_ =	strace s4  }
0x96: {  	s4 =	sld [smem:$0x3FFD];
	_ =	sdelay $0x3  }
0x97: {  	_ =	strace s4  }
0x98: {  	_ =	strace $0x8FFFFFFF  }
0x99: {  	s19 =	sld [smem:$0x3FDB];
	_ =	sdelay $0x1  }
0x9a: {  	s5 =	simm.s32 $_scs_section_size  }
0x9b: {  	s6 =	simm.s32 $_size__tile_overlayer_lowered;
	s7 =	simm.s32 $_tile_overlayer_lowered  }
0x9c: {  	s22 =	simm.s32 $0x1BFF;
	s21 =	sshll.u32 s7, $0x1;
	s4 =	sadd.s32 s5, s19  }
0x9d: {  	s8 =	simm.s32 $0x0;
	s20 =	sshll.u32 s6, $0x1;
	s6 =	sadd.s32 s21, s4  }
0x9e: {  	[timem:s8], [sflag:s22] =	dma.local [hbm:s6], s20  }
0x9f: {  	_ =	swait.ge [sflag:s22], s20  }
0xa0: {  	s5 =	ssub.s32 $0x0, s20;
	[sflag:s22] =	ssyncset.done $0x0  }
0xa1: {  	[sflag:s22] =	ssyncadd.s32 s5;
	_ =	sdelay $0x1  }
0xa2: {  	s23 =	simm.s32 $0x1B8B  }
0xa3: {  	_ =	swait.ge [sflag:s23], $0x1  }
0xa4: {  	[sflag:s23] =	ssyncset.done $0x0  }
0xa5: {  	s25 =	simm.s32 $0x1B8E;
	s24 =	sld [smem:$0x3FFE];
	[sflag:s23] =	ssyncadd.s32 $0xFFFFFFFF  }
0xa6: {  	s26 =	simm.s32 $execute0_lowered;
	[smem:$0x3FD2] =	sst s25  }
0xa7: {  	s6 =	sshll.u32 s26, $0x1;
	_ =	strace $0x80000046;
	[dreg:$0x1] =	wrdreg $0xFFFFFFFF  }
0xa8: {  	s28 =	simm.s32 $_size_execute0_lowered;
	s4 =	sadd.s32 s4, s6;
	[dreg:$0x0] =	wrdreg $0x0  }
0xa9: {  	s6 =	sshll.u32 s28, $0x1;
	[dreg:$0x2] =	wrdreg s4  }
0xaa: {  	[dreg:$0x3] =	wrdreg s6  }
0xab: {  	[dreg:$0x4] =	wrdreg $0xC0  }
0xac: {  	_ =	task [dreg:s8], $0x5FFFF  }
0xad: {  	[dreg:$0x1] =	wrdreg $0xFFFFFFFF  }
0xae: {  	[dreg:$0x0] =	wrdreg $0x60  }
0xaf: {  	[dreg:$0x2] =	wrdreg s2  }
0xb0: {  	[dreg:$0x3] =	wrdreg s18  }
0xb1: {  	[dreg:$0x4] =	wrdreg s24  }
0xb2: {  	[dreg:$0x5] =	wrdreg $0x9  }
0xb3: {  	_ =	task.clear_ibuf [dreg:s8], $0x6FFFF;
	_ =	strace $0x90000046  }
0xb4: {  	s29 =	simm.s32 $0x9;
	_ =	strace $0x80000048  }
0xb5: {  	_ =	swait.ge [sflag:s29], $0x1  }
0xb6: {  	[sflag:s29] =	ssyncadd.s32 $0xFFFFFFFF  }
0xb7: {  	_ =	strace $0x90000048  }
0xb8: {  	_ =	sfence  }
0xb9: {  	s30 =	sld [smem:$0x0];
	_ =	sdelay $0x2  }
0xba: {  	s31 =	sshll.u32 s1, $0xD;
	s1 =	sshrl.u32 s1, $0x2  }
0xbb: {  	s3 =	sand.u32 $0x4000, s31;
	s1 =	sadd.s32 s1, s30  }
0xbc: {  	s0 =	sor.u32 s3, s0;
	s1 =	sshll.u32 s1, $0x11  }
0xbd: {  	s0 =	sor.u32 s1, s0  }
0xbe: {  	s0 =	sadd.s32 $0x8F2B, s0  }
0xbf: {  	[sflag:s0] =	ssyncadd.remote.s32 $0x1  }
0xc0: {  	_ =	sfence.sel $0xFFFF  }
0xc1: {  	[dreg:$0x0] =	wrdreg $0xFFFFFFFF;
	(pc) =	sbr.abs _section_cstart, $3  }
0xc2: {  	[dreg:$0x1] =	wrdreg $0xFFFFFFFF  }
0xc3: {  	_ =	task.clear_ibuf [dreg:s8], $0x2FFFF;
	_ =	strace $0x9FFFFFFF  }
0xc4: {  	(tm) =	ssettm $0x7FFFFFFF  }
0xc5: {  	_ =	shalt  }
tec
execute0_lowered:
.L_overlay_start_1:
0x0: {  	(tag) =	ssettag $0x1  }
0x1: {  	s5 =	rddreg [dreg:$0x0]  }
0x2: {  	s0 =	srdreg.scid;
	s6 =	rddreg [dreg:$0x1]  }
0x3: {  	s2 =	stileid.u32;
	s4 =	rddreg [dreg:$0x2]  }
0x4: {  	s7 =	simm.s32 $0x0;
	s0 =	sand.u32 $0x1, s0;
	s1 =	sshll.u32 s2, $0x1  }
0x5: {  	[smem:$0x7FF] =	sst s7;
	s13 =	sadd.s32 $0x40, s5;
	s14 =	sadd.s32 $0x40, s6  }
0x6: {  	s1 =	sor.u32 s0, s1;
	_ =	strace $0x80000047;
	[dreg:$0x1a] =	wrdreg s13  }
0x7: {  	s0 =	ssub.s32 $0x2, s0;
	[dreg:$0x1b] =	wrdreg s14;
	s3 =	sshll.u32 s1, $0x7  }
0x8: {  	s10 =	sshrl.u32 s0, $0x1;
	s11 =	sshll.u32 s1, $0x4;
	s1 =	sshll.u32 s1, $0xA  }
0x9: {  	[dreg:$0x17] =	wrdreg s11;
	s12 =	sadd.s32 s5, s1;
	s1 =	sadd.s32 s6, s1  }
0xa: {  	s0 =	ssub.s32 s0, s10;
	[dreg:$0x19] =	wrdreg s1  }
0xb: {  	s0 =	smax.u32 s0, $0x1;
	[dreg:$0x18] =	wrdreg s12  }
0xc: {  	s16 =	sadd.s32 $0x8000, s12;
	[dreg:$0x1d] =	wrdreg s0  }
0xd: {  	s17 =	sadd.s32 $0x10000, s12;
	[dreg:$0x1e] =	wrdreg s16  }
0xe: {  	s18 =	sadd.s32 $0x18000, s12;
	[dreg:$0x1f] =	wrdreg s17  }
0xf: {  	s19 =	sadd.s32 $0x20000, s12;
	[smem:$0x7F1] =	sst s18  }
0x10: {  	v0 =	vlaneseq.u32;
	v1 =	vimm.f32 $0.0e+00;
	v19 =	vimm.f32 $1.000000000e+00;
	s20 =	sadd.s32 $0x28000, s12;
	[smem:$0x7F2] =	sst s19  }
0x11: {  	v2 =	vor.u32 $0x10, v0;
	v3 =	vor.u32 $0x20, v0;
	v4 =	vor.u32 $0x30, v0;
	s21 =	sadd.s32 $0x30000, s12;
	[smem:$0x7F3] =	sst s20  }
0x12: {  	v5 =	vor.u32 $0x40, v0;
	v6 =	vor.u32 $0x50, v0;
	v7 =	vor.u32 $0x60, v0;
	s22 =	sadd.s32 $0x38000, s12;
	[smem:$0x7F4] =	sst s21  }
0x13: {  	v8 =	vor.u32 $0x70, v0;
	v9 =	vor.u32 $0x80, v0;
	v10 =	vor.u32 $0x90, v0;
	s23 =	sadd.s32 $0x40000, s12;
	[smem:$0x7F5] =	sst s22  }
0x14: {  	v11 =	vor.u32 $0xA0, v0;
	v12 =	vor.u32 $0xB0, v0;
	v13 =	vor.u32 $0xC0, v0;
	s24 =	sadd.s32 $0x48000, s12;
	[smem:$0x7F6] =	sst s23  }
0x15: {  	s2 =	sshrl.u32 s2, $0x2;
	v16 =	vand.u32 $0x7, v0;
	v14 =	vor.u32 $0xD0, v0;
	v15 =	vmul.u32 $0x10, v0;
	s25 =	sadd.s32 $0x50000, s12;
	[smem:$0x7F7] =	sst s24  }
0x16: {  	v17 =	vor.u32 $0xF0, v0;
	v18 =	vor.u32 $0x100, v0;
	s2 =	smul.u32 $0x1400, s2;
	v36 =	vmul.u32 $0x10, v16;
	s26 =	sadd.s32 $0x58000, s12;
	[smem:$0x7F8] =	sst s25  }
0x17: {  	v16 =	vor.u32 $0xE0, v0;
	v21 =	vor.u32 $0x1, v15;
	v22 =	vor.u32 $0x2, v15;
	s3 =	sand.u32 $0x380, s3;
	s28 =	sadd.s32 $0x60000, s12;
	[smem:$0x7F9] =	sst s26  }
0x18: {  	v23 =	vor.u32 $0x3, v15;
	v24 =	vor.u32 $0x4, v15;
	v25 =	vor.u32 $0x5, v15;
	s2 =	sor.u32 s2, s3;
	s29 =	sadd.s32 $0x68000, s12;
	[smem:$0x7FA] =	sst s28  }
0x19: {  	v26 =	vor.u32 $0x6, v15;
	v27 =	vor.u32 $0x7, v15;
	v28 =	vor.u32 $0x8, v15;
	s30 =	sadd.s32 $0x70000, s12;
	s2 =	sshrl.u32 s2, $0x3;
	[smem:$0x7FB] =	sst s29  }
0x1a: {  	v29 =	vor.u32 $0x9, v15;
	v30 =	vor.u32 $0xA, v15;
	v31 =	vor.u32 $0xB, v15;
	s31 =	sadd.s32 $0x78000, s12;
	[smem:$0x7FC] =	sst s30;
	s2 =	sadd.s32 s2, s4  }
0x1b: {  	v32 =	vor.u32 $0xC, v15;
	v20 =	vor.u32 $0xFFFFFE80, v36;
	v36 =	vor.u32 $0xFFFFFF80, v36;
	[smem:$0x7FD] =	sst s31;
	s15 =	sadd.s32 $0x600, s2  }
0x1c: {  	s13 =	simm.s32 $0x11000;
	v33 =	vor.u32 $0xD, v15;
	v34 =	vor.u32 $0xE, v15;
	v35 =	vor.u32 $0xF, v15;
	[tilespmem:$0x1FFF0] =	vst v36;
	s2 =	simm.s32 $0x0;
	[dreg:$0x1c] =	wrdreg s15  }
.LBB2_1:
0x1d: {  	[smem:$0x7F0] =	sst s2;
	s0 =	simm.s32 $0x11040  }
0x1e: {  	[tilespmem:s0+$0xFFFFFFC0] =	vst v1  }
0x1f: {  	[tilespmem:s0+$0x30] =	vst v1  }
0x20: {  	[tilespmem:s0+$0x20] =	vst v1  }
0x21: {  	[tilespmem:s0+$0x10] =	vst v1  }
0x22: {  	[tilespmem:s0+$0x0] =	vst v1  }
0x23: {  	[tilespmem:s0+$0xFFFFFFF0] =	vst v1  }
0x24: {  	s1 =	simm.s32 $0x0;
	[tilespmem:s0+$0xFFFFFFE0] =	vst v1  }
.LBB2_2:
0x25: {  	s1 =	sadd.s32 $0x8, s1;
	[tilespmem:s0+$0xFFFFFFD0] =	vst v1;
	s0 =	sadd.s32 $0x80, s0  }
0x26: {  	[tilespmem:s0+$0xFFFFFFC0] =	vst v1;
	p0 =	slt.u32 s1, $0x218  }
0x27: {  	[tilespmem:s0+$0x30] =	vst v1  }
.Ltmp0:
0x28: {  	[tilespmem:s0+$0x20] =	vst v1;
	(pc) =	sbr.rel @p0 .LBB2_2-.Ltmp0, $4  }
0x29: {  	[tilespmem:s0+$0x10] =	vst v1  }
0x2a: {  	[tilespmem:s0+$0x0] =	vst v1  }
0x2b: {  	[tilespmem:s0+$0xFFFFFFF0] =	vst v1  }
0x2c: {  	[tilespmem:s0+$0xFFFFFFE0] =	vst v1  }
0x2d: {  	[tilespmem:s0+$0xFFFFFFD0] =	vst v1  }
0x2e: {  	s1 =	simm.s32 $0x200;
	s0 =	rddreg [dreg:$0x18]  }
0x2f: {  	s2 =	simm.s32 $0x400;
	s3 =	simm.s32 $0x1000;
	s25 =	rddreg [dreg:$0x1e]  }
0x30: {  	[tilespmem:s3], [sflag:$0x1] =	stream.strided.gather [hbm4b:s0+s1], $0x800, s2, s1, $0x38;
	[tilespmem:$0x13480] =	vst v63  }
0x31: {  	s26 =	simm.s32 $0x1800;
	s28 =	rddreg [dreg:$0x1f]  }
0x32: {  	[tilespmem:s26], [sflag:$0x1] =	stream.strided.gather [hbm4b:s25+s1], $0x800, s2, s1, $0x38;
	[tilespmem:$0x13480] =	vst v63  }
0x33: {  	s29 =	simm.s32 $0x2000;
	s30 =	sld [smem:$0x7F1]  }
0x34: {  	[tilespmem:s29], [sflag:$0x1] =	stream.strided.gather [hbm4b:s28+s1], $0x800, s2, s1, $0x38;
	[tilespmem:$0x13480] =	vst v63  }
0x35: {  	s31 =	simm.s32 $0x2800;
	s4 =	sld [smem:$0x7F2]  }
0x36: {  	[tilespmem:s31], [sflag:$0x1] =	stream.strided.gather [hbm4b:s30+s1], $0x800, s2, s1, $0x38;
	[tilespmem:$0x13480] =	vst v63  }
0x37: {  	s5 =	simm.s32 $0x3000;
	s6 =	sld [smem:$0x7F3]  }
0x38: {  	[tilespmem:s5], [sflag:$0x1] =	stream.strided.gather [hbm4b:s4+s1], $0x800, s2, s1, $0x38;
	[tilespmem:$0x13480] =	vst v63  }
0x39: {  	s7 =	simm.s32 $0x3800;
	s8 =	sld [smem:$0x7F4]  }
0x3a: {  	[tilespmem:s7], [sflag:$0x1] =	stream.strided.gather [hbm4b:s6+s1], $0x800, s2, s1, $0x38;
	[tilespmem:$0x13480] =	vst v63  }
0x3b: {  	s9 =	simm.s32 $0x4000;
	s10 =	sld [smem:$0x7F5]  }
0x3c: {  	[tilespmem:s9], [sflag:$0x1] =	stream.strided.gather [hbm4b:s8+s1], $0x800, s2, s1, $0x38;
	[tilespmem:$0x13480] =	vst v63  }
0x3d: {  	s11 =	simm.s32 $0x4800;
	s12 =	sld [smem:$0x7F6]  }
0x3e: {  	[tilespmem:s11], [sflag:$0x1] =	stream.strided.gather [hbm4b:s10+s1], $0x800, s2, s1, $0x38;
	[tilespmem:$0x13480] =	vst v63  }
0x3f: {  	s14 =	simm.s32 $0x5000;
	s15 =	sld [smem:$0x7F7]  }
0x40: {  	[tilespmem:s14], [sflag:$0x1] =	stream.strided.gather [hbm4b:s12+s1], $0x800, s2, s1, $0x38;
	[tilespmem:$0x13480] =	vst v63  }
0x41: {  	s16 =	simm.s32 $0x5800;
	s17 =	sld [smem:$0x7F8]  }
0x42: {  	[tilespmem:s16], [sflag:$0x1] =	stream.strided.gather [hbm4b:s15+s1], $0x800, s2, s1, $0x38;
	[tilespmem:$0x13480] =	vst v63  }
0x43: {  	s18 =	simm.s32 $0x6000;
	s19 =	sld [smem:$0x7F9]  }
0x44: {  	[tilespmem:s18], [sflag:$0x1] =	stream.strided.gather [hbm4b:s17+s1], $0x800, s2, s1, $0x38;
	[tilespmem:$0x13480] =	vst v63  }
0x45: {  	s20 =	simm.s32 $0x6800;
	s21 =	sld [smem:$0x7FA]  }
0x46: {  	[tilespmem:s20], [sflag:$0x1] =	stream.strided.gather [hbm4b:s19+s1], $0x800, s2, s1, $0x38;
	[tilespmem:$0x13480] =	vst v63  }
0x47: {  	s22 =	simm.s32 $0x7000;
	s23 =	sld [smem:$0x7FB]  }
0x48: {  	[tilespmem:s22], [sflag:$0x1] =	stream.strided.gather [hbm4b:s21+s1], $0x800, s2, s1, $0x38;
	[tilespmem:$0x13480] =	vst v63  }
0x49: {  	s24 =	simm.s32 $0x7800;
	s25 =	sld [smem:$0x7FC]  }
0x4a: {  	[tilespmem:s24], [sflag:$0x1] =	stream.strided.gather [hbm4b:s23+s1], $0x800, s2, s1, $0x38;
	[tilespmem:$0x13480] =	vst v63  }
0x4b: {  	s26 =	simm.s32 $0x8000;
	s28 =	sld [smem:$0x7FD]  }
0x4c: {  	[tilespmem:s26], [sflag:$0x1] =	stream.strided.gather [hbm4b:s25+s1], $0x800, s2, s1, $0x38;
	[tilespmem:$0x13480] =	vst v63  }
0x4d: {  	s29 =	simm.s32 $0x8800  }
0x4e: {  	[tilespmem:s29], [sflag:$0x1] =	stream.strided.gather [hbm4b:s28+s1], $0x800, s2, s1, $0x38;
	[tilespmem:$0x13480] =	vst v63  }
0x4f: {  	s30 =	simm.s32 $0x0;
	s31 =	rddreg [dreg:$0x19];
	s26 =	simm.s32 $0x0  }
0x50: {  	[tilespmem:s30], [sflag:$0x1] =	stream.strided.gather [hbm4b:s31+s1], $0x800, s2, s1, $0x38;
	[tilespmem:$0x13480] =	vst v63  }
.LBB2_4:
0x51: {  	s2 =	simm.s32 $0x1  }
0x52: {  	s0 =	sshll.u32 s26, $0x3;
	s3 =	sshrl.u32 s26, $0x1;
	_ =	swait.ge [sflag:s2], $0x8000  }
0x53: {  	s0 =	sand.u32 $0x8, s0;
	[sflag:s2] =	ssyncset.done $0x0;
	s1 =	rddreg [dreg:$0x17]  }
0x54: {  	[smem:$0x7EF] =	sst s26;
	s0 =	sor.u32 s1, s0;
	[sflag:s2] =	ssyncadd.s32 $0xFFFF8000  }
0x55: {  	s4 =	sshll.u32 s3, $0x16;
	s0 =	sshll.u32 s0, $0x9;
	_ =	swait.ge [sflag:s2], $0x800  }
0x56: {  	s6 =	simm.s32 $0x9000;
	s1 =	sor.u32 s4, s0;
	[sflag:s2] =	ssyncset.done $0x0  }
0x57: {  	s5 =	rddreg [dreg:$0x1a];
	s4 =	simm.s32 $0x200;
	s1 =	sshrl.u32 s1, $0x3  }
0x58: {  	[sflag:s2] =	ssyncadd.s32 $0xFFFFF800;
	s1 =	sadd.s32 s1, s5;
	s5 =	simm.s32 $0x400  }
0x59: {  	[tilespmem:s6], [sflag:$0x2] =	stream.strided.gather [hbm4b:s1+s4], $0x800, s5, s4, $0x38;
	[tilespmem:$0x13480] =	vst v63  }
0x5a: {  	s7 =	sadd.s32 $0x8000, s1;
	s6 =	simm.s32 $0x9800  }
0x5b: {  	[tilespmem:s6], [sflag:$0x2] =	stream.strided.gather [hbm4b:s7+s4], $0x800, s5, s4, $0x38;
	[tilespmem:$0x13480] =	vst v63  }
0x5c: {  	s9 =	simm.s32 $0xA000;
	s8 =	sadd.s32 $0x10000, s1  }
0x5d: {  	[tilespmem:s9], [sflag:$0x2] =	stream.strided.gather [hbm4b:s8+s4], $0x800, s5, s4, $0x38;
	[tilespmem:$0x13480] =	vst v63  }
0x5e: {  	s11 =	simm.s32 $0xA800;
	s10 =	sadd.s32 $0x18000, s1  }
0x5f: {  	[tilespmem:s11], [sflag:$0x2] =	stream.strided.gather [hbm4b:s10+s4], $0x800, s5, s4, $0x38;
	[tilespmem:$0x13480] =	vst v63  }
0x60: {  	s14 =	simm.s32 $0xB000;
	s12 =	sadd.s32 $0x20000, s1  }
0x61: {  	[tilespmem:s14], [sflag:$0x2] =	stream.strided.gather [hbm4b:s12+s4], $0x800, s5, s4, $0x38;
	[tilespmem:$0x13480] =	vst v63  }
0x62: {  	s16 =	simm.s32 $0xB800;
	s15 =	sadd.s32 $0x28000, s1  }
0x63: {  	[tilespmem:s16], [sflag:$0x2] =	stream.strided.gather [hbm4b:s15+s4], $0x800, s5, s4, $0x38;
	[tilespmem:$0x13480] =	vst v63  }
0x64: {  	s18 =	simm.s32 $0xC000;
	s17 =	sadd.s32 $0x30000, s1  }
0x65: {  	[tilespmem:s18], [sflag:$0x2] =	stream.strided.gather [hbm4b:s17+s4], $0x800, s5, s4, $0x38;
	[tilespmem:$0x13480] =	vst v63  }
0x66: {  	s20 =	simm.s32 $0xC800;
	s19 =	sadd.s32 $0x38000, s1  }
0x67: {  	[tilespmem:s20], [sflag:$0x2] =	stream.strided.gather [hbm4b:s19+s4], $0x800, s5, s4, $0x38;
	[tilespmem:$0x13480] =	vst v63  }
0x68: {  	s22 =	simm.s32 $0xD000;
	s21 =	sadd.s32 $0x40000, s1  }
0x69: {  	[tilespmem:s22], [sflag:$0x2] =	stream.strided.gather [hbm4b:s21+s4], $0x800, s5, s4, $0x38;
	[tilespmem:$0x13480] =	vst v63  }
0x6a: {  	s24 =	simm.s32 $0xD800;
	s23 =	sadd.s32 $0x48000, s1  }
0x6b: {  	[tilespmem:s24], [sflag:$0x2] =	stream.strided.gather [hbm4b:s23+s4], $0x800, s5, s4, $0x38;
	[tilespmem:$0x13480] =	vst v63  }
0x6c: {  	s26 =	simm.s32 $0xE000;
	s25 =	sadd.s32 $0x50000, s1  }
0x6d: {  	[tilespmem:s26], [sflag:$0x2] =	stream.strided.gather [hbm4b:s25+s4], $0x800, s5, s4, $0x38;
	[tilespmem:$0x13480] =	vst v63  }
0x6e: {  	s7 =	sadd.s32 $0x58000, s1;
	s8 =	simm.s32 $0xE800  }
0x6f: {  	[tilespmem:s8], [sflag:$0x2] =	stream.strided.gather [hbm4b:s7+s4], $0x800, s5, s4, $0x38;
	[tilespmem:$0x13480] =	vst v63  }
0x70: {  	s9 =	sadd.s32 $0x60000, s1;
	s10 =	simm.s32 $0xF000;
	s11 =	sadd.s32 $0x68000, s1  }
0x71: {  	[tilespmem:s10], [sflag:$0x2] =	stream.strided.gather [hbm4b:s9+s4], $0x800, s5, s4, $0x38;
	[tilespmem:$0x13480] =	vst v63  }
0x72: {  	s12 =	simm.s32 $0xF800;
	s14 =	sadd.s32 $0x70000, s1;
	s17 =	sshll.u32 s3, $0x12  }
0x73: {  	[tilespmem:s12], [sflag:$0x2] =	stream.strided.gather [hbm4b:s11+s4], $0x800, s5, s4, $0x38;
	[tilespmem:$0x13480] =	vst v63  }
0x74: {  	s1 =	sadd.s32 $0x78000, s1;
	s15 =	simm.s32 $0x10000;
	s0 =	sor.u32 s17, s0  }
0x75: {  	[tilespmem:s15], [sflag:$0x2] =	stream.strided.gather [hbm4b:s14+s4], $0x800, s5, s4, $0x38;
	[tilespmem:$0x13480] =	vst v63  }
0x76: {  	s16 =	simm.s32 $0x10800;
	s18 =	rddreg [dreg:$0x1b];
	s0 =	sshrl.u32 s0, $0x3  }
0x77: {  	[tilespmem:s16], [sflag:$0x2] =	stream.strided.gather [hbm4b:s1+s4], $0x800, s5, s4, $0x38;
	[tilespmem:$0x13480] =	vst v63  }
0x78: {  	s19 =	simm.s32 $0x800;
	s20 =	simm.s32 $0x0;
	s0 =	sadd.s32 s0, s18  }
0x79: {  	[tilespmem:s19], [sflag:$0x2] =	stream.strided.gather [hbm4b:s0+s4], $0x800, s5, s4, $0x38;
	[tilespmem:$0x13480] =	vst v63  }
0x7a: {  	s2 =	sand.u32 $0x180, s20;
	s21 =	sand.u32 $0x600, s20;
	s0 =	sand.u32 $0x60, s20  }
0x7b: {  	s2 =	sor.u32 s2, s21;
	s1 =	sor.u32 $0x10, s0  }
0x7c: {  	s22 =	sor.u32 s1, s2  }
0x7d: {  	v37 =	vld [tilespmem:s22+$0x0];
	_ =	sdelay $0x3  }
0x7e: {  	s3 =	smul.u32 $0x880, s3  }
0x7f: {  	v38 =	vmul.u32 $0x110, v37  }
0x80: {  	v37 =	vmov s3  }
0x81: {  	v40 =	vadd.s32 v37, v38  }
0x82: {  	v42 =	vld [tilespmem:s22+$0x1000];
	v39 =	vor.u32 v0, v40;
	_ =	sdelay $0x2  }
0x83: {  	s6 =	sor.u32 s0, s2  }
0x84: {  	s23 =	sor.u32 $0x1800, s2;
	v41 =	vld [tilespmem:s6+$0x0]  }
0x85: {  	s24 =	sor.u32 s1, s23;
	[tilespmem:v39+s13+$0x0] =	vst.idx.add.f32.msk $0xffff, v42  }
0x86: {  	v43 =	vadd.s32 v2, v40;
	v38 =	vld [tilespmem:s24+$0x0];
	_ =	sdelay $0x3  }
0x87: {  	s25 =	sor.u32 $0x2000, s2;
	v41 =	vmul.u32 $0x110, v41  }
0x88: {  	s26 =	sor.u32 s1, s25;
	[tilespmem:v43+s13+$0x0] =	vst.idx.add.f32.msk $0xffff, v38  }
0x89: {  	v44 =	vadd.s32 v3, v40;
	v43 =	vadd.s32 v37, v41;
	v39 =	vld [tilespmem:s26+$0x0]  }
0x8a: {  	v46 =	vld [tilespmem:s6+$0x1000];
	v42 =	vor.u32 v0, v43;
	_ =	sdelay $0x3  }
0x8b: {  	s8 =	sor.u32 $0x2800, s2;
	[tilespmem:v44+s13+$0x0] =	vst.idx.add.f32.msk $0xffff, v39  }
0x8c: {  	s7 =	sor.u32 s1, s8;
	[tilespmem:v42+s13+$0x0] =	vst.idx.add.f32.msk $0xffff, v46  }
0x8d: {  	s3 =	sor.u32 s0, s23;
	v45 =	vadd.s32 v4, v40;
	v39 =	vld [tilespmem:s7+$0x0]  }
0x8e: {  	v48 =	vadd.s32 v2, v43;
	v42 =	vld [tilespmem:s3+$0x0];
	_ =	sdelay $0x3  }
0x8f: {  	s9 =	sor.u32 $0x3000, s2;
	[tilespmem:v45+s13+$0x0] =	vst.idx.add.f32.msk $0xffff, v39  }
0x90: {  	s10 =	sor.u32 s1, s9;
	[tilespmem:v48+s13+$0x0] =	vst.idx.add.f32.msk $0xffff, v42  }
0x91: {  	s14 =	sor.u32 s0, s25;
	v47 =	vadd.s32 v5, v40;
	v39 =	vld [tilespmem:s10+$0x0]  }
0x92: {  	v50 =	vadd.s32 v3, v43;
	v42 =	vld [tilespmem:s14+$0x0];
	_ =	sdelay $0x3  }
0x93: {  	s11 =	sor.u32 $0x3800, s2;
	[tilespmem:v47+s13+$0x0] =	vst.idx.add.f32.msk $0xffff, v39  }
0x94: {  	s12 =	sor.u32 s1, s11;
	[tilespmem:v50+s13+$0x0] =	vst.idx.add.f32.msk $0xffff, v42  }
0x95: {  	s17 =	sor.u32 s0, s8;
	v49 =	vadd.s32 v6, v40;
	v39 =	vld [tilespmem:s12+$0x0]  }
0x96: {  	v52 =	vadd.s32 v4, v43;
	v42 =	vld [tilespmem:s17+$0x0];
	_ =	sdelay $0x3  }
0x97: {  	s15 =	sor.u32 $0x4000, s2;
	[tilespmem:v49+s13+$0x0] =	vst.idx.add.f32.msk $0xffff, v39  }
0x98: {  	s16 =	sor.u32 s1, s15;
	[tilespmem:v52+s13+$0x0] =	vst.idx.add.f32.msk $0xffff, v42  }
0x99: {  	s20 =	sor.u32 s0, s9;
	v51 =	vadd.s32 v7, v40;
	v39 =	vld [tilespmem:s16+$0x0]  }
0x9a: {  	v54 =	vadd.s32 v5, v43;
	v42 =	vld [tilespmem:s20+$0x0];
	_ =	sdelay $0x3  }
0x9b: {  	s18 =	sor.u32 $0x4800, s2;
	[tilespmem:v51+s13+$0x0] =	vst.idx.add.f32.msk $0xffff, v39  }
0x9c: {  	s19 =	sor.u32 s1, s18;
	[tilespmem:v54+s13+$0x0] =	vst.idx.add.f32.msk $0xffff, v42  }
0x9d: {  	s23 =	sor.u32 s0, s11;
	v53 =	vadd.s32 v8, v40;
	v39 =	vld [tilespmem:s19+$0x0]  }
0x9e: {  	v56 =	vadd.s32 v6, v43;
	v42 =	vld [tilespmem:s23+$0x0];
	_ =	sdelay $0x3  }
0x9f: {  	s21 =	sor.u32 $0x5000, s2;
	s4 =	sor.u32 s0, s15;
	[tilespmem:v53+s13+$0x0] =	vst.idx.add.f32.msk $0xffff, v39  }
0xa0: {  	s8 =	simm.s32 $0x8;
	s22 =	sor.u32 s1, s21;
	s24 =	simm.s32 $0x80;
	[tilespmem:v56+s13+$0x0] =	vst.idx.add.f32.msk $0xffff, v42  }
0xa1: {  	s9 =	simm.s32 $0x20;
	s8 =	sand.u32 $0x180, s8;
	v55 =	vadd.s32 v9, v40;
	s5 =	sand.u32 $0x600, s24;
	v39 =	vld [tilespmem:s22+$0x0]  }
0xa2: {  	s9 =	sand.u32 $0x60, s9;
	s8 =	sor.u32 s8, s5;
	v60 =	vadd.s32 v7, v43;
	v45 =	vld [tilespmem:s4+$0x0]  }
0xa3: {  	s11 =	sor.u32 $0x10, s9;
	s5 =	sor.u32 s9, s8  }
0xa4: {  	v57 =	vld [tilespmem:s5+$0x0];
	s26 =	sor.u32 s11, s8  }
0xa5: {  	v59 =	vld [tilespmem:s26+$0x0]  }
0xa6: {  	s25 =	sor.u32 $0x5800, s2;
	[tilespmem:v55+s13+$0x0] =	vst.idx.add.f32.msk $0xffff, v39  }
0xa7: {  	s10 =	sor.u32 s1, s25;
	[tilespmem:v60+s13+$0x0] =	vst.idx.add.f32.msk $0xffff, v45  }
0xa8: {  	s15 =	sor.u32 s0, s18;
	v58 =	vadd.s32 v10, v40;
	v44 =	vld [tilespmem:s10+$0x0]  }
0xa9: {  	v38 =	vmul.u32 $0x110, v57;
	v52 =	vadd.s32 v8, v43;
	v45 =	vld [tilespmem:s15+$0x0]  }
0xaa: {  	v62 =	vmul.u32 $0x110, v59  }
0xab: {  	v63 =	vld [tilespmem:s26+$0x1000];
	v38 =	vadd.s32 v37, v38  }
0xac: {  	v48 =	vor.u32 v0, v38;
	v47 =	vld [tilespmem:s5+$0x1000];
	v39 =	vadd.s32 v37, v62  }
0xad: {  	s12 =	sor.u32 $0x6000, s2;
	v49 =	vor.u32 v0, v39;
	[tilespmem:v58+s13+$0x0] =	vst.idx.add.f32.msk $0xffff, v44  }
0xae: {  	s14 =	sor.u32 s1, s12;
	[tilespmem:v52+s13+$0x0] =	vst.idx.add.f32.msk $0xffff, v45  }
0xaf: {  	v61 =	vadd.s32 v11, v40;
	s20 =	sor.u32 s0, s21;
	v46 =	vld [tilespmem:s14+$0x0]  }
0xb0: {  	v55 =	vadd.s32 v9, v43;
	v45 =	vld [tilespmem:s20+$0x0]  }
0xb1: {  	s18 =	sor.u32 $0x1800, s8;
	[tilespmem:v48+s13+$0x0] =	vst.idx.add.f32.msk $0xffff, v47  }
0xb2: {  	s6 =	sor.u32 s11, s18;
	[tilespmem:v49+s13+$0x0] =	vst.idx.add.f32.msk $0xffff, v63  }
0xb3: {  	v56 =	vld [tilespmem:s6+$0x0]  }
0xb4: {  	s16 =	sor.u32 $0x6800, s2;
	v57 =	vadd.s32 v2, v39;
	[tilespmem:v61+s13+$0x0] =	vst.idx.add.f32.msk $0xffff, v46  }
0xb5: {  	s17 =	sor.u32 s1, s16;
	[tilespmem:v55+s13+$0x0] =	vst.idx.add.f32.msk $0xffff, v45  }
0xb6: {  	s3 =	sor.u32 s0, s25;
	v54 =	vadd.s32 v12, v40;
	v44 =	vld [tilespmem:s17+$0x0]  }
0xb7: {  	v59 =	vadd.s32 v10, v43;
	s19 =	sor.u32 s9, s18;
	v45 =	vld [tilespmem:s3+$0x0]  }
0xb8: {  	v47 =	vld [tilespmem:s19+$0x0];
	s10 =	sor.u32 $0x2000, s8  }
0xb9: {  	s22 =	sor.u32 s11, s10;
	[tilespmem:v57+s13+$0x0] =	vst.idx.add.f32.msk $0xffff, v56  }
0xba: {  	v53 =	vadd.s32 v2, v38;
	v61 =	vld [tilespmem:s22+$0x0]  }
0xbb: {  	s21 =	sor.u32 $0x7000, s2;
	v60 =	vadd.s32 v3, v39;
	[tilespmem:v54+s13+$0x0] =	vst.idx.add.f32.msk $0xffff, v44  }
0xbc: {  	s7 =	sor.u32 s1, s21;
	[tilespmem:v59+s13+$0x0] =	vst.idx.add.f32.msk $0xffff, v45  }
0xbd: {  	s25 =	sor.u32 s0, s12;
	v58 =	vadd.s32 v13, v40;
	v44 =	vld [tilespmem:s7+$0x0]  }
0xbe: {  	v63 =	vadd.s32 v11, v43;
	v45 =	vld [tilespmem:s25+$0x0]  }
0xbf: {  	s26 =	sor.u32 $0x2800, s8;
	[tilespmem:v53+s13+$0x0] =	vst.idx.add.f32.msk $0xffff, v47  }
0xc0: {  	s12 =	sor.u32 s11, s26;
	[tilespmem:v60+s13+$0x0] =	vst.idx.add.f32.msk $0xffff, v61  }
0xc1: {  	v47 =	vld [tilespmem:s12+$0x0]  }
0xc2: {  	s23 =	sor.u32 $0x7800, s2;
	v48 =	vadd.s32 v4, v39;
	[tilespmem:v58+s13+$0x0] =	vst.idx.add.f32.msk $0xffff, v44  }
0xc3: {  	s24 =	sor.u32 s1, s23;
	[tilespmem:v63+s13+$0x0] =	vst.idx.add.f32.msk $0xffff, v45  }
0xc4: {  	s16 =	sor.u32 s0, s16;
	v62 =	vadd.s32 v14, v40;
	v44 =	vld [tilespmem:s24+$0x0]  }
0xc5: {  	v50 =	vadd.s32 v12, v43;
	v45 =	vld [tilespmem:s16+$0x0]  }
0xc6: {  	s17 =	sor.u32 $0x3000, s8  }
0xc7: {  	s18 =	sor.u32 s11, s17;
	[tilespmem:v48+s13+$0x0] =	vst.idx.add.f32.msk $0xffff, v47  }
0xc8: {  	v51 =	vadd.s32 v5, v39;
	v47 =	vld [tilespmem:s18+$0x0]  }
0xc9: {  	s14 =	sor.u32 $0x8000, s2;
	[tilespmem:v62+s13+$0x0] =	vst.idx.add.f32.msk $0xffff, v44  }
0xca: {  	s15 =	sor.u32 s1, s14;
	[tilespmem:v50+s13+$0x0] =	vst.idx.add.f32.msk $0xffff, v45  }
0xcb: {  	s19 =	sor.u32 s0, s21;
	v49 =	vadd.s32 v16, v40;
	v44 =	vld [tilespmem:s15+$0x0]  }
0xcc: {  	v53 =	vadd.s32 v13, v43;
	s20 =	sor.u32 $0x3800, s8;
	v45 =	vld [tilespmem:s19+$0x0]  }
0xcd: {  	s21 =	sor.u32 s11, s20;
	[tilespmem:v51+s13+$0x0] =	vst.idx.add.f32.msk $0xffff, v47  }
0xce: {  	s22 =	sor.u32 s9, s10;
	v54 =	vadd.s32 v6, v39;
	v47 =	vld [tilespmem:s21+$0x0]  }
0xcf: {  	v56 =	vld [tilespmem:s22+$0x0]  }
0xd0: {  	s2 =	sor.u32 $0x8800, s2;
	[tilespmem:v49+s13+$0x0] =	vst.idx.add.f32.msk $0xffff, v44  }
0xd1: {  	s1 =	sor.u32 s1, s2;
	v55 =	vadd.s32 v3, v38;
	[tilespmem:v53+s13+$0x0] =	vst.idx.add.f32.msk $0xffff, v45  }
0xd2: {  	v52 =	vadd.s32 v17, v40;
	v44 =	vld [tilespmem:s1+$0x0]  }
0xd3: {  	s23 =	sor.u32 s0, s23;
	s24 =	sor.u32 $0x4000, s8;
	[tilespmem:v54+s13+$0x0] =	vst.idx.add.f32.msk $0xffff, v47  }
0xd4: {  	v57 =	vadd.s32 v14, v43;
	s25 =	sor.u32 s11, s24;
	v45 =	vld [tilespmem:s23+$0x0]  }
0xd5: {  	v58 =	vadd.s32 v7, v39;
	v47 =	vld [tilespmem:s25+$0x0]  }
0xd6: {  	[tilespmem:v55+s13+$0x0] =	vst.idx.add.f32.msk $0xffff, v56  }
0xd7: {  	s26 =	sor.u32 s9, s26;
	[tilespmem:v52+s13+$0x0] =	vst.idx.add.f32.msk $0xffff, v44  }
0xd8: {  	s6 =	sor.u32 s0, s14;
	s14 =	sor.u32 $0x6800, s8;
	v50 =	vadd.s32 v18, v40;
	v44 =	vld [tilespmem:s26+$0x0]  }
0xd9: {  	s28 =	sor.u32 s11, s14;
	v59 =	vadd.s32 v4, v38;
	[tilespmem:v57+s13+$0x0] =	vst.idx.add.f32.msk $0xffff, v45  }
0xda: {  	s10 =	sor.u32 s0, s2;
	s17 =	sor.u32 s9, s17;
	s18 =	sor.u32 $0x4800, s8;
	[tilespmem:v58+s13+$0x0] =	vst.idx.add.f32.msk $0xffff, v47  }
0xdb: {  	v60 =	vadd.s32 v16, v43;
	s7 =	sor.u32 s9, s20;
	s12 =	simm.s32 $0x100;
	s20 =	sor.u32 s11, s18;
	v45 =	vld [tilespmem:s6+$0x0]  }
0xdc: {  	v61 =	vadd.s32 v8, v39;
	s16 =	sor.u32 $0x7800, s8;
	s0 =	sor.u32 s9, s18;
	s19 =	sor.u32 $0x5000, s8;
	v47 =	vld [tilespmem:s20+$0x0]  }
0xdd: {  	s21 =	sor.u32 $0x5800, s8;
	s15 =	sor.u32 $0x7000, s8;
	s22 =	sor.u32 s11, s19;
	[tilespmem:v50+s13+$0x0] =	vst.idx.add.f32.msk $0xffff, v19  }
0xde: {  	s2 =	sor.u32 s11, s21;
	s29 =	sor.u32 s9, s19;
	s4 =	sor.u32 s9, s21;
	[tilespmem:v59+s13+$0x0] =	vst.idx.add.f32.msk $0xffff, v44  }
0xdf: {  	v62 =	vadd.s32 v5, v38;
	s31 =	sor.u32 s11, s15;
	s23 =	simm.s32 $0x2;
	s25 =	sor.u32 $0x8000, s8;
	v63 =	vld [tilespmem:s17+$0x0]  }
0xe0: {  	s1 =	sor.u32 s9, s25;
	s26 =	sor.u32 s9, s24;
	s24 =	sor.u32 $0x6000, s8;
	[tilespmem:v60+s13+$0x0] =	vst.idx.add.f32.msk $0xffff, v45  }
0xe1: {  	s8 =	sor.u32 $0x8800, s8;
	s30 =	sor.u32 s11, s24;
	s24 =	sor.u32 s9, s24;
	[tilespmem:v61+s13+$0x0] =	vst.idx.add.f32.msk $0xffff, v47  }
0xe2: {  	s20 =	sor.u32 s9, s14;
	s6 =	sor.u32 s11, s16;
	s14 =	sor.u32 s9, s15;
	v44 =	vld [tilespmem:s10+$0x0]  }
0xe3: {  	v41 =	vadd.s32 v18, v38;
	v42 =	vadd.s32 v6, v38;
	v40 =	vadd.s32 v18, v43;
	s15 =	sor.u32 s11, s25;
	s3 =	sor.u32 s9, s8;
	s10 =	sor.u32 s9, s16;
	v46 =	vld [tilespmem:s22+$0x0]  }
0xe4: {  	v45 =	vadd.s32 v17, v43;
	v43 =	vadd.s32 v9, v39;
	s9 =	sor.u32 s11, s8;
	s11 =	simm.s32 $0x40;
	s8 =	simm.s32 $0x10;
	[tilespmem:v62+s13+$0x0] =	vst.idx.add.f32.msk $0xffff, v63  }
.LBB2_5:
0xe5: {  	[dreg:$0x16] =	wrdreg s29  }
0xe6: {  	[dreg:$0x14] =	wrdreg s20  }
0xe7: {  	[dreg:$0x13] =	wrdreg s4  }
0xe8: {  	[dreg:$0x11] =	wrdreg s1  }
0xe9: {  	[dreg:$0x10] =	wrdreg s15  }
0xea: {  	[dreg:$0xe] =	wrdreg s3  }
0xeb: {  	[dreg:$0xb] =	wrdreg s14  }
0xec: {  	[dreg:$0x8] =	wrdreg s9  }
0xed: {  	[dreg:$0x6] =	wrdreg s10;
	s5 =	sand.u32 $0x600, s12;
	s22 =	sand.u32 $0x180, s8  }
0xee: {  	s17 =	sand.u32 $0x60, s11;
	v47 =	vld [tilespmem:s7+$0x0];
	s4 =	smov.u32 s28;
	s16 =	sor.u32 s22, s5  }
0xef: {  	s28 =	sor.u32 $0x10, s17;
	s5 =	sor.u32 s17, s16;
	s9 =	sor.u32 $0x1800, s16;
	[tilespmem:v45+s13+$0x0] =	vst.idx.add.f32.msk $0xffff, v44  }
0xf0: {  	s25 =	sor.u32 $0x2000, s16;
	s18 =	sor.u32 s28, s16;
	s19 =	sor.u32 $0x2800, s16;
	[tilespmem:v43+s13+$0x0] =	vst.idx.add.f32.msk $0xffff, v46  }
0xf1: {  	s3 =	sor.u32 $0x3000, s16;
	s29 =	sor.u32 s17, s9;
	s7 =	sor.u32 s28, s25;
	v51 =	vld [tilespmem:s5+$0x0]  }
0xf2: {  	v52 =	vadd.s32 v10, v39;
	s14 =	sor.u32 s28, s9;
	s9 =	sor.u32 s28, s19;
	[dreg:$0x15] =	wrdreg s7;
	v53 =	vld [tilespmem:s2+$0x0]  }
0xf3: {  	s15 =	sor.u32 s28, s3;
	[dreg:$0x12] =	wrdreg s9;
	v46 =	vld [tilespmem:s18+$0x0]  }
0xf4: {  	s21 =	sor.u32 s17, s25;
	s25 =	sor.u32 s17, s19;
	[dreg:$0xf] =	wrdreg s15;
	[tilespmem:v42+s13+$0x0] =	vst.idx.add.f32.msk $0xffff, v47  }
0xf5: {  	s1 =	sor.u32 s17, s3;
	s3 =	sor.u32 $0x4800, s16;
	[dreg:$0xa] =	wrdreg s21;
	[tilespmem:v40+s13+$0x0] =	vst.idx.add.f32.msk $0xffff, v19  }
0xf6: {  	v55 =	vadd.s32 v7, v38;
	s7 =	sor.u32 $0x3800, s16;
	s21 =	sor.u32 $0x4000, s16;
	[dreg:$0x9] =	wrdreg s25;
	v48 =	vld [tilespmem:s26+$0x0]  }
0xf7: {  	[dreg:$0x4] =	wrdreg s1;
	s1 =	sor.u32 $0x6000, s16;
	s22 =	sor.u32 s28, s7;
	v54 =	vmul.u32 $0x110, v51;
	[tilespmem:v52+s13+$0x0] =	vst.idx.add.f32.msk $0xffff, v53  }
0xf8: {  	v56 =	vadd.s32 v11, v39;
	s15 =	sor.u32 s17, s7;
	s7 =	sor.u32 $0x5000, s16;
	s10 =	sor.u32 s17, s21;
	v57 =	vmul.u32 $0x110, v46;
	v49 =	vld [tilespmem:s30+$0x0]  }
0xf9: {  	s25 =	sor.u32 s28, s21;
	s2 =	sor.u32 s28, s1;
	s20 =	sor.u32 s17, s1;
	v50 =	vld [tilespmem:s5+$0x1000];
	v43 =	vadd.s32 v37, v54  }
0xfa: {  	s21 =	sor.u32 $0x7000, s16;
	[dreg:$0xc] =	wrdreg s22;
	s22 =	sor.u32 s28, s3;
	v58 =	vld [tilespmem:s18+$0x1000];
	v44 =	vadd.s32 v37, v57;
	v51 =	vor.u32 v0, v43  }
0xfb: {  	[dreg:$0xd] =	wrdreg s25;
	s25 =	sor.u32 s17, s3;
	s3 =	sor.u32 $0x6800, s16;
	[tilespmem:v55+s13+$0x0] =	vst.idx.add.f32.msk $0xffff, v48;
	v52 =	vor.u32 v0, v44  }
0xfc: {  	s1 =	sor.u32 s28, s21;
	s21 =	sor.u32 s17, s21;
	[dreg:$0x7] =	wrdreg s22;
	v48 =	vld [tilespmem:s0+$0x0]  }
0xfd: {  	v59 =	vadd.s32 v8, v38;
	s22 =	sor.u32 $0x5800, s16;
	s26 =	sor.u32 s28, s7;
	s19 =	sor.u32 s17, s3;
	[tilespmem:v56+s13+$0x0] =	vst.idx.add.f32.msk $0xffff, v49  }
0xfe: {  	[dreg:$0x5] =	wrdreg s26;
	s9 =	sor.u32 s28, s22;
	s26 =	sor.u32 s17, s7;
	v45 =	vld [tilespmem:s4+$0x0]  }
0xff: {  	s7 =	smov.u32 s24;
	s24 =	sor.u32 s17, s22;
	s22 =	sor.u32 $0x7800, s16;
	[tilespmem:v51+s13+$0x0] =	vst.idx.add.f32.msk $0xffff, v50  }
0x100: {  	v61 =	vadd.s32 v12, v39;
	s30 =	smov.u32 s6;
	s6 =	sor.u32 s28, s3;
	s3 =	sor.u32 s28, s22;
	[tilespmem:v52+s13+$0x0] =	vst.idx.add.f32.msk $0xffff, v58  }
0x101: {  	s18 =	sor.u32 s17, s22;
	s22 =	sor.u32 $0x8000, s16;
	s16 =	sor.u32 $0x8800, s16;
	v50 =	vld [tilespmem:s29+$0x0]  }
0x102: {  	s5 =	sor.u32 s17, s22;
	s22 =	sor.u32 s28, s22;
	s17 =	sor.u32 s17, s16;
	v60 =	vadd.s32 v2, v43;
	[tilespmem:v59+s13+$0x0] =	vst.idx.add.f32.msk $0xffff, v48  }
0x103: {  	s16 =	sor.u32 s28, s16;
	s28 =	smov.u32 s6;
	s6 =	rddreg [dreg:$0x16];
	v52 =	vadd.s32 v2, v44;
	v63 =	vld [tilespmem:s14+$0x0]  }
0x104: {  	v62 =	vadd.s32 v9, v38;
	v48 =	vld [tilespmem:s6+$0x0]  }
0x105: {  	[tilespmem:v61+s13+$0x0] =	vst.idx.add.f32.msk $0xffff, v45  }
0x106: {  	v47 =	vld [tilespmem:s31+$0x0]  }
0x107: {  	[tilespmem:v60+s13+$0x0] =	vst.idx.add.f32.msk $0xffff, v50  }
0x108: {  	v53 =	vadd.s32 v13, v39;
	[tilespmem:v52+s13+$0x0] =	vst.idx.add.f32.msk $0xffff, v63  }
0x109: {  	s4 =	smov.u32 s24;
	s24 =	rddreg [dreg:$0x15];
	[tilespmem:v62+s13+$0x0] =	vst.idx.add.f32.msk $0xffff, v48  }
0x10a: {  	v55 =	vadd.s32 v3, v44;
	s14 =	rddreg [dreg:$0x13];
	v56 =	vld [tilespmem:s24+$0x0]  }
0x10b: {  	v54 =	vadd.s32 v10, v38;
	v48 =	vld [tilespmem:s14+$0x0];
	_ =	sdelay $0x1  }
0x10c: {  	[tilespmem:v53+s13+$0x0] =	vst.idx.add.f32.msk $0xffff, v47  }
0x10d: {  	v47 =	vld [tilespmem:s30+$0x0]  }
0x10e: {  	v57 =	vadd.s32 v14, v39;
	[tilespmem:v55+s13+$0x0] =	vst.idx.add.f32.msk $0xffff, v56  }
0x10f: {  	s0 =	smov.u32 s25;
	s25 =	rddreg [dreg:$0x12];
	[tilespmem:v54+s13+$0x0] =	vst.idx.add.f32.msk $0xffff, v48  }
0x110: {  	v59 =	vadd.s32 v4, v44;
	v50 =	vld [tilespmem:s25+$0x0]  }
0x111: {  	v58 =	vadd.s32 v11, v38;
	v48 =	vld [tilespmem:s7+$0x0];
	_ =	sdelay $0x1  }
0x112: {  	s6 =	smov.u32 s3;
	s3 =	rddreg [dreg:$0x10];
	[tilespmem:v57+s13+$0x0] =	vst.idx.add.f32.msk $0xffff, v47  }
0x113: {  	v47 =	vld [tilespmem:s3+$0x0]  }
0x114: {  	v60 =	vadd.s32 v16, v39;
	[tilespmem:v59+s13+$0x0] =	vst.idx.add.f32.msk $0xffff, v50  }
0x115: {  	s29 =	smov.u32 s26;
	s26 =	smov.u32 s10;
	s10 =	rddreg [dreg:$0xf];
	[tilespmem:v58+s13+$0x0] =	vst.idx.add.f32.msk $0xffff, v48  }
0x116: {  	v62 =	vadd.s32 v5, v44;
	s30 =	smov.u32 s2;
	s2 =	smov.u32 s9;
	s9 =	rddreg [dreg:$0x14];
	v50 =	vld [tilespmem:s10+$0x0]  }
0x117: {  	v61 =	vadd.s32 v12, v38;
	v48 =	vld [tilespmem:s9+$0x0];
	_ =	sdelay $0x1  }
0x118: {  	s14 =	rddreg [dreg:$0x8];
	[tilespmem:v60+s13+$0x0] =	vst.idx.add.f32.msk $0xffff, v47  }
0x119: {  	v47 =	vld [tilespmem:s14+$0x0]  }
0x11a: {  	[tilespmem:v62+s13+$0x0] =	vst.idx.add.f32.msk $0xffff, v50  }
0x11b: {  	v63 =	vadd.s32 v17, v39;
	s14 =	smov.u32 s21;
	s21 =	rddreg [dreg:$0xc];
	[tilespmem:v61+s13+$0x0] =	vst.idx.add.f32.msk $0xffff, v48  }
0x11c: {  	s24 =	smov.u32 s20;
	s20 =	smov.u32 s19;
	s19 =	rddreg [dreg:$0xb];
	v53 =	vadd.s32 v6, v44;
	v50 =	vld [tilespmem:s21+$0x0]  }
0x11d: {  	v52 =	vadd.s32 v13, v38;
	v48 =	vld [tilespmem:s19+$0x0]  }
0x11e: {  	s7 =	smov.u32 s15;
	s15 =	smov.u32 s22;
	s22 =	rddreg [dreg:$0xa]  }
0x11f: {  	v55 =	vld [tilespmem:s22+$0x0]  }
0x120: {  	[tilespmem:v63+s13+$0x0] =	vst.idx.add.f32.msk $0xffff, v47  }
0x121: {  	v54 =	vadd.s32 v3, v43;
	[tilespmem:v53+s13+$0x0] =	vst.idx.add.f32.msk $0xffff, v50  }
0x122: {  	s3 =	rddreg [dreg:$0xd];
	[tilespmem:v52+s13+$0x0] =	vst.idx.add.f32.msk $0xffff, v48  }
0x123: {  	s25 =	rddreg [dreg:$0x6];
	v57 =	vadd.s32 v7, v44;
	v50 =	vld [tilespmem:s3+$0x0]  }
0x124: {  	v56 =	vadd.s32 v14, v38;
	v48 =	vld [tilespmem:s25+$0x0];
	_ =	sdelay $0x1  }
0x125: {  	s9 =	smov.u32 s16;
	s16 =	rddreg [dreg:$0x9];
	[tilespmem:v54+s13+$0x0] =	vst.idx.add.f32.msk $0xffff, v55  }
0x126: {  	v47 =	vld [tilespmem:s16+$0x0]  }
0x127: {  	v58 =	vadd.s32 v4, v43;
	[tilespmem:v57+s13+$0x0] =	vst.idx.add.f32.msk $0xffff, v50  }
0x128: {  	s19 =	rddreg [dreg:$0x7];
	[tilespmem:v56+s13+$0x0] =	vst.idx.add.f32.msk $0xffff, v48  }
0x129: {  	s10 =	smov.u32 s18;
	s18 =	rddreg [dreg:$0x11];
	v60 =	vadd.s32 v8, v44;
	v50 =	vld [tilespmem:s19+$0x0]  }
0x12a: {  	v59 =	vadd.s32 v16, v38;
	v48 =	vld [tilespmem:s18+$0x0];
	_ =	sdelay $0x1  }
0x12b: {  	s21 =	rddreg [dreg:$0x4];
	v63 =	vadd.s32 v18, v39;
	[tilespmem:v58+s13+$0x0] =	vst.idx.add.f32.msk $0xffff, v47  }
0x12c: {  	s23 =	sadd.s32 $0x2, s23;
	v62 =	vld [tilespmem:s21+$0x0]  }
0x12d: {  	p0 =	slt.u32 s23, $0x7E;
	v61 =	vadd.s32 v5, v43;
	[tilespmem:v60+s13+$0x0] =	vst.idx.add.f32.msk $0xffff, v50  }
.Ltmp1:
0x12e: {  	s25 =	rddreg [dreg:$0x5];
	[tilespmem:v59+s13+$0x0] =	vst.idx.add.f32.msk $0xffff, v48;
	(pc) =	sbr.rel @p0 .LBB2_5-.Ltmp1, $4  }
0x12f: {  	v46 =	vld [tilespmem:s25+$0x0]  }
0x130: {  	s22 =	rddreg [dreg:$0xe];
	[tilespmem:v63+s13+$0x0] =	vst.idx.add.f32.msk $0xffff, v19  }
0x131: {  	s11 =	sadd.s32 $0x20, s11;
	s12 =	sadd.s32 $0x80, s12;
	s8 =	sadd.s32 $0x8, s8;
	v40 =	vmovc v41;
	v42 =	vadd.s32 v6, v43;
	v41 =	vadd.s32 v18, v43;
	v39 =	vmov v44;
	v44 =	vld [tilespmem:s22+$0x0]  }
0x132: {  	v45 =	vadd.s32 v17, v38;
	s31 =	smov.u32 s1;
	s1 =	smov.u32 s5;
	v38 =	vmov v43;
	v43 =	vadd.s32 v9, v39;
	s3 =	smov.u32 s17;
	[tilespmem:v61+s13+$0x0] =	vst.idx.add.f32.msk $0xffff, v62  }
0x133: {  	v47 =	vld [tilespmem:s7+$0x0];
	_ =	sdelay $0x4  }
0x134: {  	[tilespmem:v42+s13+$0x0] =	vst.idx.add.f32.msk $0xffff, v47  }
0x135: {  	v62 =	vadd.s32 v7, v38;
	v47 =	vld [tilespmem:s26+$0x0];
	_ =	sdelay $0x4  }
0x136: {  	[tilespmem:v62+s13+$0x0] =	vst.idx.add.f32.msk $0xffff, v47  }
0x137: {  	v63 =	vadd.s32 v8, v38;
	v47 =	vld [tilespmem:s0+$0x0];
	_ =	sdelay $0x4  }
0x138: {  	[tilespmem:v63+s13+$0x0] =	vst.idx.add.f32.msk $0xffff, v47  }
0x139: {  	v48 =	vadd.s32 v9, v38;
	v47 =	vld [tilespmem:s29+$0x0];
	_ =	sdelay $0x2  }
0x13a: {  	[tilespmem:v43+s13+$0x0] =	vst.idx.add.f32.msk $0xffff, v46  }
0x13b: {  	v49 =	vadd.s32 v10, v39;
	v46 =	vld [tilespmem:s2+$0x0]  }
0x13c: {  	[tilespmem:v48+s13+$0x0] =	vst.idx.add.f32.msk $0xffff, v47  }
0x13d: {  	v50 =	vadd.s32 v10, v38;
	v47 =	vld [tilespmem:s4+$0x0];
	_ =	sdelay $0x2  }
0x13e: {  	[tilespmem:v49+s13+$0x0] =	vst.idx.add.f32.msk $0xffff, v46  }
0x13f: {  	v51 =	vadd.s32 v11, v39;
	v46 =	vld [tilespmem:s30+$0x0]  }
0x140: {  	[tilespmem:v50+s13+$0x0] =	vst.idx.add.f32.msk $0xffff, v47  }
0x141: {  	v52 =	vadd.s32 v11, v38;
	v47 =	vld [tilespmem:s24+$0x0];
	_ =	sdelay $0x2  }
0x142: {  	[tilespmem:v51+s13+$0x0] =	vst.idx.add.f32.msk $0xffff, v46  }
0x143: {  	v53 =	vadd.s32 v12, v39;
	v43 =	vld [tilespmem:s28+$0x0]  }
0x144: {  	[tilespmem:v52+s13+$0x0] =	vst.idx.add.f32.msk $0xffff, v47  }
0x145: {  	v54 =	vadd.s32 v12, v38;
	v47 =	vld [tilespmem:s20+$0x0];
	_ =	sdelay $0x2  }
0x146: {  	[tilespmem:v53+s13+$0x0] =	vst.idx.add.f32.msk $0xffff, v43  }
0x147: {  	v55 =	vadd.s32 v13, v39;
	v46 =	vld [tilespmem:s31+$0x0]  }
0x148: {  	[tilespmem:v54+s13+$0x0] =	vst.idx.add.f32.msk $0xffff, v47  }
0x149: {  	v56 =	vadd.s32 v13, v38;
	v47 =	vld [tilespmem:s14+$0x0];
	_ =	sdelay $0x2  }
0x14a: {  	[tilespmem:v55+s13+$0x0] =	vst.idx.add.f32.msk $0xffff, v46  }
0x14b: {  	v57 =	vadd.s32 v14, v39;
	v46 =	vld [tilespmem:s6+$0x0]  }
0x14c: {  	[tilespmem:v56+s13+$0x0] =	vst.idx.add.f32.msk $0xffff, v47  }
0x14d: {  	v58 =	vadd.s32 v14, v38;
	v47 =	vld [tilespmem:s10+$0x0];
	_ =	sdelay $0x2  }
0x14e: {  	[tilespmem:v57+s13+$0x0] =	vst.idx.add.f32.msk $0xffff, v46  }
0x14f: {  	v59 =	vadd.s32 v16, v39;
	v46 =	vld [tilespmem:s15+$0x0]  }
0x150: {  	[tilespmem:v58+s13+$0x0] =	vst.idx.add.f32.msk $0xffff, v47  }
0x151: {  	v60 =	vadd.s32 v16, v38;
	v47 =	vld [tilespmem:s1+$0x0];
	_ =	sdelay $0x2  }
0x152: {  	[tilespmem:v59+s13+$0x0] =	vst.idx.add.f32.msk $0xffff, v46  }
0x153: {  	v61 =	vadd.s32 v17, v39;
	v46 =	vld [tilespmem:s9+$0x0]  }
0x154: {  	v62 =	vadd.s32 v18, v39;
	[tilespmem:v60+s13+$0x0] =	vst.idx.add.f32.msk $0xffff, v47  }
0x155: {  	v63 =	vadd.s32 v17, v38;
	v42 =	vld [tilespmem:s3+$0x0]  }
0x156: {  	[tilespmem:v45+s13+$0x0] =	vst.idx.add.f32.msk $0xffff, v44  }
0x157: {  	[tilespmem:v40+s13+$0x0] =	vst.idx.add.f32.msk $0xffff, v19  }
0x158: {  	[tilespmem:v61+s13+$0x0] =	vst.idx.add.f32.msk $0xffff, v46  }
0x159: {  	[tilespmem:v62+s13+$0x0] =	vst.idx.add.f32.msk $0xffff, v19  }
0x15a: {  	[tilespmem:v63+s13+$0x0] =	vst.idx.add.f32.msk $0xffff, v42  }
0x15b: {  	s31 =	simm.s32 $0x2;
	[tilespmem:v41+s13+$0x0] =	vst.idx.add.f32.msk $0xffff, v19  }
0x15c: {  	_ =	swait.ge [sflag:s31], $0x8000  }
0x15d: {  	[sflag:s31] =	ssyncset.done $0x0  }
0x15e: {  	[sflag:s31] =	ssyncadd.s32 $0xFFFF8000  }
0x15f: {  	_ =	swait.ge [sflag:s31], $0x800  }
0x160: {  	s26 =	sld [smem:$0x7EF];
	_ =	sdelay $0x2  }
0x161: {  	p0 =	seq.s32 s26, $0x7  }
.Ltmp2:
0x162: {  	_ = 	snop;
	(pc) =	sbr.rel @p0 .LBB2_8-.Ltmp2, $3  }
0x163: {  	_ =	sdelay $0x1  }
0x164: {  	[sflag:s31] =	ssyncset.done $0x0  }
0x165: {  	[sflag:s31] =	ssyncadd.s32 $0xFFFFF800  }
0x166: {  	s0 =	sshll.u32 s26, $0x1  }
0x167: {  	s0 =	sadd.s32 $0x2, s0  }
0x168: {  	s1 =	sshll.u32 s0, $0x2  }
0x169: {  	s2 =	rddreg [dreg:$0x17];
	s1 =	sand.u32 $0x8, s1  }
0x16a: {  	s0 =	sshrl.u32 s0, $0x2;
	s1 =	sor.u32 s2, s1  }
0x16b: {  	s21 =	sshll.u32 s0, $0x16;
	s1 =	sshll.u32 s1, $0x9  }
0x16c: {  	s2 =	sor.u32 s21, s1  }
0x16d: {  	s3 =	rddreg [dreg:$0x0];
	s4 =	simm.s32 $0x200;
	s2 =	sshrl.u32 s2, $0x3  }
0x16e: {  	s5 =	simm.s32 $0x400;
	s22 =	simm.s32 $0x1000;
	s2 =	sadd.s32 s3, s2  }
0x16f: {  	[tilespmem:s22], [sflag:$0x1] =	stream.strided.gather [hbm4b:s2+s4], $0x800, s5, s4, $0x38;
	[tilespmem:$0x13480] =	vst v63  }
0x170: {  	s6 =	simm.s32 $0x1800;
	s23 =	sadd.s32 $0x8000, s2  }
0x171: {  	[tilespmem:s6], [sflag:$0x1] =	stream.strided.gather [hbm4b:s23+s4], $0x800, s5, s4, $0x38;
	[tilespmem:$0x13480] =	vst v63  }
0x172: {  	s25 =	simm.s32 $0x2000;
	s24 =	sadd.s32 $0x10000, s2  }
0x173: {  	[tilespmem:s25], [sflag:$0x1] =	stream.strided.gather [hbm4b:s24+s4], $0x800, s5, s4, $0x38;
	[tilespmem:$0x13480] =	vst v63  }
0x174: {  	s29 =	simm.s32 $0x2800;
	s28 =	sadd.s32 $0x18000, s2  }
0x175: {  	[tilespmem:s29], [sflag:$0x1] =	stream.strided.gather [hbm4b:s28+s4], $0x800, s5, s4, $0x38;
	[tilespmem:$0x13480] =	vst v63  }
0x176: {  	s31 =	simm.s32 $0x3000;
	s30 =	sadd.s32 $0x20000, s2  }
0x177: {  	[tilespmem:s31], [sflag:$0x1] =	stream.strided.gather [hbm4b:s30+s4], $0x800, s5, s4, $0x38;
	[tilespmem:$0x13480] =	vst v63  }
0x178: {  	s7 =	simm.s32 $0x3800;
	s6 =	sadd.s32 $0x28000, s2  }
0x179: {  	[tilespmem:s7], [sflag:$0x1] =	stream.strided.gather [hbm4b:s6+s4], $0x800, s5, s4, $0x38;
	[tilespmem:$0x13480] =	vst v63  }
0x17a: {  	s9 =	simm.s32 $0x4000;
	s8 =	sadd.s32 $0x30000, s2  }
0x17b: {  	[tilespmem:s9], [sflag:$0x1] =	stream.strided.gather [hbm4b:s8+s4], $0x800, s5, s4, $0x38;
	[tilespmem:$0x13480] =	vst v63  }
0x17c: {  	s11 =	simm.s32 $0x4800;
	s10 =	sadd.s32 $0x38000, s2  }
0x17d: {  	[tilespmem:s11], [sflag:$0x1] =	stream.strided.gather [hbm4b:s10+s4], $0x800, s5, s4, $0x38;
	[tilespmem:$0x13480] =	vst v63  }
0x17e: {  	s14 =	simm.s32 $0x5000;
	s12 =	sadd.s32 $0x40000, s2  }
0x17f: {  	[tilespmem:s14], [sflag:$0x1] =	stream.strided.gather [hbm4b:s12+s4], $0x800, s5, s4, $0x38;
	[tilespmem:$0x13480] =	vst v63  }
0x180: {  	s16 =	simm.s32 $0x5800;
	s15 =	sadd.s32 $0x48000, s2  }
0x181: {  	[tilespmem:s16], [sflag:$0x1] =	stream.strided.gather [hbm4b:s15+s4], $0x800, s5, s4, $0x38;
	[tilespmem:$0x13480] =	vst v63  }
0x182: {  	s18 =	simm.s32 $0x6000;
	s17 =	sadd.s32 $0x50000, s2  }
0x183: {  	[tilespmem:s18], [sflag:$0x1] =	stream.strided.gather [hbm4b:s17+s4], $0x800, s5, s4, $0x38;
	[tilespmem:$0x13480] =	vst v63  }
0x184: {  	s20 =	simm.s32 $0x6800;
	s19 =	sadd.s32 $0x58000, s2  }
0x185: {  	[tilespmem:s20], [sflag:$0x1] =	stream.strided.gather [hbm4b:s19+s4], $0x800, s5, s4, $0x38;
	[tilespmem:$0x13480] =	vst v63  }
0x186: {  	s0 =	sshll.u32 s0, $0x12;
	s21 =	sadd.s32 $0x60000, s2;
	s22 =	simm.s32 $0x7000  }
0x187: {  	[tilespmem:s22], [sflag:$0x1] =	stream.strided.gather [hbm4b:s21+s4], $0x800, s5, s4, $0x38;
	[tilespmem:$0x13480] =	vst v63  }
0x188: {  	s0 =	sor.u32 s0, s1;
	s23 =	sadd.s32 $0x68000, s2;
	s24 =	simm.s32 $0x7800  }
0x189: {  	[tilespmem:s24], [sflag:$0x1] =	stream.strided.gather [hbm4b:s23+s4], $0x800, s5, s4, $0x38;
	[tilespmem:$0x13480] =	vst v63  }
0x18a: {  	s0 =	sshrl.u32 s0, $0x3;
	s25 =	sadd.s32 $0x70000, s2;
	s28 =	simm.s32 $0x8000  }
0x18b: {  	[tilespmem:s28], [sflag:$0x1] =	stream.strided.gather [hbm4b:s25+s4], $0x800, s5, s4, $0x38;
	[tilespmem:$0x13480] =	vst v63  }
0x18c: {  	s2 =	sadd.s32 $0x78000, s2;
	s29 =	simm.s32 $0x8800;
	s30 =	rddreg [dreg:$0x1]  }
0x18d: {  	[tilespmem:s29], [sflag:$0x1] =	stream.strided.gather [hbm4b:s2+s4], $0x800, s5, s4, $0x38;
	[tilespmem:$0x13480] =	vst v63  }
0x18e: {  	s31 =	simm.s32 $0x0;
	s0 =	sadd.s32 s30, s0  }
0x18f: {  	[tilespmem:s31], [sflag:$0x1] =	stream.strided.gather [hbm4b:s0+s4], $0x800, s5, s4, $0x38;
	[tilespmem:$0x13480] =	vst v63  }
.LBB2_8:
0x190: {  	s0 =	simm.s32 $0x0  }
0x191: {  	s1 =	sand.u32 $0x600, s0;
	s2 =	sand.u32 $0x180, s0  }
0x192: {  	s3 =	sand.u32 $0x60, s0;
	s1 =	sor.u32 s2, s1  }
0x193: {  	s0 =	sor.u32 $0x10, s3;
	s2 =	sor.u32 $0x800, s1  }
0x194: {  	s4 =	sor.u32 s0, s2  }
0x195: {  	v38 =	vld [tilespmem:s4+$0x0];
	_ =	sdelay $0x1  }
0x196: {  	s2 =	sor.u32 s3, s2  }
0x197: {  	v39 =	vld [tilespmem:s2+$0x0];
	_ =	sdelay $0x1  }
0x198: {  	v38 =	vmul.u32 $0x110, v38  }
0x199: {  	s14 =	sor.u32 $0x9000, s1  }
0x19a: {  	s15 =	sor.u32 s0, s14;
	v38 =	vadd.s32 v37, v38  }
0x19b: {  	v41 =	vld [tilespmem:s15+$0x0];
	v39 =	vmul.u32 $0x110, v39;
	v40 =	vor.u32 v0, v38;
	_ =	sdelay $0x1  }
0x19c: {  	s2 =	sor.u32 s3, s14;
	v39 =	vadd.s32 v37, v39  }
0x19d: {  	v43 =	vld [tilespmem:s2+$0x0];
	v42 =	vor.u32 v0, v39  }
0x19e: {  	s16 =	sor.u32 $0x9800, s1  }
0x19f: {  	s17 =	sor.u32 s0, s16;
	[tilespmem:v40+s13+$0x0] =	vst.idx.add.f32.msk $0xffff, v41  }
0x1a0: {  	v62 =	vadd.s32 v2, v38;
	v41 =	vld [tilespmem:s17+$0x0];
	_ =	sdelay $0x1  }
0x1a1: {  	s2 =	sor.u32 s3, s16;
	[tilespmem:v42+s13+$0x0] =	vst.idx.add.f32.msk $0xffff, v43  }
0x1a2: {  	v63 =	vadd.s32 v2, v39;
	v43 =	vld [tilespmem:s2+$0x0]  }
0x1a3: {  	s18 =	sor.u32 $0xA000, s1  }
0x1a4: {  	s19 =	sor.u32 s0, s18;
	[tilespmem:v62+s13+$0x0] =	vst.idx.add.f32.msk $0xffff, v41  }
0x1a5: {  	v45 =	vadd.s32 v3, v38;
	v41 =	vld [tilespmem:s19+$0x0];
	_ =	sdelay $0x1  }
0x1a6: {  	s2 =	sor.u32 s3, s18;
	[tilespmem:v63+s13+$0x0] =	vst.idx.add.f32.msk $0xffff, v43  }
0x1a7: {  	v46 =	vadd.s32 v3, v39;
	v43 =	vld [tilespmem:s2+$0x0]  }
0x1a8: {  	s20 =	sor.u32 $0xA800, s1  }
0x1a9: {  	s21 =	sor.u32 s0, s20;
	[tilespmem:v45+s13+$0x0] =	vst.idx.add.f32.msk $0xffff, v41  }
0x1aa: {  	v47 =	vadd.s32 v4, v38;
	v41 =	vld [tilespmem:s21+$0x0];
	_ =	sdelay $0x1  }
0x1ab: {  	s2 =	sor.u32 s3, s20;
	[tilespmem:v46+s13+$0x0] =	vst.idx.add.f32.msk $0xffff, v43  }
0x1ac: {  	v48 =	vadd.s32 v4, v39;
	v43 =	vld [tilespmem:s2+$0x0]  }
0x1ad: {  	s22 =	sor.u32 $0xB000, s1  }
0x1ae: {  	s23 =	sor.u32 s0, s22;
	[tilespmem:v47+s13+$0x0] =	vst.idx.add.f32.msk $0xffff, v41  }
0x1af: {  	v49 =	vadd.s32 v5, v38;
	v41 =	vld [tilespmem:s23+$0x0];
	_ =	sdelay $0x1  }
0x1b0: {  	s2 =	sor.u32 s3, s22;
	[tilespmem:v48+s13+$0x0] =	vst.idx.add.f32.msk $0xffff, v43  }
0x1b1: {  	v50 =	vadd.s32 v5, v39;
	v42 =	vld [tilespmem:s2+$0x0]  }
0x1b2: {  	s24 =	sor.u32 $0xB800, s1  }
0x1b3: {  	s25 =	sor.u32 s0, s24;
	[tilespmem:v49+s13+$0x0] =	vst.idx.add.f32.msk $0xffff, v41  }
0x1b4: {  	v51 =	vadd.s32 v6, v38;
	v41 =	vld [tilespmem:s25+$0x0];
	_ =	sdelay $0x1  }
0x1b5: {  	s30 =	simm.s32 $0x80;
	s5 =	simm.s32 $0x8;
	s2 =	sor.u32 s3, s24;
	[tilespmem:v50+s13+$0x0] =	vst.idx.add.f32.msk $0xffff, v42  }
0x1b6: {  	s5 =	sand.u32 $0x180, s5;
	s4 =	sand.u32 $0x600, s30;
	v52 =	vadd.s32 v6, v39;
	v43 =	vld [tilespmem:s2+$0x0]  }
0x1b7: {  	s28 =	sor.u32 $0xC000, s1;
	s17 =	sor.u32 s5, s4;
	s20 =	simm.s32 $0x20  }
0x1b8: {  	s29 =	sor.u32 s0, s28;
	s5 =	sor.u32 $0x800, s17;
	s19 =	sand.u32 $0x60, s20;
	[tilespmem:v51+s13+$0x0] =	vst.idx.add.f32.msk $0xffff, v41  }
0x1b9: {  	v53 =	vadd.s32 v7, v38;
	s8 =	sor.u32 s19, s5;
	v41 =	vld [tilespmem:s29+$0x0]  }
0x1ba: {  	v56 =	vld [tilespmem:s8+$0x0]  }
0x1bb: {  	s18 =	sor.u32 $0x10, s19;
	s2 =	sor.u32 s3, s28;
	[tilespmem:v52+s13+$0x0] =	vst.idx.add.f32.msk $0xffff, v43  }
0x1bc: {  	v54 =	vadd.s32 v7, v39;
	s6 =	sor.u32 s18, s5;
	v43 =	vld [tilespmem:s2+$0x0]  }
0x1bd: {  	s31 =	sor.u32 $0xC800, s1;
	v44 =	vld [tilespmem:s6+$0x0]  }
0x1be: {  	s7 =	sor.u32 s0, s31;
	[tilespmem:v53+s13+$0x0] =	vst.idx.add.f32.msk $0xffff, v41  }
0x1bf: {  	v55 =	vadd.s32 v8, v38;
	v40 =	vld [tilespmem:s7+$0x0]  }
0x1c0: {  	v59 =	vmul.u32 $0x110, v56  }
0x1c1: {  	s11 =	sor.u32 $0x9000, s17;
	s2 =	sor.u32 s3, s31;
	[tilespmem:v54+s13+$0x0] =	vst.idx.add.f32.msk $0xffff, v43  }
0x1c2: {  	s15 =	sor.u32 s19, s11;
	v45 =	vadd.s32 v8, v39;
	v41 =	vadd.s32 v37, v59;
	v43 =	vld [tilespmem:s2+$0x0]  }
0x1c3: {  	s9 =	sor.u32 $0xD000, s1;
	v63 =	vld [tilespmem:s15+$0x0];
	v57 =	vmul.u32 $0x110, v44;
	v62 =	vor.u32 v0, v41  }
0x1c4: {  	s10 =	sor.u32 s0, s9;
	[tilespmem:v55+s13+$0x0] =	vst.idx.add.f32.msk $0xffff, v40  }
0x1c5: {  	s12 =	sor.u32 s18, s11;
	v46 =	vadd.s32 v9, v38;
	v40 =	vadd.s32 v37, v57;
	v47 =	vld [tilespmem:s10+$0x0]  }
0x1c6: {  	v58 =	vld [tilespmem:s12+$0x0];
	v60 =	vor.u32 v0, v40  }
0x1c7: {  	[tilespmem:v45+s13+$0x0] =	vst.idx.add.f32.msk $0xffff, v43  }
0x1c8: {  	s14 =	sor.u32 s3, s9;
	[tilespmem:v62+s13+$0x0] =	vst.idx.add.f32.msk $0xffff, v63  }
0x1c9: {  	v45 =	vld [tilespmem:s14+$0x0]  }
0x1ca: {  	v61 =	vadd.s32 v9, v39;
	s23 =	sor.u32 $0x9800, s17;
	[tilespmem:v46+s13+$0x0] =	vst.idx.add.f32.msk $0xffff, v47  }
0x1cb: {  	s16 =	sor.u32 $0xD800, s1;
	s2 =	sor.u32 s19, s23;
	[tilespmem:v60+s13+$0x0] =	vst.idx.add.f32.msk $0xffff, v58  }
0x1cc: {  	s21 =	sor.u32 s0, s16;
	v59 =	vadd.s32 v2, v41;
	v58 =	vld [tilespmem:s2+$0x0]  }
0x1cd: {  	s24 =	sor.u32 s18, s23;
	v49 =	vadd.s32 v10, v38;
	v48 =	vld [tilespmem:s21+$0x0]  }
0x1ce: {  	v54 =	vadd.s32 v2, v40;
	v55 =	vld [tilespmem:s24+$0x0]  }
0x1cf: {  	s22 =	sor.u32 s3, s16;
	[tilespmem:v61+s13+$0x0] =	vst.idx.add.f32.msk $0xffff, v45  }
0x1d0: {  	v52 =	vld [tilespmem:s22+$0x0]  }
0x1d1: {  	[tilespmem:v59+s13+$0x0] =	vst.idx.add.f32.msk $0xffff, v58  }
0x1d2: {  	s30 =	sor.u32 $0xA000, s17;
	v53 =	vadd.s32 v10, v39;
	[tilespmem:v49+s13+$0x0] =	vst.idx.add.f32.msk $0xffff, v48  }
0x1d3: {  	s5 =	sor.u32 s19, s30;
	s25 =	sor.u32 $0xE000, s1;
	[tilespmem:v54+s13+$0x0] =	vst.idx.add.f32.msk $0xffff, v55  }
0x1d4: {  	s28 =	sor.u32 s0, s25;
	v63 =	vadd.s32 v3, v41;
	v62 =	vld [tilespmem:s5+$0x0]  }
0x1d5: {  	s31 =	sor.u32 s18, s30;
	v57 =	vadd.s32 v11, v38;
	v56 =	vld [tilespmem:s28+$0x0]  }
0x1d6: {  	v60 =	vadd.s32 v3, v40;
	v44 =	vld [tilespmem:s31+$0x0]  }
0x1d7: {  	s29 =	sor.u32 s3, s25;
	[tilespmem:v53+s13+$0x0] =	vst.idx.add.f32.msk $0xffff, v52  }
0x1d8: {  	v42 =	vld [tilespmem:s29+$0x0]  }
0x1d9: {  	v61 =	vadd.s32 v11, v39;
	[tilespmem:v63+s13+$0x0] =	vst.idx.add.f32.msk $0xffff, v62  }
0x1da: {  	s9 =	sor.u32 $0xA800, s17;
	[tilespmem:v57+s13+$0x0] =	vst.idx.add.f32.msk $0xffff, v56  }
0x1db: {  	s4 =	sor.u32 s19, s9;
	s6 =	sor.u32 $0xE800, s1;
	[tilespmem:v60+s13+$0x0] =	vst.idx.add.f32.msk $0xffff, v44  }
0x1dc: {  	s7 =	sor.u32 s0, s6;
	v47 =	vld [tilespmem:s4+$0x0];
	v57 =	vadd.s32 v4, v41  }
0x1dd: {  	v53 =	vadd.s32 v12, v38;
	v52 =	vld [tilespmem:s7+$0x0]  }
0x1de: {  	s8 =	sor.u32 s3, s6;
	[tilespmem:v61+s13+$0x0] =	vst.idx.add.f32.msk $0xffff, v42  }
0x1df: {  	s10 =	sor.u32 s18, s9;
	v54 =	vadd.s32 v12, v39;
	v42 =	vld [tilespmem:s8+$0x0]  }
0x1e0: {  	v55 =	vadd.s32 v4, v40;
	v44 =	vld [tilespmem:s10+$0x0]  }
0x1e1: {  	s11 =	sor.u32 $0xF000, s1;
	[tilespmem:v57+s13+$0x0] =	vst.idx.add.f32.msk $0xffff, v47  }
0x1e2: {  	s12 =	sor.u32 s0, s11;
	[tilespmem:v53+s13+$0x0] =	vst.idx.add.f32.msk $0xffff, v52  }
0x1e3: {  	v56 =	vadd.s32 v13, v38;
	v43 =	vld [tilespmem:s12+$0x0]  }
0x1e4: {  	s14 =	sor.u32 $0xB000, s17;
	[tilespmem:v54+s13+$0x0] =	vst.idx.add.f32.msk $0xffff, v42  }
0x1e5: {  	s22 =	sor.u32 s19, s14;
	[tilespmem:v55+s13+$0x0] =	vst.idx.add.f32.msk $0xffff, v44  }
0x1e6: {  	s15 =	sor.u32 s18, s14;
	v61 =	vadd.s32 v5, v41;
	v47 =	vld [tilespmem:s22+$0x0]  }
0x1e7: {  	s16 =	sor.u32 $0xF800, s1;
	v58 =	vadd.s32 v5, v40;
	v46 =	vld [tilespmem:s15+$0x0]  }
0x1e8: {  	s21 =	sor.u32 s0, s16;
	[tilespmem:v56+s13+$0x0] =	vst.idx.add.f32.msk $0xffff, v43  }
0x1e9: {  	s2 =	sor.u32 s3, s11;
	v60 =	vadd.s32 v14, v38;
	v43 =	vld [tilespmem:s21+$0x0]  }
0x1ea: {  	v45 =	vld [tilespmem:s2+$0x0]  }
0x1eb: {  	s23 =	sor.u32 $0xB800, s17;
	v59 =	vadd.s32 v13, v39;
	[tilespmem:v61+s13+$0x0] =	vst.idx.add.f32.msk $0xffff, v47  }
0x1ec: {  	s25 =	sor.u32 s18, s23;
	[tilespmem:v58+s13+$0x0] =	vst.idx.add.f32.msk $0xffff, v46  }
0x1ed: {  	s28 =	sor.u32 $0x10000, s1;
	v62 =	vadd.s32 v6, v40;
	v46 =	vld [tilespmem:s25+$0x0]  }
0x1ee: {  	s29 =	sor.u32 s0, s28;
	[tilespmem:v60+s13+$0x0] =	vst.idx.add.f32.msk $0xffff, v43  }
0x1ef: {  	s30 =	sor.u32 s19, s23;
	s1 =	sor.u32 $0x10800, s1;
	v63 =	vadd.s32 v16, v38;
	v50 =	vld [tilespmem:s29+$0x0]  }
0x1f0: {  	s9 =	sor.u32 s3, s16;
	s31 =	sor.u32 $0x10800, s17;
	s24 =	sor.u32 s3, s1;
	[tilespmem:v59+s13+$0x0] =	vst.idx.add.f32.msk $0xffff, v45  }
0x1f1: {  	s23 =	sor.u32 s18, s31;
	s5 =	sor.u32 s3, s28;
	s7 =	sor.u32 $0xC000, s17;
	v47 =	vadd.s32 v6, v41;
	v45 =	vld [tilespmem:s30+$0x0]  }
0x1f2: {  	s3 =	simm.s32 $0x100;
	s4 =	simm.s32 $0x10;
	s8 =	sor.u32 s18, s7;
	[tilespmem:v62+s13+$0x0] =	vst.idx.add.f32.msk $0xffff, v46  }
0x1f3: {  	s22 =	sor.u32 s19, s31;
	s2 =	sor.u32 $0xC800, s17;
	s25 =	sor.u32 s0, s1;
	v46 =	vadd.s32 v7, v40;
	v44 =	vld [tilespmem:s8+$0x0]  }
0x1f4: {  	v42 =	vadd.s32 v14, v39;
	s0 =	simm.s32 $0x2;
	s1 =	sor.u32 s19, s2;
	v43 =	vadd.s32 v14, v41;
	s8 =	sor.u32 s19, s7;
	[tilespmem:v63+s13+$0x0] =	vst.idx.add.f32.msk $0xffff, v50  }
.LBB2_9:
0x1f5: {  	s6 =	sand.u32 $0x600, s3;
	s7 =	sand.u32 $0x180, s4;
	s0 =	sadd.s32 $0x2, s0;
	v48 =	vld [tilespmem:s9+$0x0]  }
0x1f6: {  	s9 =	sor.u32 s18, s2;
	s20 =	sadd.s32 $0x20, s20;
	s7 =	sor.u32 s7, s6;
	[tilespmem:v47+s13+$0x0] =	vst.idx.add.f32.msk $0xffff, v45  }
0x1f7: {  	s6 =	sand.u32 $0x60, s20;
	v45 =	vadd.s32 v7, v41;
	s10 =	sor.u32 $0x800, s7;
	s12 =	sor.u32 $0x9000, s7;
	v47 =	vld [tilespmem:s8+$0x0]  }
0x1f8: {  	s8 =	sor.u32 $0x10, s6;
	s14 =	sor.u32 s6, s10;
	s11 =	sor.u32 s6, s12;
	[tilespmem:v46+s13+$0x0] =	vst.idx.add.f32.msk $0xffff, v44  }
0x1f9: {  	s15 =	sor.u32 $0x9800, s7;
	s2 =	sor.u32 $0xC800, s7;
	s16 =	sor.u32 s8, s10;
	v44 =	vld [tilespmem:s9+$0x0]  }
0x1fa: {  	s21 =	sor.u32 s6, s2;
	s10 =	sor.u32 s8, s15;
	v46 =	vadd.s32 v8, v40;
	s9 =	sor.u32 s6, s15;
	[tilespmem:v42+s13+$0x0] =	vst.idx.add.f32.msk $0xffff, v48;
	v42 =	vmov v43  }
0x1fb: {  	p0 =	slt.u32 s0, $0x7E;
	s15 =	sor.u32 $0x10800, s7;
	v43 =	vld [tilespmem:s5+$0x0]  }
0x1fc: {  	s5 =	sor.u32 s6, s15;
	s15 =	sor.u32 s8, s15;
	[tilespmem:v45+s13+$0x0] =	vst.idx.add.f32.msk $0xffff, v47  }
0x1fd: {  	v47 =	vadd.s32 v16, v39;
	v45 =	vld [tilespmem:s16+$0x0]  }
0x1fe: {  	v48 =	vld [tilespmem:s14+$0x0];
	s14 =	sor.u32 $0xD000, s17  }
0x1ff: {  	s16 =	sor.u32 s19, s14;
	[tilespmem:v46+s13+$0x0] =	vst.idx.add.f32.msk $0xffff, v44;
	s14 =	sor.u32 s18, s14  }
0x200: {  	v44 =	vadd.s32 v9, v40;
	v46 =	vld [tilespmem:s14+$0x0]  }
0x201: {  	s12 =	sor.u32 s8, s12;
	v49 =	vld [tilespmem:s1+$0x0];
	s1 =	smov.u32 s21  }
0x202: {  	v50 =	vadd.s32 v8, v41;
	v45 =	vmul.u32 $0x110, v45;
	[tilespmem:v47+s13+$0x0] =	vst.idx.add.f32.msk $0xffff, v43  }
0x203: {  	v43 =	vmul.u32 $0x110, v48;
	v47 =	vld [tilespmem:s24+$0x0];
	s24 =	smov.u32 s22;
	s22 =	smov.u32 s5  }
0x204: {  	v48 =	vadd.s32 v17, v39;
	v45 =	vadd.s32 v37, v45;
	v51 =	vld [tilespmem:s25+$0x0];
	s25 =	smov.u32 s23;
	s23 =	smov.u32 s15  }
0x205: {  	v52 =	vadd.s32 v37, v43;
	v53 =	vor.u32 v0, v45;
	[tilespmem:v44+s13+$0x0] =	vst.idx.add.f32.msk $0xffff, v46  }
0x206: {  	v44 =	vor.u32 v0, v52;
	v43 =	vadd.s32 v14, v52;
	v46 =	vld [tilespmem:s12+$0x0]  }
0x207: {  	s5 =	sor.u32 $0xD800, s17;
	[tilespmem:v50+s13+$0x0] =	vst.idx.add.f32.msk $0xffff, v49  }
0x208: {  	s12 =	sor.u32 s19, s5;
	s5 =	sor.u32 s18, s5;
	v49 =	vadd.s32 v9, v41;
	v50 =	vld [tilespmem:s16+$0x0]  }
0x209: {  	v54 =	vld [tilespmem:s5+$0x0]  }
0x20a: {  	[tilespmem:v48+s13+$0x0] =	vst.idx.add.f32.msk $0xffff, v47;
	v47 =	vadd.s32 v18, v39;
	v39 =	vmov v41;
	v41 =	vmov v52  }
0x20b: {  	v52 =	vadd.s32 v10, v40;
	v48 =	vld [tilespmem:s11+$0x0]  }
0x20c: {  	v55 =	vadd.s32 v2, v41;
	[tilespmem:v53+s13+$0x0] =	vst.idx.add.f32.msk $0xffff, v46;
	v46 =	vadd.s32 v2, v45  }
0x20d: {  	[tilespmem:v49+s13+$0x0] =	vst.idx.add.f32.msk $0xffff, v50  }
0x20e: {  	s5 =	sor.u32 $0xA000, s7;
	v49 =	vld [tilespmem:s12+$0x0]  }
0x20f: {  	s11 =	sor.u32 s6, s5;
	s5 =	sor.u32 s8, s5;
	[tilespmem:v47+s13+$0x0] =	vst.idx.add.f32.msk $0xffff, v19  }
0x210: {  	s12 =	sor.u32 $0xE000, s17;
	[tilespmem:v44+s13+$0x0] =	vst.idx.add.f32.msk $0xffff, v48;
	v44 =	vadd.s32 v10, v39  }
0x211: {  	s14 =	sor.u32 s19, s12;
	s12 =	sor.u32 s18, s12;
	[tilespmem:v52+s13+$0x0] =	vst.idx.add.f32.msk $0xffff, v54  }
0x212: {  	v47 =	vadd.s32 v3, v41;
	v48 =	vadd.s32 v11, v40;
	v50 =	vld [tilespmem:s12+$0x0]  }
0x213: {  	v52 =	vld [tilespmem:s10+$0x0]  }
0x214: {  	v56 =	vadd.s32 v17, v38;
	v54 =	vadd.s32 v3, v45;
	v53 =	vld [tilespmem:s9+$0x0]  }
0x215: {  	[tilespmem:v44+s13+$0x0] =	vst.idx.add.f32.msk $0xffff, v49  }
0x216: {  	v49 =	vadd.s32 v18, v38;
	v38 =	vmov v40;
	v40 =	vmov v45;
	v44 =	vld [tilespmem:s14+$0x0]  }
0x217: {  	[tilespmem:v48+s13+$0x0] =	vst.idx.add.f32.msk $0xffff, v50  }
0x218: {  	[tilespmem:v46+s13+$0x0] =	vst.idx.add.f32.msk $0xffff, v52  }
0x219: {  	[tilespmem:v56+s13+$0x0] =	vst.idx.add.f32.msk $0xffff, v51  }
0x21a: {  	v46 =	vadd.s32 v4, v40;
	v45 =	vld [tilespmem:s5+$0x0]  }
0x21b: {  	v48 =	vadd.s32 v11, v39;
	[tilespmem:v55+s13+$0x0] =	vst.idx.add.f32.msk $0xffff, v53  }
0x21c: {  	s5 =	sor.u32 $0xE800, s17;
	[tilespmem:v49+s13+$0x0] =	vst.idx.add.f32.msk $0xffff, v19  }
0x21d: {  	s9 =	sor.u32 s19, s5;
	s5 =	sor.u32 s18, s5;
	v49 =	vld [tilespmem:s11+$0x0]  }
0x21e: {  	v50 =	vadd.s32 v4, v41;
	v51 =	vld [tilespmem:s5+$0x0]  }
0x21f: {  	[tilespmem:v54+s13+$0x0] =	vst.idx.add.f32.msk $0xffff, v45;
	v45 =	vadd.s32 v12, v38  }
0x220: {  	s5 =	sor.u32 $0xA800, s7;
	[tilespmem:v48+s13+$0x0] =	vst.idx.add.f32.msk $0xffff, v44  }
0x221: {  	s10 =	sor.u32 s6, s5;
	s5 =	sor.u32 s8, s5;
	v44 =	vld [tilespmem:s9+$0x0]  }
0x222: {  	v52 =	vadd.s32 v12, v39;
	v48 =	vld [tilespmem:s5+$0x0]  }
0x223: {  	s5 =	sor.u32 $0xF000, s17;
	[tilespmem:v47+s13+$0x0] =	vst.idx.add.f32.msk $0xffff, v49  }
0x224: {  	s9 =	sor.u32 s19, s5;
	s5 =	sor.u32 s18, s5;
	[tilespmem:v45+s13+$0x0] =	vst.idx.add.f32.msk $0xffff, v51  }
0x225: {  	v45 =	vld [tilespmem:s5+$0x0]  }
0x226: {  	v49 =	vadd.s32 v13, v38;
	v47 =	vld [tilespmem:s10+$0x0]  }
0x227: {  	[tilespmem:v52+s13+$0x0] =	vst.idx.add.f32.msk $0xffff, v44  }
0x228: {  	s5 =	sor.u32 $0xB000, s7;
	v44 =	vld [tilespmem:s9+$0x0]  }
0x229: {  	s10 =	sor.u32 s6, s5;
	s5 =	sor.u32 s8, s5;
	[tilespmem:v46+s13+$0x0] =	vst.idx.add.f32.msk $0xffff, v48  }
0x22a: {  	v46 =	vadd.s32 v5, v40;
	v48 =	vld [tilespmem:s5+$0x0];
	s5 =	sor.u32 $0xF800, s17  }
0x22b: {  	v51 =	vadd.s32 v13, v39;
	s9 =	sor.u32 s19, s5;
	[tilespmem:v49+s13+$0x0] =	vst.idx.add.f32.msk $0xffff, v45;
	s5 =	sor.u32 s18, s5  }
0x22c: {  	v45 =	vld [tilespmem:s5+$0x0]  }
0x22d: {  	[tilespmem:v50+s13+$0x0] =	vst.idx.add.f32.msk $0xffff, v47;
	v47 =	vadd.s32 v14, v38  }
0x22e: {  	v49 =	vld [tilespmem:s10+$0x0]  }
0x22f: {  	s5 =	sor.u32 $0xB800, s7;
	v50 =	vadd.s32 v5, v41;
	[tilespmem:v46+s13+$0x0] =	vst.idx.add.f32.msk $0xffff, v48  }
0x230: {  	s10 =	sor.u32 s6, s5;
	s5 =	sor.u32 s8, s5;
	[tilespmem:v51+s13+$0x0] =	vst.idx.add.f32.msk $0xffff, v44  }
0x231: {  	s11 =	sor.u32 $0x10000, s17;
	s17 =	smov.u32 s7;
	v44 =	vadd.s32 v6, v40;
	v46 =	vld [tilespmem:s5+$0x0]  }
0x232: {  	s7 =	sor.u32 s18, s11;
	s5 =	sor.u32 s19, s11;
	s19 =	smov.u32 s6;
	[tilespmem:v47+s13+$0x0] =	vst.idx.add.f32.msk $0xffff, v45  }
0x233: {  	s18 =	smov.u32 s8;
	v48 =	vadd.s32 v16, v38;
	v51 =	vld [tilespmem:s7+$0x0]  }
.Ltmp3:
0x234: {  	[tilespmem:v50+s13+$0x0] =	vst.idx.add.f32.msk $0xffff, v49;
	(pc) =	sbr.rel @p0 .LBB2_9-.Ltmp3, $4  }
0x235: {  	s6 =	sor.u32 $0xC000, s17;
	v47 =	vadd.s32 v6, v41;
	v45 =	vld [tilespmem:s10+$0x0]  }
0x236: {  	s8 =	sor.u32 s19, s6;
	s6 =	sor.u32 s18, s6;
	[tilespmem:v44+s13+$0x0] =	vst.idx.add.f32.msk $0xffff, v46  }
0x237: {  	v46 =	vadd.s32 v7, v40;
	v44 =	vld [tilespmem:s6+$0x0]  }
0x238: {  	s3 =	sadd.s32 $0x80, s3;
	s4 =	sadd.s32 $0x8, s4;
	[tilespmem:v48+s13+$0x0] =	vst.idx.add.f32.msk $0xffff, v51  }
0x239: {  	_ =	sdelay $0x3  }
0x23a: {  	[tilespmem:v47+s13+$0x0] =	vst.idx.add.f32.msk $0xffff, v45  }
0x23b: {  	v37 =	vadd.s32 v7, v41;
	v45 =	vld [tilespmem:s8+$0x0];
	_ =	sdelay $0x2  }
0x23c: {  	s0 =	sor.u32 s18, s2;
	[tilespmem:v46+s13+$0x0] =	vst.idx.add.f32.msk $0xffff, v44  }
0x23d: {  	v53 =	vadd.s32 v8, v40;
	v44 =	vld [tilespmem:s0+$0x0]  }
0x23e: {  	[tilespmem:v37+s13+$0x0] =	vst.idx.add.f32.msk $0xffff, v45  }
0x23f: {  	v52 =	vadd.s32 v8, v41;
	v37 =	vld [tilespmem:s1+$0x0];
	_ =	sdelay $0x1  }
0x240: {  	s7 =	sor.u32 $0xD000, s17  }
0x241: {  	s0 =	sor.u32 s18, s7;
	[tilespmem:v53+s13+$0x0] =	vst.idx.add.f32.msk $0xffff, v44  }
0x242: {  	v55 =	vadd.s32 v9, v40;
	v46 =	vld [tilespmem:s0+$0x0]  }
0x243: {  	s8 =	sor.u32 s19, s7;
	[tilespmem:v52+s13+$0x0] =	vst.idx.add.f32.msk $0xffff, v37  }
0x244: {  	v54 =	vadd.s32 v9, v41;
	v45 =	vld [tilespmem:s8+$0x0];
	_ =	sdelay $0x1  }
0x245: {  	s10 =	sor.u32 $0xD800, s17  }
0x246: {  	s0 =	sor.u32 s18, s10;
	[tilespmem:v55+s13+$0x0] =	vst.idx.add.f32.msk $0xffff, v46  }
0x247: {  	v57 =	vadd.s32 v10, v40;
	v44 =	vld [tilespmem:s0+$0x0]  }
0x248: {  	s11 =	sor.u32 s19, s10;
	[tilespmem:v54+s13+$0x0] =	vst.idx.add.f32.msk $0xffff, v45  }
0x249: {  	v56 =	vadd.s32 v10, v41;
	v37 =	vld [tilespmem:s11+$0x0];
	_ =	sdelay $0x1  }
0x24a: {  	s12 =	sor.u32 $0xE000, s17  }
0x24b: {  	s0 =	sor.u32 s18, s12;
	[tilespmem:v57+s13+$0x0] =	vst.idx.add.f32.msk $0xffff, v44  }
0x24c: {  	v59 =	vadd.s32 v11, v40;
	v46 =	vld [tilespmem:s0+$0x0]  }
0x24d: {  	s14 =	sor.u32 s19, s12;
	[tilespmem:v56+s13+$0x0] =	vst.idx.add.f32.msk $0xffff, v37  }
0x24e: {  	v58 =	vadd.s32 v11, v41;
	v37 =	vld [tilespmem:s14+$0x0];
	_ =	sdelay $0x1  }
0x24f: {  	v60 =	vld [tilespmem:s9+$0x0];
	s15 =	sor.u32 $0xE800, s17  }
0x250: {  	s0 =	sor.u32 s18, s15;
	[tilespmem:v59+s13+$0x0] =	vst.idx.add.f32.msk $0xffff, v46  }
0x251: {  	v62 =	vadd.s32 v12, v40;
	v44 =	vld [tilespmem:s0+$0x0]  }
0x252: {  	s16 =	sor.u32 s19, s15;
	[tilespmem:v58+s13+$0x0] =	vst.idx.add.f32.msk $0xffff, v37  }
0x253: {  	v61 =	vadd.s32 v12, v41;
	v37 =	vld [tilespmem:s16+$0x0]  }
0x254: {  	[tilespmem:v42+s13+$0x0] =	vst.idx.add.f32.msk $0xffff, v60  }
0x255: {  	s20 =	sor.u32 $0xF000, s17;
	v63 =	vadd.s32 v16, v39;
	v42 =	vld [tilespmem:s5+$0x0]  }
0x256: {  	s0 =	sor.u32 s18, s20;
	[tilespmem:v62+s13+$0x0] =	vst.idx.add.f32.msk $0xffff, v44  }
0x257: {  	v49 =	vadd.s32 v13, v40;
	v44 =	vld [tilespmem:s0+$0x0]  }
0x258: {  	s21 =	sor.u32 s19, s20;
	[tilespmem:v61+s13+$0x0] =	vst.idx.add.f32.msk $0xffff, v37  }
0x259: {  	v48 =	vadd.s32 v13, v41;
	v37 =	vld [tilespmem:s21+$0x0]  }
0x25a: {  	[tilespmem:v63+s13+$0x0] =	vst.idx.add.f32.msk $0xffff, v42  }
0x25b: {  	s28 =	sor.u32 $0xF800, s17;
	v52 =	vld [tilespmem:s24+$0x0]  }
0x25c: {  	v53 =	vadd.s32 v17, v39;
	s0 =	sor.u32 s18, s28;
	[tilespmem:v49+s13+$0x0] =	vst.idx.add.f32.msk $0xffff, v44  }
0x25d: {  	v51 =	vadd.s32 v14, v40;
	v50 =	vld [tilespmem:s0+$0x0]  }
0x25e: {  	s29 =	sor.u32 s19, s28;
	[tilespmem:v48+s13+$0x0] =	vst.idx.add.f32.msk $0xffff, v37  }
0x25f: {  	v37 =	vld [tilespmem:s29+$0x0];
	_ =	sdelay $0x1  }
0x260: {  	s30 =	sor.u32 $0x10000, s17;
	[tilespmem:v53+s13+$0x0] =	vst.idx.add.f32.msk $0xffff, v52  }
0x261: {  	v55 =	vadd.s32 v18, v39;
	s0 =	sor.u32 s18, s30;
	[tilespmem:v51+s13+$0x0] =	vst.idx.add.f32.msk $0xffff, v50  }
0x262: {  	v57 =	vadd.s32 v16, v40;
	v44 =	vld [tilespmem:s0+$0x0]  }
0x263: {  	s31 =	sor.u32 s19, s30;
	[tilespmem:v43+s13+$0x0] =	vst.idx.add.f32.msk $0xffff, v37  }
0x264: {  	v56 =	vadd.s32 v16, v41;
	v37 =	vld [tilespmem:s31+$0x0]  }
0x265: {  	v54 =	vld [tilespmem:s25+$0x0]  }
0x266: {  	[tilespmem:v55+s13+$0x0] =	vst.idx.add.f32.msk $0xffff, v19;
	v58 =	vadd.s32 v17, v38  }
0x267: {  	v59 =	vadd.s32 v18, v38;
	[tilespmem:v57+s13+$0x0] =	vst.idx.add.f32.msk $0xffff, v44  }
0x268: {  	v62 =	vadd.s32 v17, v40;
	v42 =	vld [tilespmem:s23+$0x0]  }
0x269: {  	v63 =	vadd.s32 v18, v40;
	[tilespmem:v56+s13+$0x0] =	vst.idx.add.f32.msk $0xffff, v37  }
0x26a: {  	s26 =	sadd.s32 $0x1, s26;
	v60 =	vadd.s32 v17, v41;
	v37 =	vld [tilespmem:s22+$0x0]  }
0x26b: {  	p0 =	sne.s32 s26, $0x8;
	[tilespmem:v58+s13+$0x0] =	vst.idx.add.f32.msk $0xffff, v54;
	v61 =	vadd.s32 v18, v41  }
.Ltmp4:
0x26c: {  	[tilespmem:v59+s13+$0x0] =	vst.idx.add.f32.msk $0xffff, v19;
	(pc) =	sbr.rel @p0 .LBB2_4-.Ltmp4, $4  }
0x26d: {  	[tilespmem:v62+s13+$0x0] =	vst.idx.add.f32.msk $0xffff, v42  }
0x26e: {  	[tilespmem:v63+s13+$0x0] =	vst.idx.add.f32.msk $0xffff, v19  }
0x26f: {  	[tilespmem:v60+s13+$0x0] =	vst.idx.add.f32.msk $0xffff, v37  }
0x270: {  	[tilespmem:v61+s13+$0x0] =	vst.idx.add.f32.msk $0xffff, v19  }
0x271: {  	s0 =	simm.s32 $0x100  }
0x272: {  	v39 =	vor.u32 s0, v21;
	_ =	sdelay $0x2  }
0x273: {  	s1 =	simm.s32 $0x0;
	v37 =	vor.u32 s0, v15  }
0x274: {  	v38 =	vor.u32 s1, v15;
	v37 =	vand.u32 v36, v37  }
0x275: {  	v38 =	vand.u32 v20, v38;
	v1 =	vld.idx.msk [tilespmem:v39+s13+$0x0], $0xffff  }
0x276: {  	v41 =	vor.u32 s0, v22;
	_ =	sdelay $0x2  }
0x277: {  	v37 =	vld.idx.msk [tilespmem:v37+s13+$0x0], $0xffff  }
0x278: {  	v38 =	vld.idx.msk [tilespmem:v38+s13+$0x0], $0xffff;
	[tilespmem:$0x1FF50] =	vst v1  }
0x279: {  	v40 =	vor.u32 s1, v21;
	v1 =	vld.idx.msk [tilespmem:v41+s13+$0x0], $0xffff  }
0x27a: {  	v42 =	vor.u32 s1, v22;
	_ =	sdelay $0x3  }
0x27b: {  	v39 =	vld.idx.msk [tilespmem:v40+s13+$0x0], $0xffff;
	[tilespmem:$0x1FF60] =	vst v1  }
0x27c: {  	v1 =	vld.idx.msk [tilespmem:v42+s13+$0x0], $0xffff  }
0x27d: {  	v43 =	vor.u32 s0, v23;
	_ =	sdelay $0x3  }
0x27e: {  	[tilespmem:$0x1FF70] =	vst v1  }
0x27f: {  	v1 =	vld.idx.msk [tilespmem:v43+s13+$0x0], $0xffff  }
0x280: {  	v44 =	vor.u32 s1, v23;
	_ =	sdelay $0x3  }
0x281: {  	[tilespmem:$0x1FF80] =	vst v1  }
0x282: {  	v1 =	vld.idx.msk [tilespmem:v44+s13+$0x0], $0xffff  }
0x283: {  	v45 =	vor.u32 s0, v24;
	_ =	sdelay $0x3  }
0x284: {  	[tilespmem:$0x1FF90] =	vst v1  }
0x285: {  	v1 =	vld.idx.msk [tilespmem:v45+s13+$0x0], $0xffff  }
0x286: {  	v46 =	vor.u32 s1, v24;
	_ =	sdelay $0x3  }
0x287: {  	[tilespmem:$0x1FFA0] =	vst v1  }
0x288: {  	v1 =	vld.idx.msk [tilespmem:v46+s13+$0x0], $0xffff  }
0x289: {  	v47 =	vor.u32 s0, v25  }
0x28a: {  	v48 =	vor.u32 s1, v25  }
0x28b: {  	v49 =	vor.u32 s0, v26  }
0x28c: {  	v50 =	vor.u32 s1, v26  }
0x28d: {  	v51 =	vor.u32 s0, v27;
	[tilespmem:$0x1FFB0] =	vst v1  }
0x28e: {  	v52 =	vor.u32 s1, v27;
	v47 =	vld.idx.msk [tilespmem:v47+s13+$0x0], $0xffff  }
0x28f: {  	v53 =	vor.u32 s0, v28;
	v48 =	vld.idx.msk [tilespmem:v48+s13+$0x0], $0xffff  }
0x290: {  	v59 =	vor.u32 s0, v31;
	v49 =	vld.idx.msk [tilespmem:v49+s13+$0x0], $0xffff  }
0x291: {  	v54 =	vor.u32 s1, v28;
	v50 =	vld.idx.msk [tilespmem:v50+s13+$0x0], $0xffff  }
0x292: {  	v55 =	vor.u32 s0, v29;
	v51 =	vld.idx.msk [tilespmem:v51+s13+$0x0], $0xffff  }
0x293: {  	v56 =	vor.u32 s1, v29;
	v52 =	vld.idx.msk [tilespmem:v52+s13+$0x0], $0xffff  }
0x294: {  	v57 =	vor.u32 s0, v30;
	v53 =	vld.idx.msk [tilespmem:v53+s13+$0x0], $0xffff  }
0x295: {  	v58 =	vor.u32 s1, v30;
	v1 =	vld.idx.msk [tilespmem:v59+s13+$0x0], $0xffff  }
0x296: {  	v61 =	vor.u32 s0, v32;
	v54 =	vld.idx.msk [tilespmem:v54+s13+$0x0], $0xffff  }
0x297: {  	v55 =	vld.idx.msk [tilespmem:v55+s13+$0x0], $0xffff  }
0x298: {  	v56 =	vld.idx.msk [tilespmem:v56+s13+$0x0], $0xffff  }
0x299: {  	v57 =	vld.idx.msk [tilespmem:v57+s13+$0x0], $0xffff  }
0x29a: {  	v60 =	vor.u32 s1, v31;
	v58 =	vld.idx.msk [tilespmem:v58+s13+$0x0], $0xffff;
	[tilespmem:$0x1FFC0] =	vst v1  }
0x29b: {  	v1 =	vld.idx.msk [tilespmem:v61+s13+$0x0], $0xffff;
	_ =	sdelay $0x3  }
0x29c: {  	v60 =	vld.idx.msk [tilespmem:v60+s13+$0x0], $0xffff  }
0x29d: {  	[tilespmem:$0x1FFD0] =	vst v1;
	v1 =	vld [tilespmem:$0x1FF50];
	_ =	sdelay $0x2  }
0x29e: {  	v37 =	vadd.f32 $0.0e+00, v37;
	_ =	sdelay $0x1  }
0x29f: {  	v40 =	vadd.f32 v1, v37;
	v1 =	vld [tilespmem:$0x1FF60];
	_ =	sdelay $0x4  }
0x2a0: {  	v45 =	vor.u32 s0, v34;
	v40 =	vadd.f32 v1, v40;
	v1 =	vld [tilespmem:$0x1FF70]  }
0x2a1: {  	v38 =	vadd.f32 $0.0e+00, v38  }
0x2a2: {  	v62 =	vor.u32 s1, v32  }
0x2a3: {  	v63 =	vor.u32 s0, v33;
	v39 =	vadd.f32 v39, v38  }
0x2a4: {  	v42 =	vor.u32 s1, v33  }
0x2a5: {  	v39 =	vadd.f32 v1, v39;
	v1 =	vld.idx.msk [tilespmem:v45+s13+$0x0], $0xffff  }
0x2a6: {  	v46 =	vor.u32 s0, v35;
	s0 =	simm.s32 $0x200  }
0x2a7: {  	s2 =	simm.s32 $0x300;
	v61 =	vor.u32 s0, v15;
	v62 =	vld.idx.msk [tilespmem:v62+s13+$0x0], $0xffff  }
0x2a8: {  	v59 =	vor.u32 s2, v15;
	v38 =	vand.u32 v20, v61;
	v63 =	vld.idx.msk [tilespmem:v63+s13+$0x0], $0xffff  }
0x2a9: {  	v43 =	vand.u32 v36, v59;
	v59 =	vld.idx.msk [tilespmem:v42+s13+$0x0], $0xffff;
	v37 =	vor.u32 s0, v21  }
0x2aa: {  	[tilespmem:$0x1FFE0] =	vst v1;
	v1 =	vld [tilespmem:$0x1FF80];
	_ =	sdelay $0x1  }
0x2ab: {  	v36 =	vld [tilespmem:$0x1FFA0]  }
0x2ac: {  	v38 =	vld.idx.msk [tilespmem:v38+s13+$0x0], $0xffff  }
0x2ad: {  	v44 =	vor.u32 s1, v34;
	v37 =	vld.idx.msk [tilespmem:v37+s13+$0x0], $0xffff  }
0x2ae: {  	v42 =	vor.u32 s2, v21;
	v40 =	vadd.f32 v1, v40;
	v1 =	vld [tilespmem:$0x1FF90];
	_ =	sdelay $0x1  }
0x2af: {  	v41 =	vor.u32 s1, v35;
	v45 =	vld [tilespmem:$0x1FFB0]  }
0x2b0: {  	v38 =	vadd.f32 $0.0e+00, v38  }
0x2b1: {  	v61 =	vld.idx.msk [tilespmem:v44+s13+$0x0], $0xffff;
	v44 =	vor.u32 s2, v22;
	v40 =	vadd.f32 v36, v40  }
0x2b2: {  	v42 =	vld.idx.msk [tilespmem:v42+s13+$0x0], $0xffff;
	v37 =	vadd.f32 v37, v38;
	v38 =	vor.u32 s2, v27;
	v39 =	vadd.f32 v1, v39  }
0x2b3: {  	v40 =	vadd.f32 v47, v40;
	v47 =	vor.u32 s0, v23;
	v1 =	vld.idx.msk [tilespmem:v46+s13+$0x0], $0xffff  }
0x2b4: {  	v46 =	vld.idx.msk [tilespmem:v41+s13+$0x0], $0xffff;
	v41 =	vor.u32 s0, v22;
	v39 =	vadd.f32 v45, v39  }
0x2b5: {  	v40 =	vadd.f32 v49, v40;
	v45 =	vld.idx.msk [tilespmem:v43+s13+$0x0], $0xffff;
	v43 =	vor.u32 s2, v23  }
0x2b6: {  	v44 =	vld.idx.msk [tilespmem:v44+s13+$0x0], $0xffff;
	v39 =	vadd.f32 v48, v39;
	v48 =	vor.u32 s2, v24  }
0x2b7: {  	v49 =	vor.u32 s0, v24;
	v40 =	vadd.f32 v51, v40;
	v38 =	vld.idx.msk [tilespmem:v38+s13+$0x0], $0xffff  }
0x2b8: {  	v47 =	vld.idx.msk [tilespmem:v47+s13+$0x0], $0xffff;
	v39 =	vadd.f32 v50, v39  }
0x2b9: {  	v51 =	vor.u32 s0, v25;
	v41 =	vld.idx.msk [tilespmem:v41+s13+$0x0], $0xffff;
	v40 =	vadd.f32 v53, v40  }
0x2ba: {  	v50 =	vor.u32 s2, v25;
	v43 =	vld.idx.msk [tilespmem:v43+s13+$0x0], $0xffff;
	v45 =	vadd.f32 $0.0e+00, v45;
	v39 =	vadd.f32 v52, v39  }
0x2bb: {  	v40 =	vadd.f32 v55, v40;
	v52 =	vor.u32 s2, v26;
	v48 =	vld.idx.msk [tilespmem:v48+s13+$0x0], $0xffff  }
0x2bc: {  	v53 =	vor.u32 s0, v26;
	v42 =	vadd.f32 v42, v45;
	v45 =	vld.idx.msk [tilespmem:v49+s13+$0x0], $0xffff;
	v39 =	vadd.f32 v54, v39  }
0x2bd: {  	v40 =	vadd.f32 v57, v40;
	v57 =	vld [tilespmem:$0x1FFC0]  }
0x2be: {  	v49 =	vor.u32 s0, v27;
	v37 =	vadd.f32 v41, v37;
	v41 =	vld.idx.msk [tilespmem:v51+s13+$0x0], $0xffff;
	v39 =	vadd.f32 v56, v39  }
0x2bf: {  	v54 =	vor.u32 s2, v28;
	v50 =	vld.idx.msk [tilespmem:v50+s13+$0x0], $0xffff;
	v42 =	vadd.f32 v44, v42  }
0x2c0: {  	v44 =	vor.u32 s0, v28;
	v51 =	vld.idx.msk [tilespmem:v52+s13+$0x0], $0xffff;
	v39 =	vadd.f32 v58, v39  }
0x2c1: {  	v37 =	vadd.f32 v47, v37;
	v42 =	vadd.f32 v43, v42;
	v43 =	vld.idx.msk [tilespmem:v53+s13+$0x0], $0xffff  }
0x2c2: {  	v52 =	vor.u32 s2, v29;
	v58 =	vld [tilespmem:$0x1FFD0];
	v39 =	vadd.f32 v60, v39  }
0x2c3: {  	v53 =	vor.u32 s2, v30;
	v37 =	vadd.f32 v45, v37;
	v45 =	vld.idx.msk [tilespmem:v49+s13+$0x0], $0xffff;
	v42 =	vadd.f32 v48, v42  }
0x2c4: {  	v47 =	vor.u32 s0, v29;
	v49 =	vld.idx.msk [tilespmem:v54+s13+$0x0], $0xffff;
	v39 =	vadd.f32 v62, v39  }
0x2c5: {  	v55 =	vor.u32 s0, v31;
	v40 =	vadd.f32 v57, v40;
	v42 =	vadd.f32 v50, v42;
	v50 =	vld.idx.msk [tilespmem:v44+s13+$0x0], $0xffff  }
0x2c6: {  	v60 =	vor.u32 s0, v30;
	v37 =	vadd.f32 v41, v37;
	v39 =	vadd.f32 v59, v39;
	v59 =	vld [tilespmem:$0x1FFE0]  }
0x2c7: {  	v56 =	vor.u32 s2, v32;
	v52 =	vld.idx.msk [tilespmem:v52+s13+$0x0], $0xffff;
	v40 =	vadd.f32 v58, v40  }
0x2c8: {  	v62 =	vor.u32 s2, v31;
	v37 =	vadd.f32 v43, v37;
	v41 =	vld.idx.msk [tilespmem:v53+s13+$0x0], $0xffff  }
0x2c9: {  	v57 =	vor.u32 s0, v32;
	v42 =	vadd.f32 v51, v42;
	v51 =	vld.idx.msk [tilespmem:v47+s13+$0x0], $0xffff;
	v40 =	vadd.f32 v63, v40  }
0x2ca: {  	v37 =	vadd.f32 v45, v37;
	v45 =	vld.idx.msk [tilespmem:v55+s13+$0x0], $0xffff;
	v39 =	vadd.f32 v61, v39  }
0x2cb: {  	v38 =	vadd.f32 v38, v42;
	v44 =	vld.idx.msk [tilespmem:v60+s13+$0x0], $0xffff;
	v40 =	vadd.f32 v59, v40  }
0x2cc: {  	v42 =	vld.idx.msk [tilespmem:v56+s13+$0x0], $0xffff;
	v63 =	vadd.f32 v50, v37;
	v60 =	vadd.f32 v46, v39  }
0x2cd: {  	s1 =	simm.s32 $0x13210;
	v39 =	vor.u32 s2, v33;
	v61 =	vadd.f32 v1, v40;
	v40 =	vld.idx.msk [tilespmem:v62+s13+$0x0], $0xffff;
	v62 =	vadd.f32 v49, v38  }
0x2ce: {  	v48 =	vor.u32 s0, v33;
	v47 =	vor.u32 s0, v34;
	v37 =	vor.u32 s2, v35;
	v46 =	vld.idx.msk [tilespmem:v57+s13+$0x0], $0xffff;
	[tilespmem:s1+$0xFFFFFFF0] =	vst v60  }
0x2cf: {  	s3 =	simm.s32 $0x500;
	v38 =	vor.u32 s2, v34;
	s2 =	simm.s32 $0x2;
	v49 =	vadd.f32 v51, v63;
	v1 =	vmovc v20;
	[tilespmem:s1+$0x0] =	vst v61;
	v43 =	vadd.f32 v52, v62  }
.LBB2_12:
0x2d0: {  	v20 =	vld [tilespmem:$0x1FFF0]  }
0x2d1: {  	v51 =	vor.u32 s3, v21;
	v52 =	vor.u32 s0, v35;
	s0 =	sadd.s32 $0xFFFFFF00, s3  }
0x2d2: {  	v53 =	vld.idx.msk [tilespmem:v39+s13+$0x0], $0xffff;
	v63 =	vor.u32 s0, v15  }
0x2d3: {  	v48 =	vld.idx.msk [tilespmem:v48+s13+$0x0], $0xffff;
	v39 =	vand.u32 v1, v63  }
0x2d4: {  	v50 =	vor.u32 s3, v15;
	v55 =	vld.idx.msk [tilespmem:v38+s13+$0x0], $0xffff  }
0x2d5: {  	v59 =	vld.idx.msk [tilespmem:v37+s13+$0x0], $0xffff;
	v44 =	vadd.f32 v44, v49;
	v50 =	vand.u32 v20, v50  }
0x2d6: {  	v41 =	vadd.f32 v41, v43;
	v43 =	vor.u32 s0, v23;
	v51 =	vld.idx.msk [tilespmem:v51+s13+$0x0], $0xffff  }
0x2d7: {  	v38 =	vadd.f32 v45, v44;
	v44 =	vld.idx.msk [tilespmem:v47+s13+$0x0], $0xffff;
	v45 =	vor.u32 s0, v21  }
0x2d8: {  	v49 =	vor.u32 s3, v22;
	v40 =	vadd.f32 v40, v41;
	v20 =	vld.idx.msk [tilespmem:v39+s13+$0x0], $0xffff  }
0x2d9: {  	v37 =	vadd.f32 v46, v38;
	v46 =	vld.idx.msk [tilespmem:v52+s13+$0x0], $0xffff;
	v52 =	vor.u32 s0, v22  }
0x2da: {  	v47 =	vor.u32 s3, v26;
	v40 =	vadd.f32 v42, v40;
	v50 =	vld.idx.msk [tilespmem:v50+s13+$0x0], $0xffff  }
0x2db: {  	v54 =	vor.u32 s3, v23;
	v43 =	vld.idx.msk [tilespmem:v43+s13+$0x0], $0xffff;
	v48 =	vadd.f32 v48, v37  }
0x2dc: {  	v56 =	vor.u32 s3, v24;
	v40 =	vadd.f32 v53, v40;
	v45 =	vld.idx.msk [tilespmem:v45+s13+$0x0], $0xffff  }
0x2dd: {  	v41 =	vor.u32 s0, v24;
	v44 =	vadd.f32 v44, v48;
	v48 =	vld.idx.msk [tilespmem:v49+s13+$0x0], $0xffff  }
0x2de: {  	v57 =	vor.u32 s3, v25;
	v40 =	vadd.f32 v55, v40;
	v20 =	vadd.f32 $0.0e+00, v20;
	v49 =	vld.idx.msk [tilespmem:v52+s13+$0x0], $0xffff  }
0x2df: {  	v42 =	vor.u32 s0, v25;
	v47 =	vld.idx.msk [tilespmem:v47+s13+$0x0], $0xffff;
	v44 =	vadd.f32 v46, v44;
	v52 =	vadd.f32 $0.0e+00, v50  }
0x2e0: {  	s1 =	sadd.s32 $0x20, s1;
	v40 =	vadd.f32 v59, v40;
	v59 =	vor.u32 s0, v29;
	v50 =	vld.idx.msk [tilespmem:v54+s13+$0x0], $0xffff  }
0x2e1: {  	[tilespmem:s1+$0xFFFFFFF0] =	vst v44;
	v44 =	vor.u32 s0, v26;
	v20 =	vadd.f32 v45, v20;
	v46 =	vadd.f32 v51, v52;
	v51 =	vld.idx.msk [tilespmem:v56+s13+$0x0], $0xffff  }
0x2e2: {  	v54 =	vor.u32 s0, v27;
	v41 =	vld.idx.msk [tilespmem:v41+s13+$0x0], $0xffff  }
0x2e3: {  	v58 =	vor.u32 s3, v27;
	v56 =	vld.idx.msk [tilespmem:v57+s13+$0x0], $0xffff;
	v20 =	vadd.f32 v49, v20;
	v46 =	vadd.f32 v48, v46  }
0x2e4: {  	v60 =	vor.u32 s3, v28;
	v42 =	vld.idx.msk [tilespmem:v42+s13+$0x0], $0xffff  }
0x2e5: {  	v57 =	vor.u32 s0, v28;
	v59 =	vld.idx.msk [tilespmem:v59+s13+$0x0], $0xffff;
	v20 =	vadd.f32 v43, v20;
	v46 =	vadd.f32 v50, v46  }
0x2e6: {  	v63 =	vor.u32 s3, v31;
	v43 =	vld.idx.msk [tilespmem:v44+s13+$0x0], $0xffff  }
0x2e7: {  	v61 =	vor.u32 s3, v29;
	[tilespmem:s1+$0x0] =	vst v40;
	v45 =	vld.idx.msk [tilespmem:v54+s13+$0x0], $0xffff;
	v20 =	vadd.f32 v41, v20;
	v55 =	vadd.f32 v51, v46  }
0x2e8: {  	v50 =	vor.u32 s0, v30;
	v46 =	vld.idx.msk [tilespmem:v58+s13+$0x0], $0xffff  }
0x2e9: {  	v62 =	vor.u32 s3, v30;
	v51 =	vld.idx.msk [tilespmem:v60+s13+$0x0], $0xffff;
	v20 =	vadd.f32 v42, v20;
	v56 =	vadd.f32 v56, v55  }
0x2ea: {  	v42 =	vld.idx.msk [tilespmem:v57+s13+$0x0], $0xffff;
	v57 =	vor.u32 s0, v31  }
0x2eb: {  	s2 =	sadd.s32 $0x2, s2;
	v40 =	vld.idx.msk [tilespmem:v63+s13+$0x0], $0xffff;
	v60 =	vor.u32 s0, v32;
	v20 =	vadd.f32 v43, v20;
	v41 =	vadd.f32 v47, v56  }
0x2ec: {  	v36 =	vor.u32 s3, v32;
	p0 =	slt.u32 s2, $0x20;
	v58 =	vld.idx.msk [tilespmem:v61+s13+$0x0], $0xffff  }
.Ltmp5:
0x2ed: {  	v44 =	vld.idx.msk [tilespmem:v50+s13+$0x0], $0xffff;
	v20 =	vadd.f32 v45, v20;
	v61 =	vadd.f32 v46, v41;
	(pc) =	sbr.rel @p0 .LBB2_12-.Ltmp5, $4  }
0x2ee: {  	v41 =	vld.idx.msk [tilespmem:v62+s13+$0x0], $0xffff  }
0x2ef: {  	v39 =	vor.u32 s3, v33;
	v45 =	vld.idx.msk [tilespmem:v57+s13+$0x0], $0xffff;
	v20 =	vadd.f32 v42, v20;
	v62 =	vadd.f32 v51, v61  }
0x2f0: {  	v38 =	vor.u32 s3, v34;
	v37 =	vor.u32 s3, v35;
	v48 =	vor.u32 s0, v33;
	v46 =	vld.idx.msk [tilespmem:v60+s13+$0x0], $0xffff  }
0x2f1: {  	s3 =	sadd.s32 $0x200, s3;
	v47 =	vor.u32 s0, v34;
	v42 =	vld.idx.msk [tilespmem:v36+s13+$0x0], $0xffff;
	v49 =	vadd.f32 v59, v20;
	v43 =	vadd.f32 v58, v62  }
0x2f2: {  	_ =	sdelay $0x2  }
0x2f3: {  	v20 =	vor.u32 s0, v35;
	v36 =	vadd.f32 v44, v49  }
0x2f4: {  	v61 =	vld.idx.msk [tilespmem:v48+s13+$0x0], $0xffff;
	v41 =	vadd.f32 v41, v43  }
0x2f5: {  	v39 =	vld.idx.msk [tilespmem:v39+s13+$0x0], $0xffff;
	v36 =	vadd.f32 v45, v36  }
0x2f6: {  	v62 =	vld.idx.msk [tilespmem:v47+s13+$0x0], $0xffff;
	v40 =	vadd.f32 v40, v41  }
0x2f7: {  	v38 =	vld.idx.msk [tilespmem:v38+s13+$0x0], $0xffff;
	v36 =	vadd.f32 v46, v36  }
0x2f8: {  	v20 =	vld.idx.msk [tilespmem:v20+s13+$0x0], $0xffff;
	v40 =	vadd.f32 v42, v40  }
0x2f9: {  	v37 =	vld.idx.msk [tilespmem:v37+s13+$0x0], $0xffff;
	v36 =	vadd.f32 v61, v36  }
0x2fa: {  	v39 =	vadd.f32 v39, v40  }
0x2fb: {  	v36 =	vadd.f32 v62, v36  }
0x2fc: {  	v38 =	vadd.f32 v38, v39  }
0x2fd: {  	v20 =	vadd.f32 v20, v36  }
0x2fe: {  	s26 =	sadd.s32 $0x20, s1;
	v63 =	vadd.f32 v37, v38  }
0x2ff: {  	[tilespmem:s26+$0xFFFFFFF0] =	vst v20  }
0x300: {  	s28 =	simm.s32 $0x400;
	s2 =	simm.s32 $0x80;
	[tilespmem:s26+$0x0] =	vst v63  }
0x301: {  	s3 =	simm.s32 $0x13200;
	s29 =	simm.s32 $0x3;
	s0 =	rddreg [dreg:$0x1c]  }
0x302: {  	[hbm4b:s0+s2] =	stream.strided.scatter [tilespmem:s3], [sflag:$0x3], $0x280, s28, s2, $0x38;
	[tilespmem:$0x13480] =	vst v63  }
0x303: {  	_ =	swait.ge [sflag:s29], $0x280  }
0x304: {  	s30 =	sld [smem:$0x7F0];
	_ =	sdelay $0x2  }
0x305: {  	s31 =	rddreg [dreg:$0x1d];
	s2 =	sadd.s32 $0x1, s30  }
0x306: {  	p0 =	sne.s32 s2, s31  }
.Ltmp6:
0x307: {  	_ = 	snop;
	(pc) =	sbr.rel @p0 .LBB2_1-.Ltmp6, $3  }
0x308: {  	_ =	sdelay $0x1  }
0x309: {  	[sflag:s29] =	ssyncset.done $0x0  }
0x30a: {  	v20 =	vmov v1;
	v1 =	vimm.f32 $0.0e+00;
	v36 =	vld [tilespmem:$0x1FFF0];
	[sflag:s29] =	ssyncadd.s32 $0xFFFFFD80  }
0x30b: {  	_ =	sfence.sel $0x180000  }
0x30c: {  	[bflag:$0x0] =	sbarrier.arrive $0xFFFF  }
0x30d: {  	_ =	strace $0x90000047  }
0x30e: {  	s0 =	stileid.u32;
	[bflag:$0x2] =	sbarrier.arrive $0xFFFF  }
0x30f: {  	p0 =	sne.s32 s0, $0x0;
	s0 =	rddreg [dreg:$0x3]  }
0x310: {  	s0 =	sadd.s32 @!p0 $0x100000, s0  }
0x311: {  	[sflag:s0] =	ssyncadd.tile.s32 @!p0 $0x1;
	_ =	shalt  }
.Lfunc_end2:
_tile_overlayer_lowered:
.L_overlay_start_2:
0x312: {  	(tag) =	ssettag $0x2  }
0x313: {  	s0 =	rddreg [dreg:$0x0];
	s2 =	stileid.u32  }
0x314: {  	s1 =	rddreg [dreg:$0x1];
	p0 =	sne.s32 s2, $0x0  }
0x315: {  	s3 =	rddreg [dreg:$0x2];
	[bflag:$0x3] =	sbarrier.arrive $0xFFFF;
	s2 =	simm.s32 @!p0 $0x1C03  }
0x316: {  	[timem:s3], [sflag:s2] =	dma.local @!p0 [hbm:s0], s1  }
0x317: {  	s0 =	simm.s32 @!p0 $0x3  }
0x318: {  	_ =	swait.ge @!p0 [sflag:s0], s1  }
0x319: {  	s1 =	ssub.s32 @!p0 $0x0, s1;
	[sflag:s0] =	ssyncset.done @!p0 $0x0  }
0x31a: {  	[sflag:s0] =	ssyncadd.s32 @!p0 s1  }
0x31b: {  	[bflag:$0x3] =	sbarrier.arrive $0xFFFF  }
0x31c: {  	_ =	shalt  }

</sc_bundles>
